<compile_context>
chip_gen: v7x
topology: tpu7x:2x2x1
jax: 0.10.2.dev20260603
libtpu: 0.0.44.dev20260713+nightly
codegen_flags: <defaults>
</compile_context>

<pallas_src>
import functools

import jax
import jax.numpy as jnp
from jax import lax
from jax.experimental import pallas as pl
from jax.experimental.pallas import tpu as pltpu
from jax.experimental.pallas import tpu_sc as plsc

E = 8
IN = 2048
MID = 8192
OUT = 2048
S = 4096
C = S // E
BS = 512
NB = S // BS
TRASH = 512
BM = 1024
NM = MID // BM

NC, NS = 2, 16
NW = NC * NS
RPW = S // NW
CH = 16
NCH = RPW // CH


def _gate_body(x_ref, wg_ref, slot_ref, w16_ref, laux_ref,
               cnt_ref, me_ref, ce_ref):
    i = pl.program_id(0)

    @pl.when(i == 0)
    def _init():
        cnt_ref[...] = jnp.zeros_like(cnt_ref)
        me_ref[...] = jnp.zeros_like(me_ref)
        ce_ref[...] = jnp.zeros_like(ce_ref)

    x = x_ref[...]
    logits = jnp.dot(x, wg_ref[...],
                     preferred_element_type=jnp.float32)
    lmax = jnp.max(logits, axis=1, keepdims=True)
    p = jnp.exp(logits - lmax)
    gates = p / jnp.sum(p, axis=1, keepdims=True)

    iota_e = lax.broadcasted_iota(jnp.int32, gates.shape, 1)
    gmax = jnp.max(gates, axis=1, keepdims=True)
    eidx = jnp.min(jnp.where(gates == gmax, iota_e, E), axis=1, keepdims=True)
    mask = (iota_e == eidx).astype(jnp.float32)

    me_ref[...] += jnp.sum(gates, axis=0, keepdims=True)
    ce_ref[...] += jnp.sum(mask, axis=0, keepdims=True)

    r = lax.broadcasted_iota(jnp.int32, (BS, BS), 0)
    c = lax.broadcasted_iota(jnp.int32, (BS, BS), 1)
    tri = (r >= c).astype(jnp.float32)
    incl = lax.dot(tri, mask, precision=lax.Precision.HIGHEST) + cnt_ref[...]
    cnt_ref[...] += jnp.sum(mask, axis=0, keepdims=True)
    loc = incl - 1.0

    maskk = mask * (loc < C).astype(jnp.float32)
    pos = jnp.sum(loc * maskk, axis=1, keepdims=True)
    g_s = jnp.sum(gates * maskk, axis=1, keepdims=True)
    kept = jnp.sum(maskk, axis=1, keepdims=True) > 0.0

    dflat = eidx * C + pos.astype(jnp.int32)
    slot_ref[...] = jnp.where(kept, dflat, S)
    w16_ref[...] = jnp.where(kept, g_s, 0.0) * jnp.ones((1, 128), jnp.float32)

    @pl.when(i == NB - 1)
    def _fin():
        me = me_ref[...] / float(S)
        ce = ce_ref[...] / float(S)
        laux_ref[...] = jnp.sum(me * ce, axis=1, keepdims=True) * float(E)


def _gate(feats, wg):
    return pl.pallas_call(
        _gate_body,
        grid=(NB,),
        in_specs=[
            pl.BlockSpec((BS, IN), lambda i: (i, 0)),
            pl.BlockSpec((IN, E), lambda i: (0, 0)),
        ],
        out_specs=[
            pl.BlockSpec((BS, 1), lambda i: (i, 0)),
            pl.BlockSpec((BS, 128), lambda i: (i, 0)),
            pl.BlockSpec((1, 1), lambda i: (0, 0)),
        ],
        out_shape=[
            jax.ShapeDtypeStruct((S, 1), jnp.int32),
            jax.ShapeDtypeStruct((S, 128), jnp.float32),
            jax.ShapeDtypeStruct((1, 1), jnp.float32),
        ],
        scratch_shapes=[
            pltpu.VMEM((1, E), jnp.float32),
            pltpu.VMEM((1, E), jnp.float32),
            pltpu.VMEM((1, E), jnp.float32),
        ],
    )(feats, wg)


@functools.cache
def _sc_kernels():
    mesh = plsc.VectorSubcoreMesh(core_axis_name="c", subcore_axis_name="s")

    @functools.partial(
        pl.kernel,
        mesh=mesh,
        out_type=[
            jax.ShapeDtypeStruct((S + TRASH, IN), jnp.float32),
            jax.ShapeDtypeStruct((S + TRASH, 128), jnp.float32),
        ],
        scratch_types=[
            pltpu.VMEM((NCH, CH), jnp.int32),
            pltpu.VMEM((CH, IN), jnp.float32),
            pltpu.VMEM((CH, IN), jnp.float32),
            pltpu.VMEM((RPW, 128), jnp.float32),
            pltpu.SemaphoreType.DMA,
            pltpu.SemaphoreType.DMA,
            pltpu.SemaphoreType.DMA,
            pltpu.SemaphoreType.DMA,
            pltpu.SemaphoreType.DMA,
        ],
    )
    def dispatch_sc(feat_hbm, w16_hbm, idx_hbm, out_hbm, wdest_hbm,
                    idx_v, b0, b1, w_v, sl0, sl1, ss0, ss1, sw):
        wid = lax.axis_index("s") * NC + lax.axis_index("c")
        base = wid * RPW
        bufs, sls, sss = (b0, b1), (sl0, sl1), (ss0, ss1)
        pltpu.sync_copy(idx_hbm.at[wid], idx_v)
        pltpu.sync_copy(w16_hbm.at[pl.ds(base, RPW)], w_v)
        wst = [None] * NCH
        loads = [None] * NCH
        stores = [None] * NCH
        loads[0] = pltpu.async_copy(feat_hbm.at[pl.ds(base, CH)], bufs[0], sls[0])
        for j in range(NCH):
            k = j % 2
            loads[j].wait()
            if j + 1 < NCH:
                if j >= 1:
                    stores[j - 1].wait()
                loads[j + 1] = pltpu.async_copy(
                    feat_hbm.at[pl.ds(base + (j + 1) * CH, CH)],
                    bufs[(j + 1) % 2], sls[(j + 1) % 2])
            stores[j] = pltpu.async_copy(bufs[k], out_hbm.at[idx_v.at[j]], sss[k])
            wst[j] = pltpu.async_copy(
                w_v.at[pl.ds(j * CH, CH)], wdest_hbm.at[idx_v.at[j]], sw)
        stores[NCH - 2].wait()
        stores[NCH - 1].wait()
        for j in range(NCH):
            wst[j].wait()

    @functools.partial(
        pl.kernel,
        mesh=mesh,
        out_type=jax.ShapeDtypeStruct((S, OUT), jnp.float32),
        scratch_types=[
            pltpu.VMEM((NCH, CH), jnp.int32),
            pltpu.VMEM((CH, OUT), jnp.float32),
            pltpu.VMEM((CH, OUT), jnp.float32),
            pltpu.SemaphoreType.DMA,
            pltpu.SemaphoreType.DMA,
            pltpu.SemaphoreType.DMA,
            pltpu.SemaphoreType.DMA,
        ],
    )
    def combine_sc(eo_hbm, idx_hbm, out_hbm, idx_v, b0, b1, sl0, sl1,
                   ss0, ss1):
        wid = lax.axis_index("s") * NC + lax.axis_index("c")
        base = wid * RPW
        bufs, sls, sss = (b0, b1), (sl0, sl1), (ss0, ss1)
        pltpu.sync_copy(idx_hbm.at[wid], idx_v)
        loads = [None] * NCH
        stores = [None] * NCH
        loads[0] = pltpu.async_copy(eo_hbm.at[idx_v.at[0]], bufs[0], sls[0])
        for j in range(NCH):
            k = j % 2
            loads[j].wait()
            if j + 1 < NCH:
                if j >= 1:
                    stores[j - 1].wait()
                loads[j + 1] = pltpu.async_copy(
                    eo_hbm.at[idx_v.at[j + 1]], bufs[(j + 1) % 2],
                    sls[(j + 1) % 2])
            stores[j] = pltpu.async_copy(
                bufs[k], out_hbm.at[pl.ds(base + j * CH, CH)], sss[k])
        stores[NCH - 2].wait()
        stores[NCH - 1].wait()

    return dispatch_sc, combine_sc


def _ffn_body(x_ref, w1_ref, b1_ref, w2_ref, b2_ref, wd_ref, o_ref, xb_ref):
    e = pl.program_id(0)
    m = pl.program_id(1)

    @pl.when(e < E)
    def _compute():
        @pl.when(m == 0)
        def _cast_x():
            xb_ref[...] = x_ref[...].astype(jnp.bfloat16)

        w1 = w1_ref[0].astype(jnp.bfloat16)
        h = jnp.dot(xb_ref[...], w1, preferred_element_type=jnp.float32)
        h = jnp.maximum(h + b1_ref[0], 0.0)
        w2 = w2_ref[0].astype(jnp.bfloat16)
        contrib = jnp.dot(h.astype(jnp.bfloat16), w2,
                          preferred_element_type=jnp.float32)

        @pl.when(m == 0)
        def _first():
            o_ref[...] = contrib + b2_ref[0]

        @pl.when((m > 0) & (m < NM - 1))
        def _mid():
            o_ref[...] += contrib

        @pl.when(m == NM - 1)
        def _last():
            o_ref[...] = (o_ref[...] + contrib) * wd_ref[...][:, :1]

    @pl.when((e == E) & (m == 0))
    def _zero_block():
        o_ref[...] = jnp.zeros_like(o_ref)


def _ffn(disp, W1, b1, W2, b2, wdest):
    return pl.pallas_call(
        _ffn_body,
        grid=(E + 1, NM),
        in_specs=[
            pl.BlockSpec((C, IN), lambda e, m: (jnp.minimum(e, E - 1), 0)),
            pl.BlockSpec((1, IN, BM),
                         lambda e, m: (jnp.minimum(e, E - 1),
                                       0,
                                       jnp.where(e == E, NM - 1, m))),
            pl.BlockSpec((1, 1, BM),
                         lambda e, m: (jnp.minimum(e, E - 1),
                                       0,
                                       jnp.where(e == E, NM - 1, m))),
            pl.BlockSpec((1, BM, OUT),
                         lambda e, m: (jnp.minimum(e, E - 1),
                                       jnp.where(e == E, NM - 1, m),
                                       0)),
            pl.BlockSpec((1, 1, OUT), lambda e, m: (jnp.minimum(e, E - 1), 0, 0)),
            pl.BlockSpec((C, 128), lambda e, m: (e, 0)),
        ],
        out_specs=pl.BlockSpec((C, OUT), lambda e, m: (e, 0)),
        out_shape=jax.ShapeDtypeStruct((S + TRASH, OUT), jnp.float32),
        scratch_shapes=[pltpu.VMEM((C, IN), jnp.bfloat16)],
        compiler_params=pltpu.CompilerParams(
            vmem_limit_bytes=100 * 1024 * 1024),
    )(disp, W1, b1, W2, b2, wdest)


def kernel(hidden_states, wg, W1, b1, W2, b2):
    B, T, M = hidden_states.shape
    feats = hidden_states.reshape(S, M)

    slot, w16, laux = _gate(feats, wg)
    idx3 = slot.reshape(NW, NCH, CH)

    dispatch_sc, combine_sc = _sc_kernels()
    disp, wdest = dispatch_sc(feats, w16, idx3)
    eo = _ffn(disp, W1, b1.reshape(E, 1, MID), W2, b2.reshape(E, 1, OUT),
              wdest)
    out = combine_sc(eo, idx3)

    return out.reshape(B, T, OUT), laux[0, 0]

# --- scband reference (transcript-rebuilt; emitter-appended) ---
"""Pipeline reference for scband-base-layer-1864015807157 (READ-ONLY COPY).

The authoritative reference and input builder live on the scoring server;
editing this copy changes nothing except your own understanding.
"""

import jax, jax.numpy as jnp
import numpy as np

E = 8
IN = 2048
MID = 8192
OUT = 2048


def setup_inputs(seed: int = 0) -> dict:
    key = jax.random.key(seed)
    ks = jax.random.split(key, 6)
    hidden_states = jax.random.normal(ks[0], (2, 2048, IN), dtype=jnp.float32)
    wg = jax.random.normal(ks[1], (IN, E), dtype=jnp.float32) * 0.02
    W1 = jax.random.normal(ks[2], (E, IN, MID), dtype=jnp.float32) * 0.02
    b1 = jnp.zeros((E, MID), dtype=jnp.float32)
    W2 = jax.random.normal(ks[3], (E, MID, OUT), dtype=jnp.float32) * 0.02
    b2 = jnp.zeros((E, OUT), dtype=jnp.float32)
    return {"hidden_states": hidden_states, "wg": wg, "W1": W1, "b1": b1, "W2": W2, "b2": b2}


def reference(hidden_states, wg, W1, b1, W2, b2):
    # BaseLayer.forward (eval mode: base_shuffle inactive since is_training=False)
    B, T, M = hidden_states.shape
    features = hidden_states.reshape(-1, M)  # [S, M]
    S = features.shape[0]
    C = S // E  # capacity per expert (capacity_factor = 1.0)

    # ---- Top1Gate (fairseq-style top-1 gating) ----
    logits = features @ wg                     # [S, E]
    gates = jax.nn.softmax(logits, axis=-1)    # [S, E]
    idx = jnp.argmax(gates, axis=-1)           # [S]
    mask = jax.nn.one_hot(idx, E, dtype=gates.dtype)  # [S, E]
    # load-balancing auxiliary loss
    me = jnp.mean(gates, axis=0)
    ce = jnp.mean(mask, axis=0)
    l_aux = jnp.sum(me * ce) * E
    # position of each token within its expert's capacity buffer
    locations = jnp.cumsum(mask, axis=0) - 1.0            # [S, E]
    mask = mask * (locations < C).astype(mask.dtype)      # drop overflow tokens
    locations_s = jnp.sum(locations * mask, axis=1).astype(jnp.int32)  # [S]
    gates_s = jnp.sum(gates * mask, axis=1)                # [S]
    combine_weights = (gates_s[:, None, None]
                       * mask[:, :, None]
                       * jax.nn.one_hot(locations_s, C, dtype=gates.dtype)[:, None, :])  # [S, E, C]
    dispatch_mask = (combine_weights > 0).astype(hidden_states.dtype)  # [S, E, C]

    # ---- dispatch: dispatch_mask.permute(1,2,0) -> [E, C, S]; mm with features ----
    dm = jnp.transpose(dispatch_mask, (1, 2, 0))           # [E, C, S]
    dispatched = (dm.reshape(E * C, S) @ features).reshape(E, C, M)

    # ---- per-expert BaseSublayer: 2-layer MLP (Linear -> ReLU -> Linear) ----
    h = jax.nn.relu(jnp.einsum('ecm,emf->ecf', dispatched, W1) + b1[:, None, :])
    expert_output = jnp.einsum('ecf,efo->eco', h, W2) + b2[:, None, :]  # [E, C, OUT]

    # ---- combine ----
    combined = combine_weights.reshape(S, E * C) @ expert_output.reshape(E * C, OUT)
    return combined.reshape(B, T, OUT), l_aux

if __name__ == "__main__":
    import jax
    _d = setup_inputs()
    print(jax.jit(kernel)(*tuple(_d.values())))

</pallas_src>

<mosaic_0001>
#map = affine_map<(d0, d1) -> (0, 0)>
#map1 = affine_map<(d0, d1) -> (0, 0, 0)>
module attributes {stable_mosaic.version = 14 : i64} {
  func.func @dispatch_sc(%arg0: i32, %arg1: i32, %arg2: memref<4096x2048xf32, #tpu.memory_space<hbm>>, %arg3: memref<4096x128xf32, #tpu.memory_space<hbm>>, %arg4: memref<32x8x16xi32, #tpu.memory_space<hbm>>, %arg5: memref<4608x2048xf32, #tpu.memory_space<hbm>>, %arg6: memref<4608x128xf32, #tpu.memory_space<hbm>>, %arg7: memref<8x16xi32, #tpu.memory_space<vmem>>, %arg8: memref<16x2048xf32, #tpu.memory_space<vmem>>, %arg9: memref<16x2048xf32, #tpu.memory_space<vmem>>, %arg10: memref<128x128xf32, #tpu.memory_space<vmem>>, %arg11: memref<!tpu.dma_semaphore, #tpu.memory_space<semaphore_mem>>, %arg12: memref<!tpu.dma_semaphore, #tpu.memory_space<semaphore_mem>>, %arg13: memref<!tpu.dma_semaphore, #tpu.memory_space<semaphore_mem>>, %arg14: memref<!tpu.dma_semaphore, #tpu.memory_space<semaphore_mem>>, %arg15: memref<!tpu.dma_semaphore, #tpu.memory_space<semaphore_mem>>) attributes {dimension_semantics = [#tpu.dimension_semantics<core_parallel>, #tpu.dimension_semantics<subcore_parallel>], iteration_bounds = array<i64: 2, 16>, scalar_prefetch = 0 : i64, scratch_operands = 9 : i64, tpu.core_type = #tpu.core_type<sc_vector_subcore>, window_params = [{transform_indices = #map}, {transform_indices = #map}, {transform_indices = #map1}, {transform_indices = #map}, {transform_indices = #map}]} {
    %mul3A = arith.constant 2 : i32
    %mul3A_0 = arith.muli %arg1, %mul3A : i32
    %add3A = arith.addi %mul3A_0, %arg0 : i32
    %mul3A_1 = arith.constant 128 : i32
    %mul3A_2 = arith.muli %add3A, %mul3A_1 : i32
    "tpu.region"() ({
      %run_scoped3A = tpu.sem_alloc : memref<!tpu.dma_semaphore, #tpu.memory_space<semaphore_mem>>
      %dma_start3A_351 = arith.constant 0 : i32
      %dma_start3A_352 = arith.constant 0 : i32
      %dma_start3A_353 = tpu.memref_slice %arg4[%add3A, %dma_start3A_351, %dma_start3A_352] : memref<32x8x16xi32, #tpu.memory_space<hbm>> -> memref<1x8x16xi32, #tpu.memory_space<hbm>>
      %dma_start3A_354 = tpu.memref_squeeze %dma_start3A_353 : memref<1x8x16xi32, #tpu.memory_space<hbm>> -> memref<8x16xi32, #tpu.memory_space<hbm>>
      %dma_start3A_355 = arith.constant 0 : i32
      %dma_start3A_356 = arith.constant 0 : i32
      %dma_start3A_357 = tpu.memref_slice %arg4[%add3A, %dma_start3A_355, %dma_start3A_356] : memref<32x8x16xi32, #tpu.memory_space<hbm>> -> memref<1x8x16xi32, #tpu.memory_space<hbm>>
      %dma_start3A_358 = tpu.memref_squeeze %dma_start3A_357 : memref<1x8x16xi32, #tpu.memory_space<hbm>> -> memref<8x16xi32, #tpu.memory_space<hbm>>
      tpu.enqueue_dma source(%dma_start3A_358 : memref<8x16xi32, #tpu.memory_space<hbm>>) target(%arg7 : memref<8x16xi32, #tpu.memory_space<vmem>>) target_semaphore(%run_scoped3A : memref<!tpu.dma_semaphore, #tpu.memory_space<semaphore_mem>>)
      %dma_wait3A_359 = arith.constant 0 : i32
      %dma_wait3A_360 = arith.constant 0 : i32
      %dma_wait3A_361 = tpu.memref_slice %arg4[%add3A, %dma_wait3A_359, %dma_wait3A_360] : memref<32x8x16xi32, #tpu.memory_space<hbm>> -> memref<1x8x16xi32, #tpu.memory_space<hbm>>
      %dma_wait3A_362 = tpu.memref_squeeze %dma_wait3A_361 : memref<1x8x16xi32, #tpu.memory_space<hbm>> -> memref<8x16xi32, #tpu.memory_space<hbm>>
      %dma_wait3A_363 = arith.constant 0 : i32
      %dma_wait3A_364 = arith.constant 0 : i32
      %dma_wait3A_365 = tpu.memref_slice %arg4[%add3A, %dma_wait3A_363, %dma_wait3A_364] : memref<32x8x16xi32, #tpu.memory_space<hbm>> -> memref<1x8x16xi32, #tpu.memory_space<hbm>>
      %dma_wait3A_366 = tpu.memref_squeeze %dma_wait3A_365 : memref<1x8x16xi32, #tpu.memory_space<hbm>> -> memref<8x16xi32, #tpu.memory_space<hbm>>
      tpu.wait_dma2 semaphore(%run_scoped3A : memref<!tpu.dma_semaphore, #tpu.memory_space<semaphore_mem>>) src(%dma_wait3A_366 : memref<8x16xi32, #tpu.memory_space<hbm>>) dst(%arg7 : memref<8x16xi32, #tpu.memory_space<vmem>>)
      tpu.yield
    }) : () -> ()
    "tpu.region"() ({
      %run_scoped3A = tpu.sem_alloc : memref<!tpu.dma_semaphore, #tpu.memory_space<semaphore_mem>>
      %dma_start3A_351 = arith.constant 0 : i32
      %dma_start3A_352 = tpu.memref_slice %arg3[%mul3A_2, %dma_start3A_351] : memref<4096x128xf32, #tpu.memory_space<hbm>> -> memref<128x128xf32, #tpu.memory_space<hbm>>
      %dma_start3A_353 = arith.constant 0 : i32
      %dma_start3A_354 = tpu.memref_slice %arg3[%mul3A_2, %dma_start3A_353] : memref<4096x128xf32, #tpu.memory_space<hbm>> -> memref<128x128xf32, #tpu.memory_space<hbm>>
      tpu.enqueue_dma source(%dma_start3A_354 : memref<128x128xf32, #tpu.memory_space<hbm>>) target(%arg10 : memref<128x128xf32, #tpu.memory_space<vmem>>) target_semaphore(%run_scoped3A : memref<!tpu.dma_semaphore, #tpu.memory_space<semaphore_mem>>)
      %dma_wait3A_355 = arith.constant 0 : i32
      %dma_wait3A_356 = tpu.memref_slice %arg3[%mul3A_2, %dma_wait3A_355] : memref<4096x128xf32, #tpu.memory_space<hbm>> -> memref<128x128xf32, #tpu.memory_space<hbm>>
      %dma_wait3A_357 = arith.constant 0 : i32
      %dma_wait3A_358 = tpu.memref_slice %arg3[%mul3A_2, %dma_wait3A_357] : memref<4096x128xf32, #tpu.memory_space<hbm>> -> memref<128x128xf32, #tpu.memory_space<hbm>>
      tpu.wait_dma2 semaphore(%run_scoped3A : memref<!tpu.dma_semaphore, #tpu.memory_space<semaphore_mem>>) src(%dma_wait3A_358 : memref<128x128xf32, #tpu.memory_space<hbm>>) dst(%arg10 : memref<128x128xf32, #tpu.memory_space<vmem>>)
      tpu.yield
    }) : () -> ()
    %dma_start3A = arith.constant 0 : i32
    %dma_start3A_3 = tpu.memref_slice %arg2[%mul3A_2, %dma_start3A] : memref<4096x2048xf32, #tpu.memory_space<hbm>> -> memref<16x2048xf32, #tpu.memory_space<hbm>>
    %dma_start3A_4 = arith.constant 0 : i32
    %dma_start3A_5 = tpu.memref_slice %arg2[%mul3A_2, %dma_start3A_4] : memref<4096x2048xf32, #tpu.memory_space<hbm>> -> memref<16x2048xf32, #tpu.memory_space<hbm>>
    tpu.enqueue_dma source(%dma_start3A_5 : memref<16x2048xf32, #tpu.memory_space<hbm>>) target(%arg8 : memref<16x2048xf32, #tpu.memory_space<vmem>>) target_semaphore(%arg11 : memref<!tpu.dma_semaphore, #tpu.memory_space<semaphore_mem>>)
    %dma_wait3A = arith.constant 0 : i32
    %dma_wait3A_6 = tpu.memref_slice %arg2[%mul3A_2, %dma_wait3A] : memref<4096x2048xf32, #tpu.memory_space<hbm>> -> memref<16x2048xf32, #tpu.memory_space<hbm>>
    %dma_wait3A_7 = arith.constant 0 : i32
    %dma_wait3A_8 = tpu.memref_slice %arg2[%mul3A_2, %dma_wait3A_7] : memref<4096x2048xf32, #tpu.memory_space<hbm>> -> memref<16x2048xf32, #tpu.memory_space<hbm>>
    tpu.wait_dma2 semaphore(%arg11 : memref<!tpu.dma_semaphore, #tpu.memory_space<semaphore_mem>>) src(%dma_wait3A_8 : memref<16x2048xf32, #tpu.memory_space<hbm>>) dst(%arg8 : memref<16x2048xf32, #tpu.memory_space<vmem>>)
    %add3A_9 = arith.constant 16 : i32
    %add3A_10 = arith.addi %mul3A_2, %add3A_9 : i32
    %dma_start3A_11 = arith.constant 0 : i32
    %dma_start3A_12 = tpu.memref_slice %arg2[%add3A_10, %dma_start3A_11] : memref<4096x2048xf32, #tpu.memory_space<hbm>> -> memref<16x2048xf32, #tpu.memory_space<hbm>>
    %dma_start3A_13 = arith.constant 0 : i32
    %dma_start3A_14 = tpu.memref_slice %arg2[%add3A_10, %dma_start3A_13] : memref<4096x2048xf32, #tpu.memory_space<hbm>> -> memref<16x2048xf32, #tpu.memory_space<hbm>>
    tpu.enqueue_dma source(%dma_start3A_14 : memref<16x2048xf32, #tpu.memory_space<hbm>>) target(%arg9 : memref<16x2048xf32, #tpu.memory_space<vmem>>) target_semaphore(%arg12 : memref<!tpu.dma_semaphore, #tpu.memory_space<semaphore_mem>>)
    %dma_start3A_15 = arith.constant 0 : i32
    %dma_start3A_16 = arith.constant 0 : i32
    %dma_start3A_17 = tpu.memref_slice %arg7[%dma_start3A_15, %dma_start3A_16] : memref<8x16xi32, #tpu.memory_space<vmem>> -> memref<1x16xi32, #tpu.memory_space<vmem>>
    %dma_start3A_18 = tpu.memref_squeeze %dma_start3A_17 : memref<1x16xi32, #tpu.memory_space<vmem>> -> memref<16xi32, #tpu.memory_space<vmem>>
    %dma_start3A_19 = arith.constant 0 : i32
    %dma_start3A_20 = arith.constant 0 : i32
    %dma_start3A_21 = tpu.memref_slice %arg5[%dma_start3A_19, %dma_start3A_20] : memref<4608x2048xf32, #tpu.memory_space<hbm>> -> memref<4608x2048xf32, #tpu.memory_space<hbm>>
    tpu.enqueue_indirect_dma source(%arg8 : memref<16x2048xf32, #tpu.memory_space<vmem>>) target(%dma_start3A_21 : memref<4608x2048xf32, #tpu.memory_space<hbm>>) offsets(%dma_start3A_18 : memref<16xi32, #tpu.memory_space<vmem>>) semaphore(%arg13 : memref<!tpu.dma_semaphore, #tpu.memory_space<semaphore_mem>>)
    %dma_start3A_22 = arith.constant 0 : i32
    %dma_start3A_23 = arith.constant 0 : i32
    %dma_start3A_24 = arith.constant 0 : i32
    %dma_start3A_25 = tpu.memref_slice %arg10[%dma_start3A_23, %dma_start3A_24] : memref<128x128xf32, #tpu.memory_space<vmem>> -> memref<16x128xf32, #tpu.memory_space<vmem>>
    %dma_start3A_26 = arith.constant 0 : i32
    %dma_start3A_27 = tpu.memref_slice %arg7[%dma_start3A_22, %dma_start3A_26] : memref<8x16xi32, #tpu.memory_space<vmem>> -> memref<1x16xi32, #tpu.memory_space<vmem>>
    %dma_start3A_28 = tpu.memref_squeeze %dma_start3A_27 : memref<1x16xi32, #tpu.memory_space<vmem>> -> memref<16xi32, #tpu.memory_space<vmem>>
    %dma_start3A_29 = arith.constant 0 : i32
    %dma_start3A_30 = arith.constant 0 : i32
    %dma_start3A_31 = tpu.memref_slice %arg6[%dma_start3A_29, %dma_start3A_30] : memref<4608x128xf32, #tpu.memory_space<hbm>> -> memref<4608x128xf32, #tpu.memory_space<hbm>>
    tpu.enqueue_indirect_dma source(%dma_start3A_25 : memref<16x128xf32, #tpu.memory_space<vmem>>) target(%dma_start3A_31 : memref<4608x128xf32, #tpu.memory_space<hbm>>) offsets(%dma_start3A_28 : memref<16xi32, #tpu.memory_space<vmem>>) semaphore(%arg15 : memref<!tpu.dma_semaphore, #tpu.memory_space<semaphore_mem>>)
    %dma_wait3A_32 = arith.constant 0 : i32
    %dma_wait3A_33 = tpu.memref_slice %arg2[%add3A_10, %dma_wait3A_32] : memref<4096x2048xf32, #tpu.memory_space<hbm>> -> memref<16x2048xf32, #tpu.memory_space<hbm>>
    %dma_wait3A_34 = arith.constant 0 : i32
    %dma_wait3A_35 = tpu.memref_slice %arg2[%add3A_10, %dma_wait3A_34] : memref<4096x2048xf32, #tpu.memory_space<hbm>> -> memref<16x2048xf32, #tpu.memory_space<hbm>>
    tpu.wait_dma2 semaphore(%arg12 : memref<!tpu.dma_semaphore, #tpu.memory_space<semaphore_mem>>) src(%dma_wait3A_35 : memref<16x2048xf32, #tpu.memory_space<hbm>>) dst(%arg9 : memref<16x2048xf32, #tpu.memory_space<vmem>>)
    %dma_wait3A_36 = arith.constant 0 : i32
    %dma_wait3A_37 = arith.constant 0 : i32
    %dma_wait3A_38 = tpu.memref_slice %arg7[%dma_wait3A_36, %dma_wait3A_37] : memref<8x16xi32, #tpu.memory_space<vmem>> -> memref<1x16xi32, #tpu.memory_space<vmem>>
    %dma_wait3A_39 = tpu.memref_squeeze %dma_wait3A_38 : memref<1x16xi32, #tpu.memory_space<vmem>> -> memref<16xi32, #tpu.memory_space<vmem>>
    %dma_wait3A_40 = arith.constant 0 : i32
    %dma_wait3A_41 = arith.constant 0 : i32
    %dma_wait3A_42 = tpu.memref_slice %arg5[%dma_wait3A_40, %dma_wait3A_41] : memref<4608x2048xf32, #tpu.memory_space<hbm>> -> memref<4608x2048xf32, #tpu.memory_space<hbm>>
    tpu.wait_indirect_dma semaphore(%arg13 : memref<!tpu.dma_semaphore, #tpu.memory_space<semaphore_mem>>) src(%arg8 : memref<16x2048xf32, #tpu.memory_space<vmem>>) dst(%dma_wait3A_42 : memref<4608x2048xf32, #tpu.memory_space<hbm>>)
    %add3A_43 = arith.constant 32 : i32
    %add3A_44 = arith.addi %mul3A_2, %add3A_43 : i32
    %dma_start3A_45 = arith.constant 0 : i32
    %dma_start3A_46 = tpu.memref_slice %arg2[%add3A_44, %dma_start3A_45] : memref<4096x2048xf32, #tpu.memory_space<hbm>> -> memref<16x2048xf32, #tpu.memory_space<hbm>>
    %dma_start3A_47 = arith.constant 0 : i32
    %dma_start3A_48 = tpu.memref_slice %arg2[%add3A_44, %dma_start3A_47] : memref<4096x2048xf32, #tpu.memory_space<hbm>> -> memref<16x2048xf32, #tpu.memory_space<hbm>>
    tpu.enqueue_dma source(%dma_start3A_48 : memref<16x2048xf32, #tpu.memory_space<hbm>>) target(%arg8 : memref<16x2048xf32, #tpu.memory_space<vmem>>) target_semaphore(%arg11 : memref<!tpu.dma_semaphore, #tpu.memory_space<semaphore_mem>>)
    %dma_start3A_49 = arith.constant 1 : i32
    %dma_start3A_50 = arith.constant 0 : i32
    %dma_start3A_51 = tpu.memref_slice %arg7[%dma_start3A_49, %dma_start3A_50] : memref<8x16xi32, #tpu.memory_space<vmem>> -> memref<1x16xi32, #tpu.memory_space<vmem>>
    %dma_start3A_52 = tpu.memref_squeeze %dma_start3A_51 : memref<1x16xi32, #tpu.memory_space<vmem>> -> memref<16xi32, #tpu.memory_space<vmem>>
    %dma_start3A_53 = arith.constant 0 : i32
    %dma_start3A_54 = arith.constant 0 : i32
    %dma_start3A_55 = tpu.memref_slice %arg5[%dma_start3A_53, %dma_start3A_54] : memref<4608x2048xf32, #tpu.memory_space<hbm>> -> memref<4608x2048xf32, #tpu.memory_space<hbm>>
    tpu.enqueue_indirect_dma source(%arg9 : memref<16x2048xf32, #tpu.memory_space<vmem>>) target(%dma_start3A_55 : memref<4608x2048xf32, #tpu.memory_space<hbm>>) offsets(%dma_start3A_52 : memref<16xi32, #tpu.memory_space<vmem>>) semaphore(%arg14 : memref<!tpu.dma_semaphore, #tpu.memory_space<semaphore_mem>>)
    %dma_start3A_56 = arith.constant 1 : i32
    %dma_start3A_57 = arith.constant 16 : i32
    %dma_start3A_58 = arith.constant 0 : i32
    %dma_start3A_59 = tpu.memref_slice %arg10[%dma_start3A_57, %dma_start3A_58] : memref<128x128xf32, #tpu.memory_space<vmem>> -> memref<16x128xf32, #tpu.memory_space<vmem>>
    %dma_start3A_60 = arith.constant 0 : i32
    %dma_start3A_61 = tpu.memref_slice %arg7[%dma_start3A_56, %dma_start3A_60] : memref<8x16xi32, #tpu.memory_space<vmem>> -> memref<1x16xi32, #tpu.memory_space<vmem>>
    %dma_start3A_62 = tpu.memref_squeeze %dma_start3A_61 : memref<1x16xi32, #tpu.memory_space<vmem>> -> memref<16xi32, #tpu.memory_space<vmem>>
    %dma_start3A_63 = arith.constant 0 : i32
    %dma_start3A_64 = arith.constant 0 : i32
    %dma_start3A_65 = tpu.memref_slice %arg6[%dma_start3A_63, %dma_start3A_64] : memref<4608x128xf32, #tpu.memory_space<hbm>> -> memref<4608x128xf32, #tpu.memory_space<hbm>>
    tpu.enqueue_indirect_dma source(%dma_start3A_59 : memref<16x128xf32, #tpu.memory_space<vmem>>) target(%dma_start3A_65 : memref<4608x128xf32, #tpu.memory_space<hbm>>) offsets(%dma_start3A_62 : memref<16xi32, #tpu.memory_space<vmem>>) semaphore(%arg15 : memref<!tpu.dma_semaphore, #tpu.memory_space<semaphore_mem>>)
    %dma_wait3A_66 = arith.constant 0 : i32
    %dma_wait3A_67 = tpu.memref_slice %arg2[%add3A_44, %dma_wait3A_66] : memref<4096x2048xf32, #tpu.memory_space<hbm>> -> memref<16x2048xf32, #tpu.memory_space<hbm>>
    %dma_wait3A_68 = arith.constant 0 : i32
    %dma_wait3A_69 = tpu.memref_slice %arg2[%add3A_44, %dma_wait3A_68] : memref<4096x2048xf32, #tpu.memory_space<hbm>> -> memref<16x2048xf32, #tpu.memory_space<hbm>>
    tpu.wait_dma2 semaphore(%arg11 : memref<!tpu.dma_semaphore, #tpu.memory_space<semaphore_mem>>) src(%dma_wait3A_69 : memref<16x2048xf32, #tpu.memory_space<hbm>>) dst(%arg8 : memref<16x2048xf32, #tpu.memory_space<vmem>>)
    %dma_wait3A_70 = arith.constant 1 : i32
    %dma_wait3A_71 = arith.constant 0 : i32
    %dma_wait3A_72 = tpu.memref_slice %arg7[%dma_wait3A_70, %dma_wait3A_71] : memref<8x16xi32, #tpu.memory_space<vmem>> -> memref<1x16xi32, #tpu.memory_space<vmem>>
    %dma_wait3A_73 = tpu.memref_squeeze %dma_wait3A_72 : memref<1x16xi32, #tpu.memory_space<vmem>> -> memref<16xi32, #tpu.memory_space<vmem>>
    %dma_wait3A_74 = arith.constant 0 : i32
    %dma_wait3A_75 = arith.constant 0 : i32
    %dma_wait3A_76 = tpu.memref_slice %arg5[%dma_wait3A_74, %dma_wait3A_75] : memref<4608x2048xf32, #tpu.memory_space<hbm>> -> memref<4608x2048xf32, #tpu.memory_space<hbm>>
    tpu.wait_indirect_dma semaphore(%arg14 : memref<!tpu.dma_semaphore, #tpu.memory_space<semaphore_mem>>) src(%arg9 : memref<16x2048xf32, #tpu.memory_space<vmem>>) dst(%dma_wait3A_76 : memref<4608x2048xf32, #tpu.memory_space<hbm>>)
    %add3A_77 = arith.constant 48 : i32
    %add3A_78 = arith.addi %mul3A_2, %add3A_77 : i32
    %dma_start3A_79 = arith.constant 0 : i32
    %dma_start3A_80 = tpu.memref_slice %arg2[%add3A_78, %dma_start3A_79] : memref<4096x2048xf32, #tpu.memory_space<hbm>> -> memref<16x2048xf32, #tpu.memory_space<hbm>>
    %dma_start3A_81 = arith.constant 0 : i32
    %dma_start3A_82 = tpu.memref_slice %arg2[%add3A_78, %dma_start3A_81] : memref<4096x2048xf32, #tpu.memory_space<hbm>> -> memref<16x2048xf32, #tpu.memory_space<hbm>>
    tpu.enqueue_dma source(%dma_start3A_82 : memref<16x2048xf32, #tpu.memory_space<hbm>>) target(%arg9 : memref<16x2048xf32, #tpu.memory_space<vmem>>) target_semaphore(%arg12 : memref<!tpu.dma_semaphore, #tpu.memory_space<semaphore_mem>>)
    %dma_start3A_83 = arith.constant 2 : i32
    %dma_start3A_84 = arith.constant 0 : i32
    %dma_start3A_85 = tpu.memref_slice %arg7[%dma_start3A_83, %dma_start3A_84] : memref<8x16xi32, #tpu.memory_space<vmem>> -> memref<1x16xi32, #tpu.memory_space<vmem>>
    %dma_start3A_86 = tpu.memref_squeeze %dma_start3A_85 : memref<1x16xi32, #tpu.memory_space<vmem>> -> memref<16xi32, #tpu.memory_space<vmem>>
    %dma_start3A_87 = arith.constant 0 : i32
    %dma_start3A_88 = arith.constant 0 : i32
    %dma_start3A_89 = tpu.memref_slice %arg5[%dma_start3A_87, %dma_start3A_88] : memref<4608x2048xf32, #tpu.memory_space<hbm>> -> memref<4608x2048xf32, #tpu.memory_space<hbm>>
    tpu.enqueue_indirect_dma source(%arg8 : memref<16x2048xf32, #tpu.memory_space<vmem>>) target(%dma_start3A_89 : memref<4608x2048xf32, #tpu.memory_space<hbm>>) offsets(%dma_start3A_86 : memref<16xi32, #tpu.memory_space<vmem>>) semaphore(%arg13 : memref<!tpu.dma_semaphore, #tpu.memory_space<semaphore_mem>>)
    %dma_start3A_90 = arith.constant 2 : i32
    %dma_start3A_91 = arith.constant 32 : i32
    %dma_start3A_92 = arith.constant 0 : i32
    %dma_start3A_93 = tpu.memref_slice %arg10[%dma_start3A_91, %dma_start3A_92] : memref<128x128xf32, #tpu.memory_space<vmem>> -> memref<16x128xf32, #tpu.memory_space<vmem>>
    %dma_start3A_94 = arith.constant 0 : i32
    %dma_start3A_95 = tpu.memref_slice %arg7[%dma_start3A_90, %dma_start3A_94] : memref<8x16xi32, #tpu.memory_space<vmem>> -> memref<1x16xi32, #tpu.memory_space<vmem>>
    %dma_start3A_96 = tpu.memref_squeeze %dma_start3A_95 : memref<1x16xi32, #tpu.memory_space<vmem>> -> memref<16xi32, #tpu.memory_space<vmem>>
    %dma_start3A_97 = arith.constant 0 : i32
    %dma_start3A_98 = arith.constant 0 : i32
    %dma_start3A_99 = tpu.memref_slice %arg6[%dma_start3A_97, %dma_start3A_98] : memref<4608x128xf32, #tpu.memory_space<hbm>> -> memref<4608x128xf32, #tpu.memory_space<hbm>>
    tpu.enqueue_indirect_dma source(%dma_start3A_93 : memref<16x128xf32, #tpu.memory_space<vmem>>) target(%dma_start3A_99 : memref<4608x128xf32, #tpu.memory_space<hbm>>) offsets(%dma_start3A_96 : memref<16xi32, #tpu.memory_space<vmem>>) semaphore(%arg15 : memref<!tpu.dma_semaphore, #tpu.memory_space<semaphore_mem>>)
    %dma_wait3A_100 = arith.constant 0 : i32
    %dma_wait3A_101 = tpu.memref_slice %arg2[%add3A_78, %dma_wait3A_100] : memref<4096x2048xf32, #tpu.memory_space<hbm>> -> memref<16x2048xf32, #tpu.memory_space<hbm>>
    %dma_wait3A_102 = arith.constant 0 : i32
    %dma_wait3A_103 = tpu.memref_slice %arg2[%add3A_78, %dma_wait3A_102] : memref<4096x2048xf32, #tpu.memory_space<hbm>> -> memref<16x2048xf32, #tpu.memory_space<hbm>>
    tpu.wait_dma2 semaphore(%arg12 : memref<!tpu.dma_semaphore, #tpu.memory_space<semaphore_mem>>) src(%dma_wait3A_103 : memref<16x2048xf32, #tpu.memory_space<hbm>>) dst(%arg9 : memref<16x2048xf32, #tpu.memory_space<vmem>>)
    %dma_wait3A_104 = arith.constant 2 : i32
    %dma_wait3A_105 = arith.constant 0 : i32
    %dma_wait3A_106 = tpu.memref_slice %arg7[%dma_wait3A_104, %dma_wait3A_105] : memref<8x16xi32, #tpu.memory_space<vmem>> -> memref<1x16xi32, #tpu.memory_space<vmem>>
    %dma_wait3A_107 = tpu.memref_squeeze %dma_wait3A_106 : memref<1x16xi32, #tpu.memory_space<vmem>> -> memref<16xi32, #tpu.memory_space<vmem>>
    %dma_wait3A_108 = arith.constant 0 : i32
    %dma_wait3A_109 = arith.constant 0 : i32
    %dma_wait3A_110 = tpu.memref_slice %arg5[%dma_wait3A_108, %dma_wait3A_109] : memref<4608x2048xf32, #tpu.memory_space<hbm>> -> memref<4608x2048xf32, #tpu.memory_space<hbm>>
    tpu.wait_indirect_dma semaphore(%arg13 : memref<!tpu.dma_semaphore, #tpu.memory_space<semaphore_mem>>) src(%arg8 : memref<16x2048xf32, #tpu.memory_space<vmem>>) dst(%dma_wait3A_110 : memref<4608x2048xf32, #tpu.memory_space<hbm>>)
    %add3A_111 = arith.constant 64 : i32
    %add3A_112 = arith.addi %mul3A_2, %add3A_111 : i32
    %dma_start3A_113 = arith.constant 0 : i32
    %dma_start3A_114 = tpu.memref_slice %arg2[%add3A_112, %dma_start3A_113] : memref<4096x2048xf32, #tpu.memory_space<hbm>> -> memref<16x2048xf32, #tpu.memory_space<hbm>>
    %dma_start3A_115 = arith.constant 0 : i32
    %dma_start3A_116 = tpu.memref_slice %arg2[%add3A_112, %dma_start3A_115] : memref<4096x2048xf32, #tpu.memory_space<hbm>> -> memref<16x2048xf32, #tpu.memory_space<hbm>>
    tpu.enqueue_dma source(%dma_start3A_116 : memref<16x2048xf32, #tpu.memory_space<hbm>>) target(%arg8 : memref<16x2048xf32, #tpu.memory_space<vmem>>) target_semaphore(%arg11 : memref<!tpu.dma_semaphore, #tpu.memory_space<semaphore_mem>>)
    %dma_start3A_117 = arith.constant 3 : i32
    %dma_start3A_118 = arith.constant 0 : i32
    %dma_start3A_119 = tpu.memref_slice %arg7[%dma_start3A_117, %dma_start3A_118] : memref<8x16xi32, #tpu.memory_space<vmem>> -> memref<1x16xi32, #tpu.memory_space<vmem>>
    %dma_start3A_120 = tpu.memref_squeeze %dma_start3A_119 : memref<1x16xi32, #tpu.memory_space<vmem>> -> memref<16xi32, #tpu.memory_space<vmem>>
    %dma_start3A_121 = arith.constant 0 : i32
    %dma_start3A_122 = arith.constant 0 : i32
    %dma_start3A_123 = tpu.memref_slice %arg5[%dma_start3A_121, %dma_start3A_122] : memref<4608x2048xf32, #tpu.memory_space<hbm>> -> memref<4608x2048xf32, #tpu.memory_space<hbm>>
    tpu.enqueue_indirect_dma source(%arg9 : memref<16x2048xf32, #tpu.memory_space<vmem>>) target(%dma_start3A_123 : memref<4608x2048xf32, #tpu.memory_space<hbm>>) offsets(%dma_start3A_120 : memref<16xi32, #tpu.memory_space<vmem>>) semaphore(%arg14 : memref<!tpu.dma_semaphore, #tpu.memory_space<semaphore_mem>>)
    %dma_start3A_124 = arith.constant 3 : i32
    %dma_start3A_125 = arith.constant 48 : i32
    %dma_start3A_126 = arith.constant 0 : i32
    %dma_start3A_127 = tpu.memref_slice %arg10[%dma_start3A_125, %dma_start3A_126] : memref<128x128xf32, #tpu.memory_space<vmem>> -> memref<16x128xf32, #tpu.memory_space<vmem>>
    %dma_start3A_128 = arith.constant 0 : i32
    %dma_start3A_129 = tpu.memref_slice %arg7[%dma_start3A_124, %dma_start3A_128] : memref<8x16xi32, #tpu.memory_space<vmem>> -> memref<1x16xi32, #tpu.memory_space<vmem>>
    %dma_start3A_130 = tpu.memref_squeeze %dma_start3A_129 : memref<1x16xi32, #tpu.memory_space<vmem>> -> memref<16xi32, #tpu.memory_space<vmem>>
    %dma_start3A_131 = arith.constant 0 : i32
    %dma_start3A_132 = arith.constant 0 : i32
    %dma_start3A_133 = tpu.memref_slice %arg6[%dma_start3A_131, %dma_start3A_132] : memref<4608x128xf32, #tpu.memory_space<hbm>> -> memref<4608x128xf32, #tpu.memory_space<hbm>>
    tpu.enqueue_indirect_dma source(%dma_start3A_127 : memref<16x128xf32, #tpu.memory_space<vmem>>) target(%dma_start3A_133 : memref<4608x128xf32, #tpu.memory_space<hbm>>) offsets(%dma_start3A_130 : memref<16xi32, #tpu.memory_space<vmem>>) semaphore(%arg15 : memref<!tpu.dma_semaphore, #tpu.memory_space<semaphore_mem>>)
    %dma_wait3A_134 = arith.constant 0 : i32
    %dma_wait3A_135 = tpu.memref_slice %arg2[%add3A_112, %dma_wait3A_134] : memref<4096x2048xf32, #tpu.memory_space<hbm>> -> memref<16x2048xf32, #tpu.memory_space<hbm>>
    %dma_wait3A_136 = arith.constant 0 : i32
    %dma_wait3A_137 = tpu.memref_slice %arg2[%add3A_112, %dma_wait3A_136] : memref<4096x2048xf32, #tpu.memory_space<hbm>> -> memref<16x2048xf32, #tpu.memory_space<hbm>>
    tpu.wait_dma2 semaphore(%arg11 : memref<!tpu.dma_semaphore, #tpu.memory_space<semaphore_mem>>) src(%dma_wait3A_137 : memref<16x2048xf32, #tpu.memory_space<hbm>>) dst(%arg8 : memref<16x2048xf32, #tpu.memory_space<vmem>>)
    %dma_wait3A_138 = arith.constant 3 : i32
    %dma_wait3A_139 = arith.constant 0 : i32
    %dma_wait3A_140 = tpu.memref_slice %arg7[%dma_wait3A_138, %dma_wait3A_139] : memref<8x16xi32, #tpu.memory_space<vmem>> -> memref<1x16xi32, #tpu.memory_space<vmem>>
    %dma_wait3A_141 = tpu.memref_squeeze %dma_wait3A_140 : memref<1x16xi32, #tpu.memory_space<vmem>> -> memref<16xi32, #tpu.memory_space<vmem>>
    %dma_wait3A_142 = arith.constant 0 : i32
    %dma_wait3A_143 = arith.constant 0 : i32
    %dma_wait3A_144 = tpu.memref_slice %arg5[%dma_wait3A_142, %dma_wait3A_143] : memref<4608x2048xf32, #tpu.memory_space<hbm>> -> memref<4608x2048xf32, #tpu.memory_space<hbm>>
    tpu.wait_indirect_dma semaphore(%arg14 : memref<!tpu.dma_semaphore, #tpu.memory_space<semaphore_mem>>) src(%arg9 : memref<16x2048xf32, #tpu.memory_space<vmem>>) dst(%dma_wait3A_144 : memref<4608x2048xf32, #tpu.memory_space<hbm>>)
    %add3A_145 = arith.constant 80 : i32
    %add3A_146 = arith.addi %mul3A_2, %add3A_145 : i32
    %dma_start3A_147 = arith.constant 0 : i32
    %dma_start3A_148 = tpu.memref_slice %arg2[%add3A_146, %dma_start3A_147] : memref<4096x2048xf32, #tpu.memory_space<hbm>> -> memref<16x2048xf32, #tpu.memory_space<hbm>>
    %dma_start3A_149 = arith.constant 0 : i32
    %dma_start3A_150 = tpu.memref_slice %arg2[%add3A_146, %dma_start3A_149] : memref<4096x2048xf32, #tpu.memory_space<hbm>> -> memref<16x2048xf32, #tpu.memory_space<hbm>>
    tpu.enqueue_dma source(%dma_start3A_150 : memref<16x2048xf32, #tpu.memory_space<hbm>>) target(%arg9 : memref<16x2048xf32, #tpu.memory_space<vmem>>) target_semaphore(%arg12 : memref<!tpu.dma_semaphore, #tpu.memory_space<semaphore_mem>>)
    %dma_start3A_151 = arith.constant 4 : i32
    %dma_start3A_152 = arith.constant 0 : i32
    %dma_start3A_153 = tpu.memref_slice %arg7[%dma_start3A_151, %dma_start3A_152] : memref<8x16xi32, #tpu.memory_space<vmem>> -> memref<1x16xi32, #tpu.memory_space<vmem>>
    %dma_start3A_154 = tpu.memref_squeeze %dma_start3A_153 : memref<1x16xi32, #tpu.memory_space<vmem>> -> memref<16xi32, #tpu.memory_space<vmem>>
    %dma_start3A_155 = arith.constant 0 : i32
    %dma_start3A_156 = arith.constant 0 : i32
    %dma_start3A_157 = tpu.memref_slice %arg5[%dma_start3A_155, %dma_start3A_156] : memref<4608x2048xf32, #tpu.memory_space<hbm>> -> memref<4608x2048xf32, #tpu.memory_space<hbm>>
    tpu.enqueue_indirect_dma source(%arg8 : memref<16x2048xf32, #tpu.memory_space<vmem>>) target(%dma_start3A_157 : memref<4608x2048xf32, #tpu.memory_space<hbm>>) offsets(%dma_start3A_154 : memref<16xi32, #tpu.memory_space<vmem>>) semaphore(%arg13 : memref<!tpu.dma_semaphore, #tpu.memory_space<semaphore_mem>>)
    %dma_start3A_158 = arith.constant 4 : i32
    %dma_start3A_159 = arith.constant 64 : i32
    %dma_start3A_160 = arith.constant 0 : i32
    %dma_start3A_161 = tpu.memref_slice %arg10[%dma_start3A_159, %dma_start3A_160] : memref<128x128xf32, #tpu.memory_space<vmem>> -> memref<16x128xf32, #tpu.memory_space<vmem>>
    %dma_start3A_162 = arith.constant 0 : i32
    %dma_start3A_163 = tpu.memref_slice %arg7[%dma_start3A_158, %dma_start3A_162] : memref<8x16xi32, #tpu.memory_space<vmem>> -> memref<1x16xi32, #tpu.memory_space<vmem>>
    %dma_start3A_164 = tpu.memref_squeeze %dma_start3A_163 : memref<1x16xi32, #tpu.memory_space<vmem>> -> memref<16xi32, #tpu.memory_space<vmem>>
    %dma_start3A_165 = arith.constant 0 : i32
    %dma_start3A_166 = arith.constant 0 : i32
    %dma_start3A_167 = tpu.memref_slice %arg6[%dma_start3A_165, %dma_start3A_166] : memref<4608x128xf32, #tpu.memory_space<hbm>> -> memref<4608x128xf32, #tpu.memory_space<hbm>>
    tpu.enqueue_indirect_dma source(%dma_start3A_161 : memref<16x128xf32, #tpu.memory_space<vmem>>) target(%dma_start3A_167 : memref<4608x128xf32, #tpu.memory_space<hbm>>) offsets(%dma_start3A_164 : memref<16xi32, #tpu.memory_space<vmem>>) semaphore(%arg15 : memref<!tpu.dma_semaphore, #tpu.memory_space<semaphore_mem>>)
    %dma_wait3A_168 = arith.constant 0 : i32
    %dma_wait3A_169 = tpu.memref_slice %arg2[%add3A_146, %dma_wait3A_168] : memref<4096x2048xf32, #tpu.memory_space<hbm>> -> memref<16x2048xf32, #tpu.memory_space<hbm>>
    %dma_wait3A_170 = arith.constant 0 : i32
    %dma_wait3A_171 = tpu.memref_slice %arg2[%add3A_146, %dma_wait3A_170] : memref<4096x2048xf32, #tpu.memory_space<hbm>> -> memref<16x2048xf32, #tpu.memory_space<hbm>>
    tpu.wait_dma2 semaphore(%arg12 : memref<!tpu.dma_semaphore, #tpu.memory_space<semaphore_mem>>) src(%dma_wait3A_171 : memref<16x2048xf32, #tpu.memory_space<hbm>>) dst(%arg9 : memref<16x2048xf32, #tpu.memory_space<vmem>>)
    %dma_wait3A_172 = arith.constant 4 : i32
    %dma_wait3A_173 = arith.constant 0 : i32
    %dma_wait3A_174 = tpu.memref_slice %arg7[%dma_wait3A_172, %dma_wait3A_173] : memref<8x16xi32, #tpu.memory_space<vmem>> -> memref<1x16xi32, #tpu.memory_space<vmem>>
    %dma_wait3A_175 = tpu.memref_squeeze %dma_wait3A_174 : memref<1x16xi32, #tpu.memory_space<vmem>> -> memref<16xi32, #tpu.memory_space<vmem>>
    %dma_wait3A_176 = arith.constant 0 : i32
    %dma_wait3A_177 = arith.constant 0 : i32
    %dma_wait3A_178 = tpu.memref_slice %arg5[%dma_wait3A_176, %dma_wait3A_177] : memref<4608x2048xf32, #tpu.memory_space<hbm>> -> memref<4608x2048xf32, #tpu.memory_space<hbm>>
    tpu.wait_indirect_dma semaphore(%arg13 : memref<!tpu.dma_semaphore, #tpu.memory_space<semaphore_mem>>) src(%arg8 : memref<16x2048xf32, #tpu.memory_space<vmem>>) dst(%dma_wait3A_178 : memref<4608x2048xf32, #tpu.memory_space<hbm>>)
    %add3A_179 = arith.constant 96 : i32
    %add3A_180 = arith.addi %mul3A_2, %add3A_179 : i32
    %dma_start3A_181 = arith.constant 0 : i32
    %dma_start3A_182 = tpu.memref_slice %arg2[%add3A_180, %dma_start3A_181] : memref<4096x2048xf32, #tpu.memory_space<hbm>> -> memref<16x2048xf32, #tpu.memory_space<hbm>>
    %dma_start3A_183 = arith.constant 0 : i32
    %dma_start3A_184 = tpu.memref_slice %arg2[%add3A_180, %dma_start3A_183] : memref<4096x2048xf32, #tpu.memory_space<hbm>> -> memref<16x2048xf32, #tpu.memory_space<hbm>>
    tpu.enqueue_dma source(%dma_start3A_184 : memref<16x2048xf32, #tpu.memory_space<hbm>>) target(%arg8 : memref<16x2048xf32, #tpu.memory_space<vmem>>) target_semaphore(%arg11 : memref<!tpu.dma_semaphore, #tpu.memory_space<semaphore_mem>>)
    %dma_start3A_185 = arith.constant 5 : i32
    %dma_start3A_186 = arith.constant 0 : i32
    %dma_start3A_187 = tpu.memref_slice %arg7[%dma_start3A_185, %dma_start3A_186] : memref<8x16xi32, #tpu.memory_space<vmem>> -> memref<1x16xi32, #tpu.memory_space<vmem>>
    %dma_start3A_188 = tpu.memref_squeeze %dma_start3A_187 : memref<1x16xi32, #tpu.memory_space<vmem>> -> memref<16xi32, #tpu.memory_space<vmem>>
    %dma_start3A_189 = arith.constant 0 : i32
    %dma_start3A_190 = arith.constant 0 : i32
    %dma_start3A_191 = tpu.memref_slice %arg5[%dma_start3A_189, %dma_start3A_190] : memref<4608x2048xf32, #tpu.memory_space<hbm>> -> memref<4608x2048xf32, #tpu.memory_space<hbm>>
    tpu.enqueue_indirect_dma source(%arg9 : memref<16x2048xf32, #tpu.memory_space<vmem>>) target(%dma_start3A_191 : memref<4608x2048xf32, #tpu.memory_space<hbm>>) offsets(%dma_start3A_188 : memref<16xi32, #tpu.memory_space<vmem>>) semaphore(%arg14 : memref<!tpu.dma_semaphore, #tpu.memory_space<semaphore_mem>>)
    %dma_start3A_192 = arith.constant 5 : i32
    %dma_start3A_193 = arith.constant 80 : i32
    %dma_start3A_194 = arith.constant 0 : i32
    %dma_start3A_195 = tpu.memref_slice %arg10[%dma_start3A_193, %dma_start3A_194] : memref<128x128xf32, #tpu.memory_space<vmem>> -> memref<16x128xf32, #tpu.memory_space<vmem>>
    %dma_start3A_196 = arith.constant 0 : i32
    %dma_start3A_197 = tpu.memref_slice %arg7[%dma_start3A_192, %dma_start3A_196] : memref<8x16xi32, #tpu.memory_space<vmem>> -> memref<1x16xi32, #tpu.memory_space<vmem>>
    %dma_start3A_198 = tpu.memref_squeeze %dma_start3A_197 : memref<1x16xi32, #tpu.memory_space<vmem>> -> memref<16xi32, #tpu.memory_space<vmem>>
    %dma_start3A_199 = arith.constant 0 : i32
    %dma_start3A_200 = arith.constant 0 : i32
    %dma_start3A_201 = tpu.memref_slice %arg6[%dma_start3A_199, %dma_start3A_200] : memref<4608x128xf32, #tpu.memory_space<hbm>> -> memref<4608x128xf32, #tpu.memory_space<hbm>>
    tpu.enqueue_indirect_dma source(%dma_start3A_195 : memref<16x128xf32, #tpu.memory_space<vmem>>) target(%dma_start3A_201 : memref<4608x128xf32, #tpu.memory_space<hbm>>) offsets(%dma_start3A_198 : memref<16xi32, #tpu.memory_space<vmem>>) semaphore(%arg15 : memref<!tpu.dma_semaphore, #tpu.memory_space<semaphore_mem>>)
    %dma_wait3A_202 = arith.constant 0 : i32
    %dma_wait3A_203 = tpu.memref_slice %arg2[%add3A_180, %dma_wait3A_202] : memref<4096x2048xf32, #tpu.memory_space<hbm>> -> memref<16x2048xf32, #tpu.memory_space<hbm>>
    %dma_wait3A_204 = arith.constant 0 : i32
    %dma_wait3A_205 = tpu.memref_slice %arg2[%add3A_180, %dma_wait3A_204] : memref<4096x2048xf32, #tpu.memory_space<hbm>> -> memref<16x2048xf32, #tpu.memory_space<hbm>>
    tpu.wait_dma2 semaphore(%arg11 : memref<!tpu.dma_semaphore, #tpu.memory_space<semaphore_mem>>) src(%dma_wait3A_205 : memref<16x2048xf32, #tpu.memory_space<hbm>>) dst(%arg8 : memref<16x2048xf32, #tpu.memory_space<vmem>>)
    %dma_wait3A_206 = arith.constant 5 : i32
    %dma_wait3A_207 = arith.constant 0 : i32
    %dma_wait3A_208 = tpu.memref_slice %arg7[%dma_wait3A_206, %dma_wait3A_207] : memref<8x16xi32, #tpu.memory_space<vmem>> -> memref<1x16xi32, #tpu.memory_space<vmem>>
    %dma_wait3A_209 = tpu.memref_squeeze %dma_wait3A_208 : memref<1x16xi32, #tpu.memory_space<vmem>> -> memref<16xi32, #tpu.memory_space<vmem>>
    %dma_wait3A_210 = arith.constant 0 : i32
    %dma_wait3A_211 = arith.constant 0 : i32
    %dma_wait3A_212 = tpu.memref_slice %arg5[%dma_wait3A_210, %dma_wait3A_211] : memref<4608x2048xf32, #tpu.memory_space<hbm>> -> memref<4608x2048xf32, #tpu.memory_space<hbm>>
    tpu.wait_indirect_dma semaphore(%arg14 : memref<!tpu.dma_semaphore, #tpu.memory_space<semaphore_mem>>) src(%arg9 : memref<16x2048xf32, #tpu.memory_space<vmem>>) dst(%dma_wait3A_212 : memref<4608x2048xf32, #tpu.memory_space<hbm>>)
    %add3A_213 = arith.constant 112 : i32
    %add3A_214 = arith.addi %mul3A_2, %add3A_213 : i32
    %dma_start3A_215 = arith.constant 0 : i32
    %dma_start3A_216 = tpu.memref_slice %arg2[%add3A_214, %dma_start3A_215] : memref<4096x2048xf32, #tpu.memory_space<hbm>> -> memref<16x2048xf32, #tpu.memory_space<hbm>>
    %dma_start3A_217 = arith.constant 0 : i32
    %dma_start3A_218 = tpu.memref_slice %arg2[%add3A_214, %dma_start3A_217] : memref<4096x2048xf32, #tpu.memory_space<hbm>> -> memref<16x2048xf32, #tpu.memory_space<hbm>>
    tpu.enqueue_dma source(%dma_start3A_218 : memref<16x2048xf32, #tpu.memory_space<hbm>>) target(%arg9 : memref<16x2048xf32, #tpu.memory_space<vmem>>) target_semaphore(%arg12 : memref<!tpu.dma_semaphore, #tpu.memory_space<semaphore_mem>>)
    %dma_start3A_219 = arith.constant 6 : i32
    %dma_start3A_220 = arith.constant 0 : i32
    %dma_start3A_221 = tpu.memref_slice %arg7[%dma_start3A_219, %dma_start3A_220] : memref<8x16xi32, #tpu.memory_space<vmem>> -> memref<1x16xi32, #tpu.memory_space<vmem>>
    %dma_start3A_222 = tpu.memref_squeeze %dma_start3A_221 : memref<1x16xi32, #tpu.memory_space<vmem>> -> memref<16xi32, #tpu.memory_space<vmem>>
    %dma_start3A_223 = arith.constant 0 : i32
    %dma_start3A_224 = arith.constant 0 : i32
    %dma_start3A_225 = tpu.memref_slice %arg5[%dma_start3A_223, %dma_start3A_224] : memref<4608x2048xf32, #tpu.memory_space<hbm>> -> memref<4608x2048xf32, #tpu.memory_space<hbm>>
    tpu.enqueue_indirect_dma source(%arg8 : memref<16x2048xf32, #tpu.memory_space<vmem>>) target(%dma_start3A_225 : memref<4608x2048xf32, #tpu.memory_space<hbm>>) offsets(%dma_start3A_222 : memref<16xi32, #tpu.memory_space<vmem>>) semaphore(%arg13 : memref<!tpu.dma_semaphore, #tpu.memory_space<semaphore_mem>>)
    %dma_start3A_226 = arith.constant 6 : i32
    %dma_start3A_227 = arith.constant 96 : i32
    %dma_start3A_228 = arith.constant 0 : i32
    %dma_start3A_229 = tpu.memref_slice %arg10[%dma_start3A_227, %dma_start3A_228] : memref<128x128xf32, #tpu.memory_space<vmem>> -> memref<16x128xf32, #tpu.memory_space<vmem>>
    %dma_start3A_230 = arith.constant 0 : i32
    %dma_start3A_231 = tpu.memref_slice %arg7[%dma_start3A_226, %dma_start3A_230] : memref<8x16xi32, #tpu.memory_space<vmem>> -> memref<1x16xi32, #tpu.memory_space<vmem>>
    %dma_start3A_232 = tpu.memref_squeeze %dma_start3A_231 : memref<1x16xi32, #tpu.memory_space<vmem>> -> memref<16xi32, #tpu.memory_space<vmem>>
    %dma_start3A_233 = arith.constant 0 : i32
    %dma_start3A_234 = arith.constant 0 : i32
    %dma_start3A_235 = tpu.memref_slice %arg6[%dma_start3A_233, %dma_start3A_234] : memref<4608x128xf32, #tpu.memory_space<hbm>> -> memref<4608x128xf32, #tpu.memory_space<hbm>>
    tpu.enqueue_indirect_dma source(%dma_start3A_229 : memref<16x128xf32, #tpu.memory_space<vmem>>) target(%dma_start3A_235 : memref<4608x128xf32, #tpu.memory_space<hbm>>) offsets(%dma_start3A_232 : memref<16xi32, #tpu.memory_space<vmem>>) semaphore(%arg15 : memref<!tpu.dma_semaphore, #tpu.memory_space<semaphore_mem>>)
    %dma_wait3A_236 = arith.constant 0 : i32
    %dma_wait3A_237 = tpu.memref_slice %arg2[%add3A_214, %dma_wait3A_236] : memref<4096x2048xf32, #tpu.memory_space<hbm>> -> memref<16x2048xf32, #tpu.memory_space<hbm>>
    %dma_wait3A_238 = arith.constant 0 : i32
    %dma_wait3A_239 = tpu.memref_slice %arg2[%add3A_214, %dma_wait3A_238] : memref<4096x2048xf32, #tpu.memory_space<hbm>> -> memref<16x2048xf32, #tpu.memory_space<hbm>>
    tpu.wait_dma2 semaphore(%arg12 : memref<!tpu.dma_semaphore, #tpu.memory_space<semaphore_mem>>) src(%dma_wait3A_239 : memref<16x2048xf32, #tpu.memory_space<hbm>>) dst(%arg9 : memref<16x2048xf32, #tpu.memory_space<vmem>>)
    %dma_start3A_240 = arith.constant 7 : i32
    %dma_start3A_241 = arith.constant 0 : i32
    %dma_start3A_242 = tpu.memref_slice %arg7[%dma_start3A_240, %dma_start3A_241] : memref<8x16xi32, #tpu.memory_space<vmem>> -> memref<1x16xi32, #tpu.memory_space<vmem>>
    %dma_start3A_243 = tpu.memref_squeeze %dma_start3A_242 : memref<1x16xi32, #tpu.memory_space<vmem>> -> memref<16xi32, #tpu.memory_space<vmem>>
    %dma_start3A_244 = arith.constant 0 : i32
    %dma_start3A_245 = arith.constant 0 : i32
    %dma_start3A_246 = tpu.memref_slice %arg5[%dma_start3A_244, %dma_start3A_245] : memref<4608x2048xf32, #tpu.memory_space<hbm>> -> memref<4608x2048xf32, #tpu.memory_space<hbm>>
    tpu.enqueue_indirect_dma source(%arg9 : memref<16x2048xf32, #tpu.memory_space<vmem>>) target(%dma_start3A_246 : memref<4608x2048xf32, #tpu.memory_space<hbm>>) offsets(%dma_start3A_243 : memref<16xi32, #tpu.memory_space<vmem>>) semaphore(%arg14 : memref<!tpu.dma_semaphore, #tpu.memory_space<semaphore_mem>>)
    %dma_start3A_247 = arith.constant 7 : i32
    %dma_start3A_248 = arith.constant 112 : i32
    %dma_start3A_249 = arith.constant 0 : i32
    %dma_start3A_250 = tpu.memref_slice %arg10[%dma_start3A_248, %dma_start3A_249] : memref<128x128xf32, #tpu.memory_space<vmem>> -> memref<16x128xf32, #tpu.memory_space<vmem>>
    %dma_start3A_251 = arith.constant 0 : i32
    %dma_start3A_252 = tpu.memref_slice %arg7[%dma_start3A_247, %dma_start3A_251] : memref<8x16xi32, #tpu.memory_space<vmem>> -> memref<1x16xi32, #tpu.memory_space<vmem>>
    %dma_start3A_253 = tpu.memref_squeeze %dma_start3A_252 : memref<1x16xi32, #tpu.memory_space<vmem>> -> memref<16xi32, #tpu.memory_space<vmem>>
    %dma_start3A_254 = arith.constant 0 : i32
    %dma_start3A_255 = arith.constant 0 : i32
    %dma_start3A_256 = tpu.memref_slice %arg6[%dma_start3A_254, %dma_start3A_255] : memref<4608x128xf32, #tpu.memory_space<hbm>> -> memref<4608x128xf32, #tpu.memory_space<hbm>>
    tpu.enqueue_indirect_dma source(%dma_start3A_250 : memref<16x128xf32, #tpu.memory_space<vmem>>) target(%dma_start3A_256 : memref<4608x128xf32, #tpu.memory_space<hbm>>) offsets(%dma_start3A_253 : memref<16xi32, #tpu.memory_space<vmem>>) semaphore(%arg15 : memref<!tpu.dma_semaphore, #tpu.memory_space<semaphore_mem>>)
    %dma_wait3A_257 = arith.constant 6 : i32
    %dma_wait3A_258 = arith.constant 0 : i32
    %dma_wait3A_259 = tpu.memref_slice %arg7[%dma_wait3A_257, %dma_wait3A_258] : memref<8x16xi32, #tpu.memory_space<vmem>> -> memref<1x16xi32, #tpu.memory_space<vmem>>
    %dma_wait3A_260 = tpu.memref_squeeze %dma_wait3A_259 : memref<1x16xi32, #tpu.memory_space<vmem>> -> memref<16xi32, #tpu.memory_space<vmem>>
    %dma_wait3A_261 = arith.constant 0 : i32
    %dma_wait3A_262 = arith.constant 0 : i32
    %dma_wait3A_263 = tpu.memref_slice %arg5[%dma_wait3A_261, %dma_wait3A_262] : memref<4608x2048xf32, #tpu.memory_space<hbm>> -> memref<4608x2048xf32, #tpu.memory_space<hbm>>
    tpu.wait_indirect_dma semaphore(%arg13 : memref<!tpu.dma_semaphore, #tpu.memory_space<semaphore_mem>>) src(%arg8 : memref<16x2048xf32, #tpu.memory_space<vmem>>) dst(%dma_wait3A_263 : memref<4608x2048xf32, #tpu.memory_space<hbm>>)
    %dma_wait3A_264 = arith.constant 7 : i32
    %dma_wait3A_265 = arith.constant 0 : i32
    %dma_wait3A_266 = tpu.memref_slice %arg7[%dma_wait3A_264, %dma_wait3A_265] : memref<8x16xi32, #tpu.memory_space<vmem>> -> memref<1x16xi32, #tpu.memory_space<vmem>>
    %dma_wait3A_267 = tpu.memref_squeeze %dma_wait3A_266 : memref<1x16xi32, #tpu.memory_space<vmem>> -> memref<16xi32, #tpu.memory_space<vmem>>
    %dma_wait3A_268 = arith.constant 0 : i32
    %dma_wait3A_269 = arith.constant 0 : i32
    %dma_wait3A_270 = tpu.memref_slice %arg5[%dma_wait3A_268, %dma_wait3A_269] : memref<4608x2048xf32, #tpu.memory_space<hbm>> -> memref<4608x2048xf32, #tpu.memory_space<hbm>>
    tpu.wait_indirect_dma semaphore(%arg14 : memref<!tpu.dma_semaphore, #tpu.memory_space<semaphore_mem>>) src(%arg9 : memref<16x2048xf32, #tpu.memory_space<vmem>>) dst(%dma_wait3A_270 : memref<4608x2048xf32, #tpu.memory_space<hbm>>)
    %dma_wait3A_271 = arith.constant 0 : i32
    %dma_wait3A_272 = arith.constant 0 : i32
    %dma_wait3A_273 = arith.constant 0 : i32
    %dma_wait3A_274 = tpu.memref_slice %arg10[%dma_wait3A_272, %dma_wait3A_273] : memref<128x128xf32, #tpu.memory_space<vmem>> -> memref<16x128xf32, #tpu.memory_space<vmem>>
    %dma_wait3A_275 = arith.constant 0 : i32
    %dma_wait3A_276 = tpu.memref_slice %arg7[%dma_wait3A_271, %dma_wait3A_275] : memref<8x16xi32, #tpu.memory_space<vmem>> -> memref<1x16xi32, #tpu.memory_space<vmem>>
    %dma_wait3A_277 = tpu.memref_squeeze %dma_wait3A_276 : memref<1x16xi32, #tpu.memory_space<vmem>> -> memref<16xi32, #tpu.memory_space<vmem>>
    %dma_wait3A_278 = arith.constant 0 : i32
    %dma_wait3A_279 = arith.constant 0 : i32
    %dma_wait3A_280 = tpu.memref_slice %arg6[%dma_wait3A_278, %dma_wait3A_279] : memref<4608x128xf32, #tpu.memory_space<hbm>> -> memref<4608x128xf32, #tpu.memory_space<hbm>>
    tpu.wait_indirect_dma semaphore(%arg15 : memref<!tpu.dma_semaphore, #tpu.memory_space<semaphore_mem>>) src(%dma_wait3A_274 : memref<16x128xf32, #tpu.memory_space<vmem>>) dst(%dma_wait3A_280 : memref<4608x128xf32, #tpu.memory_space<hbm>>)
    %dma_wait3A_281 = arith.constant 1 : i32
    %dma_wait3A_282 = arith.constant 16 : i32
    %dma_wait3A_283 = arith.constant 0 : i32
    %dma_wait3A_284 = tpu.memref_slice %arg10[%dma_wait3A_282, %dma_wait3A_283] : memref<128x128xf32, #tpu.memory_space<vmem>> -> memref<16x128xf32, #tpu.memory_space<vmem>>
    %dma_wait3A_285 = arith.constant 0 : i32
    %dma_wait3A_286 = tpu.memref_slice %arg7[%dma_wait3A_281, %dma_wait3A_285] : memref<8x16xi32, #tpu.memory_space<vmem>> -> memref<1x16xi32, #tpu.memory_space<vmem>>
    %dma_wait3A_287 = tpu.memref_squeeze %dma_wait3A_286 : memref<1x16xi32, #tpu.memory_space<vmem>> -> memref<16xi32, #tpu.memory_space<vmem>>
    %dma_wait3A_288 = arith.constant 0 : i32
    %dma_wait3A_289 = arith.constant 0 : i32
    %dma_wait3A_290 = tpu.memref_slice %arg6[%dma_wait3A_288, %dma_wait3A_289] : memref<4608x128xf32, #tpu.memory_space<hbm>> -> memref<4608x128xf32, #tpu.memory_space<hbm>>
    tpu.wait_indirect_dma semaphore(%arg15 : memref<!tpu.dma_semaphore, #tpu.memory_space<semaphore_mem>>) src(%dma_wait3A_284 : memref<16x128xf32, #tpu.memory_space<vmem>>) dst(%dma_wait3A_290 : memref<4608x128xf32, #tpu.memory_space<hbm>>)
    %dma_wait3A_291 = arith.constant 2 : i32
    %dma_wait3A_292 = arith.constant 32 : i32
    %dma_wait3A_293 = arith.constant 0 : i32
    %dma_wait3A_294 = tpu.memref_slice %arg10[%dma_wait3A_292, %dma_wait3A_293] : memref<128x128xf32, #tpu.memory_space<vmem>> -> memref<16x128xf32, #tpu.memory_space<vmem>>
    %dma_wait3A_295 = arith.constant 0 : i32
    %dma_wait3A_296 = tpu.memref_slice %arg7[%dma_wait3A_291, %dma_wait3A_295] : memref<8x16xi32, #tpu.memory_space<vmem>> -> memref<1x16xi32, #tpu.memory_space<vmem>>
    %dma_wait3A_297 = tpu.memref_squeeze %dma_wait3A_296 : memref<1x16xi32, #tpu.memory_space<vmem>> -> memref<16xi32, #tpu.memory_space<vmem>>
    %dma_wait3A_298 = arith.constant 0 : i32
    %dma_wait3A_299 = arith.constant 0 : i32
    %dma_wait3A_300 = tpu.memref_slice %arg6[%dma_wait3A_298, %dma_wait3A_299] : memref<4608x128xf32, #tpu.memory_space<hbm>> -> memref<4608x128xf32, #tpu.memory_space<hbm>>
    tpu.wait_indirect_dma semaphore(%arg15 : memref<!tpu.dma_semaphore, #tpu.memory_space<semaphore_mem>>) src(%dma_wait3A_294 : memref<16x128xf32, #tpu.memory_space<vmem>>) dst(%dma_wait3A_300 : memref<4608x128xf32, #tpu.memory_space<hbm>>)
    %dma_wait3A_301 = arith.constant 3 : i32
    %dma_wait3A_302 = arith.constant 48 : i32
    %dma_wait3A_303 = arith.constant 0 : i32
    %dma_wait3A_304 = tpu.memref_slice %arg10[%dma_wait3A_302, %dma_wait3A_303] : memref<128x128xf32, #tpu.memory_space<vmem>> -> memref<16x128xf32, #tpu.memory_space<vmem>>
    %dma_wait3A_305 = arith.constant 0 : i32
    %dma_wait3A_306 = tpu.memref_slice %arg7[%dma_wait3A_301, %dma_wait3A_305] : memref<8x16xi32, #tpu.memory_space<vmem>> -> memref<1x16xi32, #tpu.memory_space<vmem>>
    %dma_wait3A_307 = tpu.memref_squeeze %dma_wait3A_306 : memref<1x16xi32, #tpu.memory_space<vmem>> -> memref<16xi32, #tpu.memory_space<vmem>>
    %dma_wait3A_308 = arith.constant 0 : i32
    %dma_wait3A_309 = arith.constant 0 : i32
    %dma_wait3A_310 = tpu.memref_slice %arg6[%dma_wait3A_308, %dma_wait3A_309] : memref<4608x128xf32, #tpu.memory_space<hbm>> -> memref<4608x128xf32, #tpu.memory_space<hbm>>
    tpu.wait_indirect_dma semaphore(%arg15 : memref<!tpu.dma_semaphore, #tpu.memory_space<semaphore_mem>>) src(%dma_wait3A_304 : memref<16x128xf32, #tpu.memory_space<vmem>>) dst(%dma_wait3A_310 : memref<4608x128xf32, #tpu.memory_space<hbm>>)
    %dma_wait3A_311 = arith.constant 4 : i32
    %dma_wait3A_312 = arith.constant 64 : i32
    %dma_wait3A_313 = arith.constant 0 : i32
    %dma_wait3A_314 = tpu.memref_slice %arg10[%dma_wait3A_312, %dma_wait3A_313] : memref<128x128xf32, #tpu.memory_space<vmem>> -> memref<16x128xf32, #tpu.memory_space<vmem>>
    %dma_wait3A_315 = arith.constant 0 : i32
    %dma_wait3A_316 = tpu.memref_slice %arg7[%dma_wait3A_311, %dma_wait3A_315] : memref<8x16xi32, #tpu.memory_space<vmem>> -> memref<1x16xi32, #tpu.memory_space<vmem>>
    %dma_wait3A_317 = tpu.memref_squeeze %dma_wait3A_316 : memref<1x16xi32, #tpu.memory_space<vmem>> -> memref<16xi32, #tpu.memory_space<vmem>>
    %dma_wait3A_318 = arith.constant 0 : i32
    %dma_wait3A_319 = arith.constant 0 : i32
    %dma_wait3A_320 = tpu.memref_slice %arg6[%dma_wait3A_318, %dma_wait3A_319] : memref<4608x128xf32, #tpu.memory_space<hbm>> -> memref<4608x128xf32, #tpu.memory_space<hbm>>
    tpu.wait_indirect_dma semaphore(%arg15 : memref<!tpu.dma_semaphore, #tpu.memory_space<semaphore_mem>>) src(%dma_wait3A_314 : memref<16x128xf32, #tpu.memory_space<vmem>>) dst(%dma_wait3A_320 : memref<4608x128xf32, #tpu.memory_space<hbm>>)
    %dma_wait3A_321 = arith.constant 5 : i32
    %dma_wait3A_322 = arith.constant 80 : i32
    %dma_wait3A_323 = arith.constant 0 : i32
    %dma_wait3A_324 = tpu.memref_slice %arg10[%dma_wait3A_322, %dma_wait3A_323] : memref<128x128xf32, #tpu.memory_space<vmem>> -> memref<16x128xf32, #tpu.memory_space<vmem>>
    %dma_wait3A_325 = arith.constant 0 : i32
    %dma_wait3A_326 = tpu.memref_slice %arg7[%dma_wait3A_321, %dma_wait3A_325] : memref<8x16xi32, #tpu.memory_space<vmem>> -> memref<1x16xi32, #tpu.memory_space<vmem>>
    %dma_wait3A_327 = tpu.memref_squeeze %dma_wait3A_326 : memref<1x16xi32, #tpu.memory_space<vmem>> -> memref<16xi32, #tpu.memory_space<vmem>>
    %dma_wait3A_328 = arith.constant 0 : i32
    %dma_wait3A_329 = arith.constant 0 : i32
    %dma_wait3A_330 = tpu.memref_slice %arg6[%dma_wait3A_328, %dma_wait3A_329] : memref<4608x128xf32, #tpu.memory_space<hbm>> -> memref<4608x128xf32, #tpu.memory_space<hbm>>
    tpu.wait_indirect_dma semaphore(%arg15 : memref<!tpu.dma_semaphore, #tpu.memory_space<semaphore_mem>>) src(%dma_wait3A_324 : memref<16x128xf32, #tpu.memory_space<vmem>>) dst(%dma_wait3A_330 : memref<4608x128xf32, #tpu.memory_space<hbm>>)
    %dma_wait3A_331 = arith.constant 6 : i32
    %dma_wait3A_332 = arith.constant 96 : i32
    %dma_wait3A_333 = arith.constant 0 : i32
    %dma_wait3A_334 = tpu.memref_slice %arg10[%dma_wait3A_332, %dma_wait3A_333] : memref<128x128xf32, #tpu.memory_space<vmem>> -> memref<16x128xf32, #tpu.memory_space<vmem>>
    %dma_wait3A_335 = arith.constant 0 : i32
    %dma_wait3A_336 = tpu.memref_slice %arg7[%dma_wait3A_331, %dma_wait3A_335] : memref<8x16xi32, #tpu.memory_space<vmem>> -> memref<1x16xi32, #tpu.memory_space<vmem>>
    %dma_wait3A_337 = tpu.memref_squeeze %dma_wait3A_336 : memref<1x16xi32, #tpu.memory_space<vmem>> -> memref<16xi32, #tpu.memory_space<vmem>>
    %dma_wait3A_338 = arith.constant 0 : i32
    %dma_wait3A_339 = arith.constant 0 : i32
    %dma_wait3A_340 = tpu.memref_slice %arg6[%dma_wait3A_338, %dma_wait3A_339] : memref<4608x128xf32, #tpu.memory_space<hbm>> -> memref<4608x128xf32, #tpu.memory_space<hbm>>
    tpu.wait_indirect_dma semaphore(%arg15 : memref<!tpu.dma_semaphore, #tpu.memory_space<semaphore_mem>>) src(%dma_wait3A_334 : memref<16x128xf32, #tpu.memory_space<vmem>>) dst(%dma_wait3A_340 : memref<4608x128xf32, #tpu.memory_space<hbm>>)
    %dma_wait3A_341 = arith.constant 7 : i32
    %dma_wait3A_342 = arith.constant 112 : i32
    %dma_wait3A_343 = arith.constant 0 : i32
    %dma_wait3A_344 = tpu.memref_slice %arg10[%dma_wait3A_342, %dma_wait3A_343] : memref<128x128xf32, #tpu.memory_space<vmem>> -> memref<16x128xf32, #tpu.memory_space<vmem>>
    %dma_wait3A_345 = arith.constant 0 : i32
    %dma_wait3A_346 = tpu.memref_slice %arg7[%dma_wait3A_341, %dma_wait3A_345] : memref<8x16xi32, #tpu.memory_space<vmem>> -> memref<1x16xi32, #tpu.memory_space<vmem>>
    %dma_wait3A_347 = tpu.memref_squeeze %dma_wait3A_346 : memref<1x16xi32, #tpu.memory_space<vmem>> -> memref<16xi32, #tpu.memory_space<vmem>>
    %dma_wait3A_348 = arith.constant 0 : i32
    %dma_wait3A_349 = arith.constant 0 : i32
    %dma_wait3A_350 = tpu.memref_slice %arg6[%dma_wait3A_348, %dma_wait3A_349] : memref<4608x128xf32, #tpu.memory_space<hbm>> -> memref<4608x128xf32, #tpu.memory_space<hbm>>
    tpu.wait_indirect_dma semaphore(%arg15 : memref<!tpu.dma_semaphore, #tpu.memory_space<semaphore_mem>>) src(%dma_wait3A_344 : memref<16x128xf32, #tpu.memory_space<vmem>>) dst(%dma_wait3A_350 : memref<4608x128xf32, #tpu.memory_space<hbm>>)
    return
  }
}

#map = affine_map<(d0, d1) -> (0, 0)>
#map1 = affine_map<(d0, d1) -> (0, 0, 0)>
module attributes {stable_mosaic.version = 14 : i64} {
  func.func @combine_sc(%arg0: i32, %arg1: i32, %arg2: memref<4608x2048xf32, #tpu.memory_space<hbm>>, %arg3: memref<32x8x16xi32, #tpu.memory_space<hbm>>, %arg4: memref<4096x2048xf32, #tpu.memory_space<hbm>>, %arg5: memref<8x16xi32, #tpu.memory_space<vmem>>, %arg6: memref<16x2048xf32, #tpu.memory_space<vmem>>, %arg7: memref<16x2048xf32, #tpu.memory_space<vmem>>, %arg8: memref<!tpu.dma_semaphore, #tpu.memory_space<semaphore_mem>>, %arg9: memref<!tpu.dma_semaphore, #tpu.memory_space<semaphore_mem>>, %arg10: memref<!tpu.dma_semaphore, #tpu.memory_space<semaphore_mem>>, %arg11: memref<!tpu.dma_semaphore, #tpu.memory_space<semaphore_mem>>) attributes {dimension_semantics = [#tpu.dimension_semantics<core_parallel>, #tpu.dimension_semantics<subcore_parallel>], iteration_bounds = array<i64: 2, 16>, scalar_prefetch = 0 : i64, scratch_operands = 7 : i64, tpu.core_type = #tpu.core_type<sc_vector_subcore>, window_params = [{transform_indices = #map}, {transform_indices = #map1}, {transform_indices = #map}]} {
    %mul3A = arith.constant 2 : i32
    %mul3A_0 = arith.muli %arg1, %mul3A : i32
    %add3A = arith.addi %mul3A_0, %arg0 : i32
    %mul3A_1 = arith.constant 128 : i32
    %mul3A_2 = arith.muli %add3A, %mul3A_1 : i32
    "tpu.region"() ({
      %run_scoped3A = tpu.sem_alloc : memref<!tpu.dma_semaphore, #tpu.memory_space<semaphore_mem>>
      %dma_start3A_193 = arith.constant 0 : i32
      %dma_start3A_194 = arith.constant 0 : i32
      %dma_start3A_195 = tpu.memref_slice %arg3[%add3A, %dma_start3A_193, %dma_start3A_194] : memref<32x8x16xi32, #tpu.memory_space<hbm>> -> memref<1x8x16xi32, #tpu.memory_space<hbm>>
      %dma_start3A_196 = tpu.memref_squeeze %dma_start3A_195 : memref<1x8x16xi32, #tpu.memory_space<hbm>> -> memref<8x16xi32, #tpu.memory_space<hbm>>
      %dma_start3A_197 = arith.constant 0 : i32
      %dma_start3A_198 = arith.constant 0 : i32
      %dma_start3A_199 = tpu.memref_slice %arg3[%add3A, %dma_start3A_197, %dma_start3A_198] : memref<32x8x16xi32, #tpu.memory_space<hbm>> -> memref<1x8x16xi32, #tpu.memory_space<hbm>>
      %dma_start3A_200 = tpu.memref_squeeze %dma_start3A_199 : memref<1x8x16xi32, #tpu.memory_space<hbm>> -> memref<8x16xi32, #tpu.memory_space<hbm>>
      tpu.enqueue_dma source(%dma_start3A_200 : memref<8x16xi32, #tpu.memory_space<hbm>>) target(%arg5 : memref<8x16xi32, #tpu.memory_space<vmem>>) target_semaphore(%run_scoped3A : memref<!tpu.dma_semaphore, #tpu.memory_space<semaphore_mem>>)
      %dma_wait3A_201 = arith.constant 0 : i32
      %dma_wait3A_202 = arith.constant 0 : i32
      %dma_wait3A_203 = tpu.memref_slice %arg3[%add3A, %dma_wait3A_201, %dma_wait3A_202] : memref<32x8x16xi32, #tpu.memory_space<hbm>> -> memref<1x8x16xi32, #tpu.memory_space<hbm>>
      %dma_wait3A_204 = tpu.memref_squeeze %dma_wait3A_203 : memref<1x8x16xi32, #tpu.memory_space<hbm>> -> memref<8x16xi32, #tpu.memory_space<hbm>>
      %dma_wait3A_205 = arith.constant 0 : i32
      %dma_wait3A_206 = arith.constant 0 : i32
      %dma_wait3A_207 = tpu.memref_slice %arg3[%add3A, %dma_wait3A_205, %dma_wait3A_206] : memref<32x8x16xi32, #tpu.memory_space<hbm>> -> memref<1x8x16xi32, #tpu.memory_space<hbm>>
      %dma_wait3A_208 = tpu.memref_squeeze %dma_wait3A_207 : memref<1x8x16xi32, #tpu.memory_space<hbm>> -> memref<8x16xi32, #tpu.memory_space<hbm>>
      tpu.wait_dma2 semaphore(%run_scoped3A : memref<!tpu.dma_semaphore, #tpu.memory_space<semaphore_mem>>) src(%dma_wait3A_208 : memref<8x16xi32, #tpu.memory_space<hbm>>) dst(%arg5 : memref<8x16xi32, #tpu.memory_space<vmem>>)
      tpu.yield
    }) : () -> ()
    %dma_start3A = arith.constant 0 : i32
    %dma_start3A_3 = arith.constant 0 : i32
    %dma_start3A_4 = tpu.memref_slice %arg5[%dma_start3A, %dma_start3A_3] : memref<8x16xi32, #tpu.memory_space<vmem>> -> memref<1x16xi32, #tpu.memory_space<vmem>>
    %dma_start3A_5 = tpu.memref_squeeze %dma_start3A_4 : memref<1x16xi32, #tpu.memory_space<vmem>> -> memref<16xi32, #tpu.memory_space<vmem>>
    %dma_start3A_6 = arith.constant 0 : i32
    %dma_start3A_7 = arith.constant 0 : i32
    %dma_start3A_8 = tpu.memref_slice %arg2[%dma_start3A_6, %dma_start3A_7] : memref<4608x2048xf32, #tpu.memory_space<hbm>> -> memref<4608x2048xf32, #tpu.memory_space<hbm>>
    tpu.enqueue_indirect_dma source(%dma_start3A_8 : memref<4608x2048xf32, #tpu.memory_space<hbm>>) target(%arg6 : memref<16x2048xf32, #tpu.memory_space<vmem>>) offsets(%dma_start3A_5 : memref<16xi32, #tpu.memory_space<vmem>>) semaphore(%arg8 : memref<!tpu.dma_semaphore, #tpu.memory_space<semaphore_mem>>)
    %dma_wait3A = arith.constant 0 : i32
    %dma_wait3A_9 = arith.constant 0 : i32
    %dma_wait3A_10 = tpu.memref_slice %arg5[%dma_wait3A, %dma_wait3A_9] : memref<8x16xi32, #tpu.memory_space<vmem>> -> memref<1x16xi32, #tpu.memory_space<vmem>>
    %dma_wait3A_11 = tpu.memref_squeeze %dma_wait3A_10 : memref<1x16xi32, #tpu.memory_space<vmem>> -> memref<16xi32, #tpu.memory_space<vmem>>
    %dma_wait3A_12 = arith.constant 0 : i32
    %dma_wait3A_13 = arith.constant 0 : i32
    %dma_wait3A_14 = tpu.memref_slice %arg2[%dma_wait3A_12, %dma_wait3A_13] : memref<4608x2048xf32, #tpu.memory_space<hbm>> -> memref<4608x2048xf32, #tpu.memory_space<hbm>>
    tpu.wait_indirect_dma semaphore(%arg8 : memref<!tpu.dma_semaphore, #tpu.memory_space<semaphore_mem>>) src(%dma_wait3A_14 : memref<4608x2048xf32, #tpu.memory_space<hbm>>) dst(%arg6 : memref<16x2048xf32, #tpu.memory_space<vmem>>)
    %dma_start3A_15 = arith.constant 1 : i32
    %dma_start3A_16 = arith.constant 0 : i32
    %dma_start3A_17 = tpu.memref_slice %arg5[%dma_start3A_15, %dma_start3A_16] : memref<8x16xi32, #tpu.memory_space<vmem>> -> memref<1x16xi32, #tpu.memory_space<vmem>>
    %dma_start3A_18 = tpu.memref_squeeze %dma_start3A_17 : memref<1x16xi32, #tpu.memory_space<vmem>> -> memref<16xi32, #tpu.memory_space<vmem>>
    %dma_start3A_19 = arith.constant 0 : i32
    %dma_start3A_20 = arith.constant 0 : i32
    %dma_start3A_21 = tpu.memref_slice %arg2[%dma_start3A_19, %dma_start3A_20] : memref<4608x2048xf32, #tpu.memory_space<hbm>> -> memref<4608x2048xf32, #tpu.memory_space<hbm>>
    tpu.enqueue_indirect_dma source(%dma_start3A_21 : memref<4608x2048xf32, #tpu.memory_space<hbm>>) target(%arg7 : memref<16x2048xf32, #tpu.memory_space<vmem>>) offsets(%dma_start3A_18 : memref<16xi32, #tpu.memory_space<vmem>>) semaphore(%arg9 : memref<!tpu.dma_semaphore, #tpu.memory_space<semaphore_mem>>)
    %add3A_22 = arith.constant 0 : i32
    %add3A_23 = arith.addi %mul3A_2, %add3A_22 : i32
    %dma_start3A_24 = arith.constant 0 : i32
    %dma_start3A_25 = tpu.memref_slice %arg4[%add3A_23, %dma_start3A_24] : memref<4096x2048xf32, #tpu.memory_space<hbm>> -> memref<16x2048xf32, #tpu.memory_space<hbm>>
    %dma_start3A_26 = arith.constant 0 : i32
    %dma_start3A_27 = tpu.memref_slice %arg4[%add3A_23, %dma_start3A_26] : memref<4096x2048xf32, #tpu.memory_space<hbm>> -> memref<16x2048xf32, #tpu.memory_space<hbm>>
    tpu.enqueue_dma source(%arg6 : memref<16x2048xf32, #tpu.memory_space<vmem>>) target(%dma_start3A_27 : memref<16x2048xf32, #tpu.memory_space<hbm>>) target_semaphore(%arg10 : memref<!tpu.dma_semaphore, #tpu.memory_space<semaphore_mem>>)
    %dma_wait3A_28 = arith.constant 1 : i32
    %dma_wait3A_29 = arith.constant 0 : i32
    %dma_wait3A_30 = tpu.memref_slice %arg5[%dma_wait3A_28, %dma_wait3A_29] : memref<8x16xi32, #tpu.memory_space<vmem>> -> memref<1x16xi32, #tpu.memory_space<vmem>>
    %dma_wait3A_31 = tpu.memref_squeeze %dma_wait3A_30 : memref<1x16xi32, #tpu.memory_space<vmem>> -> memref<16xi32, #tpu.memory_space<vmem>>
    %dma_wait3A_32 = arith.constant 0 : i32
    %dma_wait3A_33 = arith.constant 0 : i32
    %dma_wait3A_34 = tpu.memref_slice %arg2[%dma_wait3A_32, %dma_wait3A_33] : memref<4608x2048xf32, #tpu.memory_space<hbm>> -> memref<4608x2048xf32, #tpu.memory_space<hbm>>
    tpu.wait_indirect_dma semaphore(%arg9 : memref<!tpu.dma_semaphore, #tpu.memory_space<semaphore_mem>>) src(%dma_wait3A_34 : memref<4608x2048xf32, #tpu.memory_space<hbm>>) dst(%arg7 : memref<16x2048xf32, #tpu.memory_space<vmem>>)
    %dma_wait3A_35 = arith.constant 0 : i32
    %dma_wait3A_36 = tpu.memref_slice %arg4[%add3A_23, %dma_wait3A_35] : memref<4096x2048xf32, #tpu.memory_space<hbm>> -> memref<16x2048xf32, #tpu.memory_space<hbm>>
    %dma_wait3A_37 = arith.constant 0 : i32
    %dma_wait3A_38 = tpu.memref_slice %arg4[%add3A_23, %dma_wait3A_37] : memref<4096x2048xf32, #tpu.memory_space<hbm>> -> memref<16x2048xf32, #tpu.memory_space<hbm>>
    tpu.wait_dma2 semaphore(%arg10 : memref<!tpu.dma_semaphore, #tpu.memory_space<semaphore_mem>>) src(%arg6 : memref<16x2048xf32, #tpu.memory_space<vmem>>) dst(%dma_wait3A_38 : memref<16x2048xf32, #tpu.memory_space<hbm>>)
    %dma_start3A_39 = arith.constant 2 : i32
    %dma_start3A_40 = arith.constant 0 : i32
    %dma_start3A_41 = tpu.memref_slice %arg5[%dma_start3A_39, %dma_start3A_40] : memref<8x16xi32, #tpu.memory_space<vmem>> -> memref<1x16xi32, #tpu.memory_space<vmem>>
    %dma_start3A_42 = tpu.memref_squeeze %dma_start3A_41 : memref<1x16xi32, #tpu.memory_space<vmem>> -> memref<16xi32, #tpu.memory_space<vmem>>
    %dma_start3A_43 = arith.constant 0 : i32
    %dma_start3A_44 = arith.constant 0 : i32
    %dma_start3A_45 = tpu.memref_slice %arg2[%dma_start3A_43, %dma_start3A_44] : memref<4608x2048xf32, #tpu.memory_space<hbm>> -> memref<4608x2048xf32, #tpu.memory_space<hbm>>
    tpu.enqueue_indirect_dma source(%dma_start3A_45 : memref<4608x2048xf32, #tpu.memory_space<hbm>>) target(%arg6 : memref<16x2048xf32, #tpu.memory_space<vmem>>) offsets(%dma_start3A_42 : memref<16xi32, #tpu.memory_space<vmem>>) semaphore(%arg8 : memref<!tpu.dma_semaphore, #tpu.memory_space<semaphore_mem>>)
    %add3A_46 = arith.constant 16 : i32
    %add3A_47 = arith.addi %mul3A_2, %add3A_46 : i32
    %dma_start3A_48 = arith.constant 0 : i32
    %dma_start3A_49 = tpu.memref_slice %arg4[%add3A_47, %dma_start3A_48] : memref<4096x2048xf32, #tpu.memory_space<hbm>> -> memref<16x2048xf32, #tpu.memory_space<hbm>>
    %dma_start3A_50 = arith.constant 0 : i32
    %dma_start3A_51 = tpu.memref_slice %arg4[%add3A_47, %dma_start3A_50] : memref<4096x2048xf32, #tpu.memory_space<hbm>> -> memref<16x2048xf32, #tpu.memory_space<hbm>>
    tpu.enqueue_dma source(%arg7 : memref<16x2048xf32, #tpu.memory_space<vmem>>) target(%dma_start3A_51 : memref<16x2048xf32, #tpu.memory_space<hbm>>) target_semaphore(%arg11 : memref<!tpu.dma_semaphore, #tpu.memory_space<semaphore_mem>>)
    %dma_wait3A_52 = arith.constant 2 : i32
    %dma_wait3A_53 = arith.constant 0 : i32
    %dma_wait3A_54 = tpu.memref_slice %arg5[%dma_wait3A_52, %dma_wait3A_53] : memref<8x16xi32, #tpu.memory_space<vmem>> -> memref<1x16xi32, #tpu.memory_space<vmem>>
    %dma_wait3A_55 = tpu.memref_squeeze %dma_wait3A_54 : memref<1x16xi32, #tpu.memory_space<vmem>> -> memref<16xi32, #tpu.memory_space<vmem>>
    %dma_wait3A_56 = arith.constant 0 : i32
    %dma_wait3A_57 = arith.constant 0 : i32
    %dma_wait3A_58 = tpu.memref_slice %arg2[%dma_wait3A_56, %dma_wait3A_57] : memref<4608x2048xf32, #tpu.memory_space<hbm>> -> memref<4608x2048xf32, #tpu.memory_space<hbm>>
    tpu.wait_indirect_dma semaphore(%arg8 : memref<!tpu.dma_semaphore, #tpu.memory_space<semaphore_mem>>) src(%dma_wait3A_58 : memref<4608x2048xf32, #tpu.memory_space<hbm>>) dst(%arg6 : memref<16x2048xf32, #tpu.memory_space<vmem>>)
    %dma_wait3A_59 = arith.constant 0 : i32
    %dma_wait3A_60 = tpu.memref_slice %arg4[%add3A_47, %dma_wait3A_59] : memref<4096x2048xf32, #tpu.memory_space<hbm>> -> memref<16x2048xf32, #tpu.memory_space<hbm>>
    %dma_wait3A_61 = arith.constant 0 : i32
    %dma_wait3A_62 = tpu.memref_slice %arg4[%add3A_47, %dma_wait3A_61] : memref<4096x2048xf32, #tpu.memory_space<hbm>> -> memref<16x2048xf32, #tpu.memory_space<hbm>>
    tpu.wait_dma2 semaphore(%arg11 : memref<!tpu.dma_semaphore, #tpu.memory_space<semaphore_mem>>) src(%arg7 : memref<16x2048xf32, #tpu.memory_space<vmem>>) dst(%dma_wait3A_62 : memref<16x2048xf32, #tpu.memory_space<hbm>>)
    %dma_start3A_63 = arith.constant 3 : i32
    %dma_start3A_64 = arith.constant 0 : i32
    %dma_start3A_65 = tpu.memref_slice %arg5[%dma_start3A_63, %dma_start3A_64] : memref<8x16xi32, #tpu.memory_space<vmem>> -> memref<1x16xi32, #tpu.memory_space<vmem>>
    %dma_start3A_66 = tpu.memref_squeeze %dma_start3A_65 : memref<1x16xi32, #tpu.memory_space<vmem>> -> memref<16xi32, #tpu.memory_space<vmem>>
    %dma_start3A_67 = arith.constant 0 : i32
    %dma_start3A_68 = arith.constant 0 : i32
    %dma_start3A_69 = tpu.memref_slice %arg2[%dma_start3A_67, %dma_start3A_68] : memref<4608x2048xf32, #tpu.memory_space<hbm>> -> memref<4608x2048xf32, #tpu.memory_space<hbm>>
    tpu.enqueue_indirect_dma source(%dma_start3A_69 : memref<4608x2048xf32, #tpu.memory_space<hbm>>) target(%arg7 : memref<16x2048xf32, #tpu.memory_space<vmem>>) offsets(%dma_start3A_66 : memref<16xi32, #tpu.memory_space<vmem>>) semaphore(%arg9 : memref<!tpu.dma_semaphore, #tpu.memory_space<semaphore_mem>>)
    %add3A_70 = arith.constant 32 : i32
    %add3A_71 = arith.addi %mul3A_2, %add3A_70 : i32
    %dma_start3A_72 = arith.constant 0 : i32
    %dma_start3A_73 = tpu.memref_slice %arg4[%add3A_71, %dma_start3A_72] : memref<4096x2048xf32, #tpu.memory_space<hbm>> -> memref<16x2048xf32, #tpu.memory_space<hbm>>
    %dma_start3A_74 = arith.constant 0 : i32
    %dma_start3A_75 = tpu.memref_slice %arg4[%add3A_71, %dma_start3A_74] : memref<4096x2048xf32, #tpu.memory_space<hbm>> -> memref<16x2048xf32, #tpu.memory_space<hbm>>
    tpu.enqueue_dma source(%arg6 : memref<16x2048xf32, #tpu.memory_space<vmem>>) target(%dma_start3A_75 : memref<16x2048xf32, #tpu.memory_space<hbm>>) target_semaphore(%arg10 : memref<!tpu.dma_semaphore, #tpu.memory_space<semaphore_mem>>)
    %dma_wait3A_76 = arith.constant 3 : i32
    %dma_wait3A_77 = arith.constant 0 : i32
    %dma_wait3A_78 = tpu.memref_slice %arg5[%dma_wait3A_76, %dma_wait3A_77] : memref<8x16xi32, #tpu.memory_space<vmem>> -> memref<1x16xi32, #tpu.memory_space<vmem>>
    %dma_wait3A_79 = tpu.memref_squeeze %dma_wait3A_78 : memref<1x16xi32, #tpu.memory_space<vmem>> -> memref<16xi32, #tpu.memory_space<vmem>>
    %dma_wait3A_80 = arith.constant 0 : i32
    %dma_wait3A_81 = arith.constant 0 : i32
    %dma_wait3A_82 = tpu.memref_slice %arg2[%dma_wait3A_80, %dma_wait3A_81] : memref<4608x2048xf32, #tpu.memory_space<hbm>> -> memref<4608x2048xf32, #tpu.memory_space<hbm>>
    tpu.wait_indirect_dma semaphore(%arg9 : memref<!tpu.dma_semaphore, #tpu.memory_space<semaphore_mem>>) src(%dma_wait3A_82 : memref<4608x2048xf32, #tpu.memory_space<hbm>>) dst(%arg7 : memref<16x2048xf32, #tpu.memory_space<vmem>>)
    %dma_wait3A_83 = arith.constant 0 : i32
    %dma_wait3A_84 = tpu.memref_slice %arg4[%add3A_71, %dma_wait3A_83] : memref<4096x2048xf32, #tpu.memory_space<hbm>> -> memref<16x2048xf32, #tpu.memory_space<hbm>>
    %dma_wait3A_85 = arith.constant 0 : i32
    %dma_wait3A_86 = tpu.memref_slice %arg4[%add3A_71, %dma_wait3A_85] : memref<4096x2048xf32, #tpu.memory_space<hbm>> -> memref<16x2048xf32, #tpu.memory_space<hbm>>
    tpu.wait_dma2 semaphore(%arg10 : memref<!tpu.dma_semaphore, #tpu.memory_space<semaphore_mem>>) src(%arg6 : memref<16x2048xf32, #tpu.memory_space<vmem>>) dst(%dma_wait3A_86 : memref<16x2048xf32, #tpu.memory_space<hbm>>)
    %dma_start3A_87 = arith.constant 4 : i32
    %dma_start3A_88 = arith.constant 0 : i32
    %dma_start3A_89 = tpu.memref_slice %arg5[%dma_start3A_87, %dma_start3A_88] : memref<8x16xi32, #tpu.memory_space<vmem>> -> memref<1x16xi32, #tpu.memory_space<vmem>>
    %dma_start3A_90 = tpu.memref_squeeze %dma_start3A_89 : memref<1x16xi32, #tpu.memory_space<vmem>> -> memref<16xi32, #tpu.memory_space<vmem>>
    %dma_start3A_91 = arith.constant 0 : i32
    %dma_start3A_92 = arith.constant 0 : i32
    %dma_start3A_93 = tpu.memref_slice %arg2[%dma_start3A_91, %dma_start3A_92] : memref<4608x2048xf32, #tpu.memory_space<hbm>> -> memref<4608x2048xf32, #tpu.memory_space<hbm>>
    tpu.enqueue_indirect_dma source(%dma_start3A_93 : memref<4608x2048xf32, #tpu.memory_space<hbm>>) target(%arg6 : memref<16x2048xf32, #tpu.memory_space<vmem>>) offsets(%dma_start3A_90 : memref<16xi32, #tpu.memory_space<vmem>>) semaphore(%arg8 : memref<!tpu.dma_semaphore, #tpu.memory_space<semaphore_mem>>)
    %add3A_94 = arith.constant 48 : i32
    %add3A_95 = arith.addi %mul3A_2, %add3A_94 : i32
    %dma_start3A_96 = arith.constant 0 : i32
    %dma_start3A_97 = tpu.memref_slice %arg4[%add3A_95, %dma_start3A_96] : memref<4096x2048xf32, #tpu.memory_space<hbm>> -> memref<16x2048xf32, #tpu.memory_space<hbm>>
    %dma_start3A_98 = arith.constant 0 : i32
    %dma_start3A_99 = tpu.memref_slice %arg4[%add3A_95, %dma_start3A_98] : memref<4096x2048xf32, #tpu.memory_space<hbm>> -> memref<16x2048xf32, #tpu.memory_space<hbm>>
    tpu.enqueue_dma source(%arg7 : memref<16x2048xf32, #tpu.memory_space<vmem>>) target(%dma_start3A_99 : memref<16x2048xf32, #tpu.memory_space<hbm>>) target_semaphore(%arg11 : memref<!tpu.dma_semaphore, #tpu.memory_space<semaphore_mem>>)
    %dma_wait3A_100 = arith.constant 4 : i32
    %dma_wait3A_101 = arith.constant 0 : i32
    %dma_wait3A_102 = tpu.memref_slice %arg5[%dma_wait3A_100, %dma_wait3A_101] : memref<8x16xi32, #tpu.memory_space<vmem>> -> memref<1x16xi32, #tpu.memory_space<vmem>>
    %dma_wait3A_103 = tpu.memref_squeeze %dma_wait3A_102 : memref<1x16xi32, #tpu.memory_space<vmem>> -> memref<16xi32, #tpu.memory_space<vmem>>
    %dma_wait3A_104 = arith.constant 0 : i32
    %dma_wait3A_105 = arith.constant 0 : i32
    %dma_wait3A_106 = tpu.memref_slice %arg2[%dma_wait3A_104, %dma_wait3A_105] : memref<4608x2048xf32, #tpu.memory_space<hbm>> -> memref<4608x2048xf32, #tpu.memory_space<hbm>>
    tpu.wait_indirect_dma semaphore(%arg8 : memref<!tpu.dma_semaphore, #tpu.memory_space<semaphore_mem>>) src(%dma_wait3A_106 : memref<4608x2048xf32, #tpu.memory_space<hbm>>) dst(%arg6 : memref<16x2048xf32, #tpu.memory_space<vmem>>)
    %dma_wait3A_107 = arith.constant 0 : i32
    %dma_wait3A_108 = tpu.memref_slice %arg4[%add3A_95, %dma_wait3A_107] : memref<4096x2048xf32, #tpu.memory_space<hbm>> -> memref<16x2048xf32, #tpu.memory_space<hbm>>
    %dma_wait3A_109 = arith.constant 0 : i32
    %dma_wait3A_110 = tpu.memref_slice %arg4[%add3A_95, %dma_wait3A_109] : memref<4096x2048xf32, #tpu.memory_space<hbm>> -> memref<16x2048xf32, #tpu.memory_space<hbm>>
    tpu.wait_dma2 semaphore(%arg11 : memref<!tpu.dma_semaphore, #tpu.memory_space<semaphore_mem>>) src(%arg7 : memref<16x2048xf32, #tpu.memory_space<vmem>>) dst(%dma_wait3A_110 : memref<16x2048xf32, #tpu.memory_space<hbm>>)
    %dma_start3A_111 = arith.constant 5 : i32
    %dma_start3A_112 = arith.constant 0 : i32
    %dma_start3A_113 = tpu.memref_slice %arg5[%dma_start3A_111, %dma_start3A_112] : memref<8x16xi32, #tpu.memory_space<vmem>> -> memref<1x16xi32, #tpu.memory_space<vmem>>
    %dma_start3A_114 = tpu.memref_squeeze %dma_start3A_113 : memref<1x16xi32, #tpu.memory_space<vmem>> -> memref<16xi32, #tpu.memory_space<vmem>>
    %dma_start3A_115 = arith.constant 0 : i32
    %dma_start3A_116 = arith.constant 0 : i32
    %dma_start3A_117 = tpu.memref_slice %arg2[%dma_start3A_115, %dma_start3A_116] : memref<4608x2048xf32, #tpu.memory_space<hbm>> -> memref<4608x2048xf32, #tpu.memory_space<hbm>>
    tpu.enqueue_indirect_dma source(%dma_start3A_117 : memref<4608x2048xf32, #tpu.memory_space<hbm>>) target(%arg7 : memref<16x2048xf32, #tpu.memory_space<vmem>>) offsets(%dma_start3A_114 : memref<16xi32, #tpu.memory_space<vmem>>) semaphore(%arg9 : memref<!tpu.dma_semaphore, #tpu.memory_space<semaphore_mem>>)
    %add3A_118 = arith.constant 64 : i32
    %add3A_119 = arith.addi %mul3A_2, %add3A_118 : i32
    %dma_start3A_120 = arith.constant 0 : i32
    %dma_start3A_121 = tpu.memref_slice %arg4[%add3A_119, %dma_start3A_120] : memref<4096x2048xf32, #tpu.memory_space<hbm>> -> memref<16x2048xf32, #tpu.memory_space<hbm>>
    %dma_start3A_122 = arith.constant 0 : i32
    %dma_start3A_123 = tpu.memref_slice %arg4[%add3A_119, %dma_start3A_122] : memref<4096x2048xf32, #tpu.memory_space<hbm>> -> memref<16x2048xf32, #tpu.memory_space<hbm>>
    tpu.enqueue_dma source(%arg6 : memref<16x2048xf32, #tpu.memory_space<vmem>>) target(%dma_start3A_123 : memref<16x2048xf32, #tpu.memory_space<hbm>>) target_semaphore(%arg10 : memref<!tpu.dma_semaphore, #tpu.memory_space<semaphore_mem>>)
    %dma_wait3A_124 = arith.constant 5 : i32
    %dma_wait3A_125 = arith.constant 0 : i32
    %dma_wait3A_126 = tpu.memref_slice %arg5[%dma_wait3A_124, %dma_wait3A_125] : memref<8x16xi32, #tpu.memory_space<vmem>> -> memref<1x16xi32, #tpu.memory_space<vmem>>
    %dma_wait3A_127 = tpu.memref_squeeze %dma_wait3A_126 : memref<1x16xi32, #tpu.memory_space<vmem>> -> memref<16xi32, #tpu.memory_space<vmem>>
    %dma_wait3A_128 = arith.constant 0 : i32
    %dma_wait3A_129 = arith.constant 0 : i32
    %dma_wait3A_130 = tpu.memref_slice %arg2[%dma_wait3A_128, %dma_wait3A_129] : memref<4608x2048xf32, #tpu.memory_space<hbm>> -> memref<4608x2048xf32, #tpu.memory_space<hbm>>
    tpu.wait_indirect_dma semaphore(%arg9 : memref<!tpu.dma_semaphore, #tpu.memory_space<semaphore_mem>>) src(%dma_wait3A_130 : memref<4608x2048xf32, #tpu.memory_space<hbm>>) dst(%arg7 : memref<16x2048xf32, #tpu.memory_space<vmem>>)
    %dma_wait3A_131 = arith.constant 0 : i32
    %dma_wait3A_132 = tpu.memref_slice %arg4[%add3A_119, %dma_wait3A_131] : memref<4096x2048xf32, #tpu.memory_space<hbm>> -> memref<16x2048xf32, #tpu.memory_space<hbm>>
    %dma_wait3A_133 = arith.constant 0 : i32
    %dma_wait3A_134 = tpu.memref_slice %arg4[%add3A_119, %dma_wait3A_133] : memref<4096x2048xf32, #tpu.memory_space<hbm>> -> memref<16x2048xf32, #tpu.memory_space<hbm>>
    tpu.wait_dma2 semaphore(%arg10 : memref<!tpu.dma_semaphore, #tpu.memory_space<semaphore_mem>>) src(%arg6 : memref<16x2048xf32, #tpu.memory_space<vmem>>) dst(%dma_wait3A_134 : memref<16x2048xf32, #tpu.memory_space<hbm>>)
    %dma_start3A_135 = arith.constant 6 : i32
    %dma_start3A_136 = arith.constant 0 : i32
    %dma_start3A_137 = tpu.memref_slice %arg5[%dma_start3A_135, %dma_start3A_136] : memref<8x16xi32, #tpu.memory_space<vmem>> -> memref<1x16xi32, #tpu.memory_space<vmem>>
    %dma_start3A_138 = tpu.memref_squeeze %dma_start3A_137 : memref<1x16xi32, #tpu.memory_space<vmem>> -> memref<16xi32, #tpu.memory_space<vmem>>
    %dma_start3A_139 = arith.constant 0 : i32
    %dma_start3A_140 = arith.constant 0 : i32
    %dma_start3A_141 = tpu.memref_slice %arg2[%dma_start3A_139, %dma_start3A_140] : memref<4608x2048xf32, #tpu.memory_space<hbm>> -> memref<4608x2048xf32, #tpu.memory_space<hbm>>
    tpu.enqueue_indirect_dma source(%dma_start3A_141 : memref<4608x2048xf32, #tpu.memory_space<hbm>>) target(%arg6 : memref<16x2048xf32, #tpu.memory_space<vmem>>) offsets(%dma_start3A_138 : memref<16xi32, #tpu.memory_space<vmem>>) semaphore(%arg8 : memref<!tpu.dma_semaphore, #tpu.memory_space<semaphore_mem>>)
    %add3A_142 = arith.constant 80 : i32
    %add3A_143 = arith.addi %mul3A_2, %add3A_142 : i32
    %dma_start3A_144 = arith.constant 0 : i32
    %dma_start3A_145 = tpu.memref_slice %arg4[%add3A_143, %dma_start3A_144] : memref<4096x2048xf32, #tpu.memory_space<hbm>> -> memref<16x2048xf32, #tpu.memory_space<hbm>>
    %dma_start3A_146 = arith.constant 0 : i32
    %dma_start3A_147 = tpu.memref_slice %arg4[%add3A_143, %dma_start3A_146] : memref<4096x2048xf32, #tpu.memory_space<hbm>> -> memref<16x2048xf32, #tpu.memory_space<hbm>>
    tpu.enqueue_dma source(%arg7 : memref<16x2048xf32, #tpu.memory_space<vmem>>) target(%dma_start3A_147 : memref<16x2048xf32, #tpu.memory_space<hbm>>) target_semaphore(%arg11 : memref<!tpu.dma_semaphore, #tpu.memory_space<semaphore_mem>>)
    %dma_wait3A_148 = arith.constant 6 : i32
    %dma_wait3A_149 = arith.constant 0 : i32
    %dma_wait3A_150 = tpu.memref_slice %arg5[%dma_wait3A_148, %dma_wait3A_149] : memref<8x16xi32, #tpu.memory_space<vmem>> -> memref<1x16xi32, #tpu.memory_space<vmem>>
    %dma_wait3A_151 = tpu.memref_squeeze %dma_wait3A_150 : memref<1x16xi32, #tpu.memory_space<vmem>> -> memref<16xi32, #tpu.memory_space<vmem>>
    %dma_wait3A_152 = arith.constant 0 : i32
    %dma_wait3A_153 = arith.constant 0 : i32
    %dma_wait3A_154 = tpu.memref_slice %arg2[%dma_wait3A_152, %dma_wait3A_153] : memref<4608x2048xf32, #tpu.memory_space<hbm>> -> memref<4608x2048xf32, #tpu.memory_space<hbm>>
    tpu.wait_indirect_dma semaphore(%arg8 : memref<!tpu.dma_semaphore, #tpu.memory_space<semaphore_mem>>) src(%dma_wait3A_154 : memref<4608x2048xf32, #tpu.memory_space<hbm>>) dst(%arg6 : memref<16x2048xf32, #tpu.memory_space<vmem>>)
    %dma_wait3A_155 = arith.constant 0 : i32
    %dma_wait3A_156 = tpu.memref_slice %arg4[%add3A_143, %dma_wait3A_155] : memref<4096x2048xf32, #tpu.memory_space<hbm>> -> memref<16x2048xf32, #tpu.memory_space<hbm>>
    %dma_wait3A_157 = arith.constant 0 : i32
    %dma_wait3A_158 = tpu.memref_slice %arg4[%add3A_143, %dma_wait3A_157] : memref<4096x2048xf32, #tpu.memory_space<hbm>> -> memref<16x2048xf32, #tpu.memory_space<hbm>>
    tpu.wait_dma2 semaphore(%arg11 : memref<!tpu.dma_semaphore, #tpu.memory_space<semaphore_mem>>) src(%arg7 : memref<16x2048xf32, #tpu.memory_space<vmem>>) dst(%dma_wait3A_158 : memref<16x2048xf32, #tpu.memory_space<hbm>>)
    %dma_start3A_159 = arith.constant 7 : i32
    %dma_start3A_160 = arith.constant 0 : i32
    %dma_start3A_161 = tpu.memref_slice %arg5[%dma_start3A_159, %dma_start3A_160] : memref<8x16xi32, #tpu.memory_space<vmem>> -> memref<1x16xi32, #tpu.memory_space<vmem>>
    %dma_start3A_162 = tpu.memref_squeeze %dma_start3A_161 : memref<1x16xi32, #tpu.memory_space<vmem>> -> memref<16xi32, #tpu.memory_space<vmem>>
    %dma_start3A_163 = arith.constant 0 : i32
    %dma_start3A_164 = arith.constant 0 : i32
    %dma_start3A_165 = tpu.memref_slice %arg2[%dma_start3A_163, %dma_start3A_164] : memref<4608x2048xf32, #tpu.memory_space<hbm>> -> memref<4608x2048xf32, #tpu.memory_space<hbm>>
    tpu.enqueue_indirect_dma source(%dma_start3A_165 : memref<4608x2048xf32, #tpu.memory_space<hbm>>) target(%arg7 : memref<16x2048xf32, #tpu.memory_space<vmem>>) offsets(%dma_start3A_162 : memref<16xi32, #tpu.memory_space<vmem>>) semaphore(%arg9 : memref<!tpu.dma_semaphore, #tpu.memory_space<semaphore_mem>>)
    %add3A_166 = arith.constant 96 : i32
    %add3A_167 = arith.addi %mul3A_2, %add3A_166 : i32
    %dma_start3A_168 = arith.constant 0 : i32
    %dma_start3A_169 = tpu.memref_slice %arg4[%add3A_167, %dma_start3A_168] : memref<4096x2048xf32, #tpu.memory_space<hbm>> -> memref<16x2048xf32, #tpu.memory_space<hbm>>
    %dma_start3A_170 = arith.constant 0 : i32
    %dma_start3A_171 = tpu.memref_slice %arg4[%add3A_167, %dma_start3A_170] : memref<4096x2048xf32, #tpu.memory_space<hbm>> -> memref<16x2048xf32, #tpu.memory_space<hbm>>
    tpu.enqueue_dma source(%arg6 : memref<16x2048xf32, #tpu.memory_space<vmem>>) target(%dma_start3A_171 : memref<16x2048xf32, #tpu.memory_space<hbm>>) target_semaphore(%arg10 : memref<!tpu.dma_semaphore, #tpu.memory_space<semaphore_mem>>)
    %dma_wait3A_172 = arith.constant 7 : i32
    %dma_wait3A_173 = arith.constant 0 : i32
    %dma_wait3A_174 = tpu.memref_slice %arg5[%dma_wait3A_172, %dma_wait3A_173] : memref<8x16xi32, #tpu.memory_space<vmem>> -> memref<1x16xi32, #tpu.memory_space<vmem>>
    %dma_wait3A_175 = tpu.memref_squeeze %dma_wait3A_174 : memref<1x16xi32, #tpu.memory_space<vmem>> -> memref<16xi32, #tpu.memory_space<vmem>>
    %dma_wait3A_176 = arith.constant 0 : i32
    %dma_wait3A_177 = arith.constant 0 : i32
    %dma_wait3A_178 = tpu.memref_slice %arg2[%dma_wait3A_176, %dma_wait3A_177] : memref<4608x2048xf32, #tpu.memory_space<hbm>> -> memref<4608x2048xf32, #tpu.memory_space<hbm>>
    tpu.wait_indirect_dma semaphore(%arg9 : memref<!tpu.dma_semaphore, #tpu.memory_space<semaphore_mem>>) src(%dma_wait3A_178 : memref<4608x2048xf32, #tpu.memory_space<hbm>>) dst(%arg7 : memref<16x2048xf32, #tpu.memory_space<vmem>>)
    %add3A_179 = arith.constant 112 : i32
    %add3A_180 = arith.addi %mul3A_2, %add3A_179 : i32
    %dma_start3A_181 = arith.constant 0 : i32
    %dma_start3A_182 = tpu.memref_slice %arg4[%add3A_180, %dma_start3A_181] : memref<4096x2048xf32, #tpu.memory_space<hbm>> -> memref<16x2048xf32, #tpu.memory_space<hbm>>
    %dma_start3A_183 = arith.constant 0 : i32
    %dma_start3A_184 = tpu.memref_slice %arg4[%add3A_180, %dma_start3A_183] : memref<4096x2048xf32, #tpu.memory_space<hbm>> -> memref<16x2048xf32, #tpu.memory_space<hbm>>
    tpu.enqueue_dma source(%arg7 : memref<16x2048xf32, #tpu.memory_space<vmem>>) target(%dma_start3A_184 : memref<16x2048xf32, #tpu.memory_space<hbm>>) target_semaphore(%arg11 : memref<!tpu.dma_semaphore, #tpu.memory_space<semaphore_mem>>)
    %dma_wait3A_185 = arith.constant 0 : i32
    %dma_wait3A_186 = tpu.memref_slice %arg4[%add3A_167, %dma_wait3A_185] : memref<4096x2048xf32, #tpu.memory_space<hbm>> -> memref<16x2048xf32, #tpu.memory_space<hbm>>
    %dma_wait3A_187 = arith.constant 0 : i32
    %dma_wait3A_188 = tpu.memref_slice %arg4[%add3A_167, %dma_wait3A_187] : memref<4096x2048xf32, #tpu.memory_space<hbm>> -> memref<16x2048xf32, #tpu.memory_space<hbm>>
    tpu.wait_dma2 semaphore(%arg10 : memref<!tpu.dma_semaphore, #tpu.memory_space<semaphore_mem>>) src(%arg6 : memref<16x2048xf32, #tpu.memory_space<vmem>>) dst(%dma_wait3A_188 : memref<16x2048xf32, #tpu.memory_space<hbm>>)
    %dma_wait3A_189 = arith.constant 0 : i32
    %dma_wait3A_190 = tpu.memref_slice %arg4[%add3A_180, %dma_wait3A_189] : memref<4096x2048xf32, #tpu.memory_space<hbm>> -> memref<16x2048xf32, #tpu.memory_space<hbm>>
    %dma_wait3A_191 = arith.constant 0 : i32
    %dma_wait3A_192 = tpu.memref_slice %arg4[%add3A_180, %dma_wait3A_191] : memref<4096x2048xf32, #tpu.memory_space<hbm>> -> memref<16x2048xf32, #tpu.memory_space<hbm>>
    tpu.wait_dma2 semaphore(%arg11 : memref<!tpu.dma_semaphore, #tpu.memory_space<semaphore_mem>>) src(%arg7 : memref<16x2048xf32, #tpu.memory_space<vmem>>) dst(%dma_wait3A_192 : memref<16x2048xf32, #tpu.memory_space<hbm>>)
    return
  }
}

module attributes {stable_mosaic.version = 14 : i64} {
  func.func @_gate_body(%arg0: i32, %arg1: memref<512x2048xf32, #tpu.memory_space<vmem>>, %arg2: memref<2048x8xf32, #tpu.memory_space<vmem>>, %arg3: memref<512x1xi32, #tpu.memory_space<vmem>>, %arg4: memref<512x128xf32, #tpu.memory_space<vmem>>, %arg5: memref<1x1xf32, #tpu.memory_space<vmem>>, %arg6: memref<1x8xf32, #tpu.memory_space<vmem>>, %arg7: memref<1x8xf32, #tpu.memory_space<vmem>>, %arg8: memref<1x8xf32, #tpu.memory_space<vmem>>) attributes {dimension_semantics = [#tpu.dimension_semantics<arbitrary>], iteration_bounds = array<i64: 8>, scalar_prefetch = 0 : i64, scratch_operands = 3 : i64, tpu.core_type = #tpu.core_type<tc>, window_params = [{transform_indices = @transform_0, window_bounds = array<i64: 512, 2048>}, {pipeline_mode = #tpu.pipeline_mode<synchronous>, transform_indices = @transform_1, window_bounds = array<i64: 2048, 8>}, {transform_indices = @transform_2, window_bounds = array<i64: 512, 1>}, {transform_indices = @transform_3, window_bounds = array<i64: 512, 128>}, {pipeline_mode = #tpu.pipeline_mode<synchronous>, transform_indices = @transform_4, window_bounds = array<i64: 1, 1>}]} {
    %eq3A = arith.constant 0 : i32
    %eq3A_0 = arith.cmpi eq, %arg0, %eq3A : i32
    %convert_element_type3A = arith.extui %eq3A_0 : i1 to i32
    %cond3A = arith.constant 0 : i32
    %cond3A_1 = arith.cmpi ne, %convert_element_type3A, %cond3A : i32
    scf.if %cond3A_1 {
      %broadcast_in_dim3A_111 = arith.constant 0.000000e+00 : f32
      %broadcast_in_dim3A_112 = vector.broadcast %broadcast_in_dim3A_111 : f32 to vector<1x8xf32>
      %swap3A_113 = arith.constant 0 : index
      %swap3A_114 = arith.constant 0 : index
      %swap3A_115 = vector.load %arg6[%swap3A_113, %swap3A_114] : memref<1x8xf32, #tpu.memory_space<vmem>>, vector<1x8xf32>
      tpu.vector_store %arg6[%swap3A_113, %swap3A_114], %broadcast_in_dim3A_112 {strides = array<i32>} : memref<1x8xf32, #tpu.memory_space<vmem>>, vector<1x8xf32>,
      %broadcast_in_dim3A_116 = arith.constant 0.000000e+00 : f32
      %broadcast_in_dim3A_117 = vector.broadcast %broadcast_in_dim3A_116 : f32 to vector<1x8xf32>
      %swap3A_118 = arith.constant 0 : index
      %swap3A_119 = arith.constant 0 : index
      %swap3A_120 = vector.load %arg7[%swap3A_118, %swap3A_119] : memref<1x8xf32, #tpu.memory_space<vmem>>, vector<1x8xf32>
      tpu.vector_store %arg7[%swap3A_118, %swap3A_119], %broadcast_in_dim3A_117 {strides = array<i32>} : memref<1x8xf32, #tpu.memory_space<vmem>>, vector<1x8xf32>,
      %broadcast_in_dim3A_121 = arith.constant 0.000000e+00 : f32
      %broadcast_in_dim3A_122 = vector.broadcast %broadcast_in_dim3A_121 : f32 to vector<1x8xf32>
      %swap3A_123 = arith.constant 0 : index
      %swap3A_124 = arith.constant 0 : index
      %swap3A_125 = vector.load %arg8[%swap3A_123, %swap3A_124] : memref<1x8xf32, #tpu.memory_space<vmem>>, vector<1x8xf32>
      tpu.vector_store %arg8[%swap3A_123, %swap3A_124], %broadcast_in_dim3A_122 {strides = array<i32>} : memref<1x8xf32, #tpu.memory_space<vmem>>, vector<1x8xf32>,
    } else {
    }
    %get3A = arith.constant 0 : index
    %get3A_2 = arith.constant 0 : index
    %get3A_3 = vector.load %arg1[%get3A, %get3A_2] : memref<512x2048xf32, #tpu.memory_space<vmem>>, vector<512x2048xf32>
    %get3A_4 = arith.constant 0 : index
    %get3A_5 = arith.constant 0 : index
    %get3A_6 = vector.load %arg2[%get3A_4, %get3A_5] : memref<2048x8xf32, #tpu.memory_space<vmem>>, vector<2048x8xf32>
    %dot_general3A = arith.constant dense<0.000000e+00> : vector<512x8xf32>
    %dot_general3A_7 = tpu.matmul %get3A_3, %get3A_6, %dot_general3A {dimension_numbers = #tpu.dot_dimension_numbers<[1], [0], [0], [1], [0, 0, 1, 1], [], []>, transpose_lhs_hint = false} : vector<512x2048xf32>, vector<2048x8xf32>, vector<512x8xf32> -> vector<512x8xf32>
    %reduce_max3A = arith.constant dense<0xFF800000> : vector<512xf32>
    %reduce_max3A_8 = vector.multi_reduction <maximumf>, %dot_general3A_7, %reduce_max3A [1] : vector<512x8xf32> to vector<512xf32>
    %broadcast_in_dim3A = vector.shape_cast %reduce_max3A_8 : vector<512xf32> to vector<512x1xf32>
    %sub3A = vector.broadcast %broadcast_in_dim3A : vector<512x1xf32> to vector<512x8xf32>
    %sub3A_9 = arith.subf %dot_general3A_7, %sub3A : vector<512x8xf32>
    %exp3A = math.exp %sub3A_9 : vector<512x8xf32>
    %reduce_sum3A = arith.constant dense<0.000000e+00> : vector<512xf32>
    %reduce_sum3A_10 = vector.multi_reduction <add>, %exp3A, %reduce_sum3A [1] : vector<512x8xf32> to vector<512xf32>
    %broadcast_in_dim3A_11 = vector.shape_cast %reduce_sum3A_10 : vector<512xf32> to vector<512x1xf32>
    %div3A = vector.broadcast %broadcast_in_dim3A_11 : vector<512x1xf32> to vector<512x8xf32>
    %div3A_12 = arith.divf %exp3A, %div3A : vector<512x8xf32>
    %iota3A = tpu.iota {dimensions = array<i32: 1>} : vector<512x8xi32>
    %reduce_max3A_13 = arith.constant dense<0xFF800000> : vector<512xf32>
    %reduce_max3A_14 = vector.multi_reduction <maximumf>, %div3A_12, %reduce_max3A_13 [1] : vector<512x8xf32> to vector<512xf32>
    %broadcast_in_dim3A_15 = vector.shape_cast %reduce_max3A_14 : vector<512xf32> to vector<512x1xf32>
    %eq3A_16 = vector.broadcast %broadcast_in_dim3A_15 : vector<512x1xf32> to vector<512x8xf32>
    %eq3A_17 = arith.cmpf oeq, %div3A_12, %eq3A_16 : vector<512x8xf32>
    %jit3A = arith.constant 8 : i32
    %broadcast_in_dim3A_18 = vector.broadcast %jit3A : i32 to vector<512x8xi32>
    %select_n3A = arith.select %eq3A_17, %iota3A, %broadcast_in_dim3A_18 : vector<512x8xi1>, vector<512x8xi32>
    %reduce_min3A = arith.constant dense<2147483647> : vector<512xi32>
    %reduce_min3A_19 = vector.multi_reduction <minsi>, %select_n3A, %reduce_min3A [1] : vector<512x8xi32> to vector<512xi32>
    %broadcast_in_dim3A_20 = vector.shape_cast %reduce_min3A_19 : vector<512xi32> to vector<512x1xi32>
    %eq3A_21 = vector.broadcast %broadcast_in_dim3A_20 : vector<512x1xi32> to vector<512x8xi32>
    %eq3A_22 = arith.cmpi eq, %iota3A, %eq3A_21 : vector<512x8xi32>
    %convert_element_type3A_23 = arith.extui %eq3A_22 : vector<512x8xi1> to vector<512x8xi32>
    %convert_element_type3A_24 = arith.sitofp %convert_element_type3A_23 : vector<512x8xi32> to vector<512x8xf32>
    %get3A_25 = arith.constant 0 : index
    %get3A_26 = arith.constant 0 : index
    %get3A_27 = vector.load %arg7[%get3A_25, %get3A_26] : memref<1x8xf32, #tpu.memory_space<vmem>>, vector<1x8xf32>
    %reduce_sum3A_28 = arith.constant dense<0.000000e+00> : vector<8xf32>
    %reduce_sum3A_29 = vector.multi_reduction <add>, %div3A_12, %reduce_sum3A_28 [0] : vector<512x8xf32> to vector<8xf32>
    %broadcast_in_dim3A_30 = vector.shape_cast %reduce_sum3A_29 : vector<8xf32> to vector<1x8xf32>
    %add3A = arith.addf %get3A_27, %broadcast_in_dim3A_30 : vector<1x8xf32>
    %swap3A = arith.constant 0 : index
    %swap3A_31 = arith.constant 0 : index
    %swap3A_32 = vector.load %arg7[%swap3A, %swap3A_31] : memref<1x8xf32, #tpu.memory_space<vmem>>, vector<1x8xf32>
    tpu.vector_store %arg7[%swap3A, %swap3A_31], %add3A {strides = array<i32>} : memref<1x8xf32, #tpu.memory_space<vmem>>, vector<1x8xf32>,
    %get3A_33 = arith.constant 0 : index
    %get3A_34 = arith.constant 0 : index
    %get3A_35 = vector.load %arg8[%get3A_33, %get3A_34] : memref<1x8xf32, #tpu.memory_space<vmem>>, vector<1x8xf32>
    %reduce_sum3A_36 = arith.constant dense<0.000000e+00> : vector<8xf32>
    %reduce_sum3A_37 = vector.multi_reduction <add>, %convert_element_type3A_24, %reduce_sum3A_36 [0] : vector<512x8xf32> to vector<8xf32>
    %broadcast_in_dim3A_38 = vector.shape_cast %reduce_sum3A_37 : vector<8xf32> to vector<1x8xf32>
    %add3A_39 = arith.addf %get3A_35, %broadcast_in_dim3A_38 : vector<1x8xf32>
    %swap3A_40 = arith.constant 0 : index
    %swap3A_41 = arith.constant 0 : index
    %swap3A_42 = vector.load %arg8[%swap3A_40, %swap3A_41] : memref<1x8xf32, #tpu.memory_space<vmem>>, vector<1x8xf32>
    tpu.vector_store %arg8[%swap3A_40, %swap3A_41], %add3A_39 {strides = array<i32>} : memref<1x8xf32, #tpu.memory_space<vmem>>, vector<1x8xf32>,
    %iota3A_43 = tpu.iota {dimensions = array<i32: 0>} : vector<512x512xi32>
    %iota3A_44 = tpu.iota {dimensions = array<i32: 1>} : vector<512x512xi32>
    %ge3A = arith.cmpi sge, %iota3A_43, %iota3A_44 : vector<512x512xi32>
    %convert_element_type3A_45 = arith.extui %ge3A : vector<512x512xi1> to vector<512x512xi32>
    %convert_element_type3A_46 = arith.sitofp %convert_element_type3A_45 : vector<512x512xi32> to vector<512x512xf32>
    %dot_general3A_47 = arith.constant dense<0.000000e+00> : vector<512x8xf32>
    %dot_general3A_48 = tpu.matmul %convert_element_type3A_46, %convert_element_type3A_24, %dot_general3A_47 {dimension_numbers = #tpu.dot_dimension_numbers<[1], [0], [0], [1], [0, 0, 1, 1], [], []>, precision = #tpu.contract_precision<fp32>, transpose_lhs_hint = false} : vector<512x512xf32>, vector<512x8xf32>, vector<512x8xf32> -> vector<512x8xf32>
    %get3A_49 = arith.constant 0 : index
    %get3A_50 = arith.constant 0 : index
    %get3A_51 = vector.load %arg6[%get3A_49, %get3A_50] : memref<1x8xf32, #tpu.memory_space<vmem>>, vector<1x8xf32>
    %add3A_52 = vector.broadcast %get3A_51 : vector<1x8xf32> to vector<512x8xf32>
    %add3A_53 = arith.addf %dot_general3A_48, %add3A_52 : vector<512x8xf32>
    %get3A_54 = arith.constant 0 : index
    %get3A_55 = arith.constant 0 : index
    %get3A_56 = vector.load %arg6[%get3A_54, %get3A_55] : memref<1x8xf32, #tpu.memory_space<vmem>>, vector<1x8xf32>
    %reduce_sum3A_57 = arith.constant dense<0.000000e+00> : vector<8xf32>
    %reduce_sum3A_58 = vector.multi_reduction <add>, %convert_element_type3A_24, %reduce_sum3A_57 [0] : vector<512x8xf32> to vector<8xf32>
    %broadcast_in_dim3A_59 = vector.shape_cast %reduce_sum3A_58 : vector<8xf32> to vector<1x8xf32>
    %add3A_60 = arith.addf %get3A_56, %broadcast_in_dim3A_59 : vector<1x8xf32>
    %swap3A_61 = arith.constant 0 : index
    %swap3A_62 = arith.constant 0 : index
    %swap3A_63 = vector.load %arg6[%swap3A_61, %swap3A_62] : memref<1x8xf32, #tpu.memory_space<vmem>>, vector<1x8xf32>
    tpu.vector_store %arg6[%swap3A_61, %swap3A_62], %add3A_60 {strides = array<i32>} : memref<1x8xf32, #tpu.memory_space<vmem>>, vector<1x8xf32>,
    %sub3A_64 = arith.constant 1.000000e+00 : f32
    %sub3A_65 = vector.broadcast %sub3A_64 : f32 to vector<512x8xf32>
    %sub3A_66 = arith.subf %add3A_53, %sub3A_65 : vector<512x8xf32>
    %lt3A = arith.constant 5.120000e+02 : f32
    %lt3A_67 = vector.broadcast %lt3A : f32 to vector<512x8xf32>
    %lt3A_68 = arith.cmpf olt, %sub3A_66, %lt3A_67 : vector<512x8xf32>
    %convert_element_type3A_69 = arith.extui %lt3A_68 : vector<512x8xi1> to vector<512x8xi32>
    %convert_element_type3A_70 = arith.sitofp %convert_element_type3A_69 : vector<512x8xi32> to vector<512x8xf32>
    %mul3A = arith.mulf %convert_element_type3A_24, %convert_element_type3A_70 : vector<512x8xf32>
    %mul3A_71 = arith.mulf %sub3A_66, %mul3A : vector<512x8xf32>
    %reduce_sum3A_72 = arith.constant dense<0.000000e+00> : vector<512xf32>
    %reduce_sum3A_73 = vector.multi_reduction <add>, %mul3A_71, %reduce_sum3A_72 [1] : vector<512x8xf32> to vector<512xf32>
    %broadcast_in_dim3A_74 = vector.shape_cast %reduce_sum3A_73 : vector<512xf32> to vector<512x1xf32>
    %mul3A_75 = arith.mulf %div3A_12, %mul3A : vector<512x8xf32>
    %reduce_sum3A_76 = arith.constant dense<0.000000e+00> : vector<512xf32>
    %reduce_sum3A_77 = vector.multi_reduction <add>, %mul3A_75, %reduce_sum3A_76 [1] : vector<512x8xf32> to vector<512xf32>
    %broadcast_in_dim3A_78 = vector.shape_cast %reduce_sum3A_77 : vector<512xf32> to vector<512x1xf32>
    %reduce_sum3A_79 = arith.constant dense<0.000000e+00> : vector<512xf32>
    %reduce_sum3A_80 = vector.multi_reduction <add>, %mul3A, %reduce_sum3A_79 [1] : vector<512x8xf32> to vector<512xf32>
    %broadcast_in_dim3A_81 = vector.shape_cast %reduce_sum3A_80 : vector<512xf32> to vector<512x1xf32>
    %gt3A = arith.constant 0.000000e+00 : f32
    %gt3A_82 = vector.broadcast %gt3A : f32 to vector<512x1xf32>
    %gt3A_83 = arith.cmpf ogt, %broadcast_in_dim3A_81, %gt3A_82 : vector<512x1xf32>
    %mul3A_84 = arith.constant 512 : i32
    %mul3A_85 = vector.broadcast %mul3A_84 : i32 to vector<512x1xi32>
    %mul3A_86 = arith.muli %broadcast_in_dim3A_20, %mul3A_85 : vector<512x1xi32>
    %convert_element_type3A_87 = arith.fptosi %broadcast_in_dim3A_74 : vector<512x1xf32> to vector<512x1xi32>
    %add3A_88 = arith.addi %mul3A_86, %convert_element_type3A_87 : vector<512x1xi32>
    %jit3A_89 = arith.constant 4096 : i32
    %broadcast_in_dim3A_90 = vector.broadcast %jit3A_89 : i32 to vector<512x1xi32>
    %select_n3A_91 = arith.select %gt3A_83, %add3A_88, %broadcast_in_dim3A_90 : vector<512x1xi1>, vector<512x1xi32>
    %swap3A_92 = arith.constant 0 : index
    %swap3A_93 = arith.constant 0 : index
    %swap3A_94 = vector.load %arg3[%swap3A_92, %swap3A_93] : memref<512x1xi32, #tpu.memory_space<vmem>>, vector<512x1xi32>
    tpu.vector_store %arg3[%swap3A_92, %swap3A_93], %select_n3A_91 {strides = array<i32>} : memref<512x1xi32, #tpu.memory_space<vmem>>, vector<512x1xi32>,
    %jit3A_95 = arith.constant 0.000000e+00 : f32
    %broadcast_in_dim3A_96 = vector.broadcast %jit3A_95 : f32 to vector<512x1xf32>
    %select_n3A_97 = arith.select %gt3A_83, %broadcast_in_dim3A_78, %broadcast_in_dim3A_96 : vector<512x1xi1>, vector<512x1xf32>
    %broadcast_in_dim3A_98 = arith.constant 1.000000e+00 : f32
    %broadcast_in_dim3A_99 = vector.broadcast %broadcast_in_dim3A_98 : f32 to vector<1x128xf32>
    %mul3A_100 = vector.broadcast %select_n3A_97 : vector<512x1xf32> to vector<512x128xf32>
    %mul3A_101 = vector.broadcast %broadcast_in_dim3A_99 : vector<1x128xf32> to vector<512x128xf32>
    %mul3A_102 = arith.mulf %mul3A_100, %mul3A_101 : vector<512x128xf32>
    %swap3A_103 = arith.constant 0 : index
    %swap3A_104 = arith.constant 0 : index
    %swap3A_105 = vector.load %arg4[%swap3A_103, %swap3A_104] : memref<512x128xf32, #tpu.memory_space<vmem>>, vector<512x128xf32>
    tpu.vector_store %arg4[%swap3A_103, %swap3A_104], %mul3A_102 {strides = array<i32>} : memref<512x128xf32, #tpu.memory_space<vmem>>, vector<512x128xf32>,
    %eq3A_106 = arith.constant 7 : i32
    %eq3A_107 = arith.cmpi eq, %arg0, %eq3A_106 : i32
    %convert_element_type3A_108 = arith.extui %eq3A_107 : i1 to i32
    %cond3A_109 = arith.constant 0 : i32
    %cond3A_110 = arith.cmpi ne, %convert_element_type3A_108, %cond3A_109 : i32
    scf.if %cond3A_110 {
      %get3A_111 = arith.constant 0 : index
      %get3A_112 = arith.constant 0 : index
      %get3A_113 = vector.load %arg7[%get3A_111, %get3A_112] : memref<1x8xf32, #tpu.memory_space<vmem>>, vector<1x8xf32>
      %div3A_114 = arith.constant 4.096000e+03 : f32
      %div3A_115 = vector.broadcast %div3A_114 : f32 to vector<1x8xf32>
      %div3A_116 = arith.divf %get3A_113, %div3A_115 : vector<1x8xf32>
      %get3A_117 = arith.constant 0 : index
      %get3A_118 = arith.constant 0 : index
      %get3A_119 = vector.load %arg8[%get3A_117, %get3A_118] : memref<1x8xf32, #tpu.memory_space<vmem>>, vector<1x8xf32>
      %div3A_120 = arith.constant 4.096000e+03 : f32
      %div3A_121 = vector.broadcast %div3A_120 : f32 to vector<1x8xf32>
      %div3A_122 = arith.divf %get3A_119, %div3A_121 : vector<1x8xf32>
      %mul3A_123 = arith.mulf %div3A_116, %div3A_122 : vector<1x8xf32>
      %reduce_sum3A_124 = arith.constant dense<0.000000e+00> : vector<1xf32>
      %reduce_sum3A_125 = vector.multi_reduction <add>, %mul3A_123, %reduce_sum3A_124 [1] : vector<1x8xf32> to vector<1xf32>
      %broadcast_in_dim3A_126 = vector.shape_cast %reduce_sum3A_125 : vector<1xf32> to vector<1x1xf32>
      %mul3A_127 = arith.constant 8.000000e+00 : f32
      %mul3A_128 = vector.broadcast %mul3A_127 : f32 to vector<1x1xf32>
      %mul3A_129 = arith.mulf %broadcast_in_dim3A_126, %mul3A_128 : vector<1x1xf32>
      %swap3A_130 = arith.constant 0 : index
      %swap3A_131 = arith.constant 0 : index
      %swap3A_132 = vector.load %arg5[%swap3A_130, %swap3A_131] : memref<1x1xf32, #tpu.memory_space<vmem>>, vector<1x1xf32>
      tpu.vector_store %arg5[%swap3A_130, %swap3A_131], %mul3A_129 {strides = array<i32>} : memref<1x1xf32, #tpu.memory_space<vmem>>, vector<1x1xf32>,
    } else {
    }
    return
  }
  func.func @transform_0(%arg0: i32) -> (i32, i32) {
    %c0_i32 = arith.constant 0 : i32
    %c0_i32_0 = arith.constant 0 : i32
    return %arg0, %c0_i32 : i32, i32
  }
  func.func @transform_1(%arg0: i32) -> (i32, i32) {
    %c0_i32 = arith.constant 0 : i32
    %c0_i32_0 = arith.constant 0 : i32
    %c0_i32_1 = arith.constant 0 : i32
    return %c0_i32, %c0_i32_0 : i32, i32
  }
  func.func @transform_2(%arg0: i32) -> (i32, i32) {
    %c0_i32 = arith.constant 0 : i32
    %c0_i32_0 = arith.constant 0 : i32
    return %arg0, %c0_i32 : i32, i32
  }
  func.func @transform_3(%arg0: i32) -> (i32, i32) {
    %c0_i32 = arith.constant 0 : i32
    %c0_i32_0 = arith.constant 0 : i32
    return %arg0, %c0_i32 : i32, i32
  }
  func.func @transform_4(%arg0: i32) -> (i32, i32) {
    %c0_i32 = arith.constant 0 : i32
    %c0_i32_0 = arith.constant 0 : i32
    %c0_i32_1 = arith.constant 0 : i32
    return %c0_i32, %c0_i32_0 : i32, i32
  }
}

module attributes {stable_mosaic.version = 14 : i64} {
  func.func @_ffn_body(%arg0: i32, %arg1: i32, %arg2: memref<512x2048xf32, #tpu.memory_space<vmem>>, %arg3: memref<1x2048x1024xf32, #tpu.memory_space<vmem>>, %arg4: memref<1x1x1024xf32, #tpu.memory_space<vmem>>, %arg5: memref<1x1024x2048xf32, #tpu.memory_space<vmem>>, %arg6: memref<1x1x2048xf32, #tpu.memory_space<vmem>>, %arg7: memref<512x128xf32, #tpu.memory_space<vmem>>, %arg8: memref<512x2048xf32, #tpu.memory_space<vmem>>, %arg9: memref<512x2048xbf16, #tpu.memory_space<vmem>>) attributes {dimension_semantics = [#tpu.dimension_semantics<arbitrary>, #tpu.dimension_semantics<arbitrary>], iteration_bounds = array<i64: 9, 8>, scalar_prefetch = 0 : i64, scratch_operands = 1 : i64, tpu.core_type = #tpu.core_type<tc>, window_params = [{transform_indices = @transform_0, window_bounds = array<i64: 512, 2048>}, {transform_indices = @transform_1, window_bounds = array<i64: 1, 2048, 1024>}, {transform_indices = @transform_2, window_bounds = array<i64: 1, 1, 1024>}, {transform_indices = @transform_3, window_bounds = array<i64: 1, 1024, 2048>}, {transform_indices = @transform_4, window_bounds = array<i64: 1, 1, 2048>}, {transform_indices = @transform_5, window_bounds = array<i64: 512, 128>}, {transform_indices = @transform_6, window_bounds = array<i64: 512, 2048>}]} {
    %lt3A = arith.constant 8 : i32
    %lt3A_0 = arith.cmpi slt, %arg0, %lt3A : i32
    %convert_element_type3A = arith.extui %lt3A_0 : i1 to i32
    %cond3A = arith.constant 0 : i32
    %cond3A_1 = arith.cmpi ne, %convert_element_type3A, %cond3A : i32
    scf.if %cond3A_1 {
      %eq3A_8 = arith.constant 0 : i32
      %eq3A_9 = arith.cmpi eq, %arg1, %eq3A_8 : i32
      %convert_element_type3A_10 = arith.extui %eq3A_9 : i1 to i32
      %cond3A_11 = arith.constant 0 : i32
      %cond3A_12 = arith.cmpi ne, %convert_element_type3A_10, %cond3A_11 : i32
      scf.if %cond3A_12 {
        %get3A_56 = arith.constant 0 : index
        %get3A_57 = arith.constant 0 : index
        %get3A_58 = vector.load %arg2[%get3A_56, %get3A_57] : memref<512x2048xf32, #tpu.memory_space<vmem>>, vector<512x2048xf32>
        %convert_element_type3A_59 = arith.truncf %get3A_58 : vector<512x2048xf32> to vector<512x2048xbf16>
        %swap3A = arith.constant 0 : index
        %swap3A_60 = arith.constant 0 : index
        %swap3A_61 = vector.load %arg9[%swap3A, %swap3A_60] : memref<512x2048xbf16, #tpu.memory_space<vmem>>, vector<512x2048xbf16>
        tpu.vector_store %arg9[%swap3A, %swap3A_60], %convert_element_type3A_59 {strides = array<i32>} : memref<512x2048xbf16, #tpu.memory_space<vmem>>, vector<512x2048xbf16>,
      } else {
      }
      %get3A = arith.constant 0 : index
      %get3A_13 = arith.constant 0 : index
      %get3A_14 = arith.constant 0 : index
      %get3A_15 = vector.load %arg3[%get3A, %get3A_13, %get3A_14] : memref<1x2048x1024xf32, #tpu.memory_space<vmem>>, vector<1x2048x1024xf32>
      %get3A_16 = vector.shape_cast %get3A_15 : vector<1x2048x1024xf32> to vector<2048x1024xf32>
      %convert_element_type3A_17 = arith.truncf %get3A_16 : vector<2048x1024xf32> to vector<2048x1024xbf16>
      %get3A_18 = arith.constant 0 : index
      %get3A_19 = arith.constant 0 : index
      %get3A_20 = vector.load %arg9[%get3A_18, %get3A_19] : memref<512x2048xbf16, #tpu.memory_space<vmem>>, vector<512x2048xbf16>
      %dot_general3A = arith.constant dense<0.000000e+00> : vector<512x1024xf32>
      %dot_general3A_21 = tpu.matmul %get3A_20, %convert_element_type3A_17, %dot_general3A {dimension_numbers = #tpu.dot_dimension_numbers<[1], [0], [0], [1], [0, 0, 1, 1], [], []>, transpose_lhs_hint = false} : vector<512x2048xbf16>, vector<2048x1024xbf16>, vector<512x1024xf32> -> vector<512x1024xf32>
      %get3A_22 = arith.constant 0 : index
      %get3A_23 = arith.constant 0 : index
      %get3A_24 = arith.constant 0 : index
      %get3A_25 = vector.load %arg4[%get3A_22, %get3A_23, %get3A_24] : memref<1x1x1024xf32, #tpu.memory_space<vmem>>, vector<1x1x1024xf32>
      %get3A_26 = vector.shape_cast %get3A_25 : vector<1x1x1024xf32> to vector<1x1024xf32>
      %add3A = vector.broadcast %get3A_26 : vector<1x1024xf32> to vector<512x1024xf32>
      %add3A_27 = arith.addf %dot_general3A_21, %add3A : vector<512x1024xf32>
      %max3A = arith.constant 0.000000e+00 : f32
      %max3A_28 = vector.broadcast %max3A : f32 to vector<512x1024xf32>
      %max3A_29 = arith.maximumf %add3A_27, %max3A_28 : vector<512x1024xf32>
      %get3A_30 = arith.constant 0 : index
      %get3A_31 = arith.constant 0 : index
      %get3A_32 = arith.constant 0 : index
      %get3A_33 = vector.load %arg5[%get3A_30, %get3A_31, %get3A_32] : memref<1x1024x2048xf32, #tpu.memory_space<vmem>>, vector<1x1024x2048xf32>
      %get3A_34 = vector.shape_cast %get3A_33 : vector<1x1024x2048xf32> to vector<1024x2048xf32>
      %convert_element_type3A_35 = arith.truncf %get3A_34 : vector<1024x2048xf32> to vector<1024x2048xbf16>
      %convert_element_type3A_36 = arith.truncf %max3A_29 : vector<512x1024xf32> to vector<512x1024xbf16>
      %dot_general3A_37 = arith.constant dense<0.000000e+00> : vector<512x2048xf32>
      %dot_general3A_38 = tpu.matmul %convert_element_type3A_36, %convert_element_type3A_35, %dot_general3A_37 {dimension_numbers = #tpu.dot_dimension_numbers<[1], [0], [0], [1], [0, 0, 1, 1], [], []>, transpose_lhs_hint = false} : vector<512x1024xbf16>, vector<1024x2048xbf16>, vector<512x2048xf32> -> vector<512x2048xf32>
      %eq3A_39 = arith.constant 0 : i32
      %eq3A_40 = arith.cmpi eq, %arg1, %eq3A_39 : i32
      %convert_element_type3A_41 = arith.extui %eq3A_40 : i1 to i32
      %cond3A_42 = arith.constant 0 : i32
      %cond3A_43 = arith.cmpi ne, %convert_element_type3A_41, %cond3A_42 : i32
      scf.if %cond3A_43 {
        %get3A_56 = arith.constant 0 : index
        %get3A_57 = arith.constant 0 : index
        %get3A_58 = arith.constant 0 : index
        %get3A_59 = vector.load %arg6[%get3A_56, %get3A_57, %get3A_58] : memref<1x1x2048xf32, #tpu.memory_space<vmem>>, vector<1x1x2048xf32>
        %get3A_60 = vector.shape_cast %get3A_59 : vector<1x1x2048xf32> to vector<1x2048xf32>
        %add3A_61 = vector.broadcast %get3A_60 : vector<1x2048xf32> to vector<512x2048xf32>
        %add3A_62 = arith.addf %dot_general3A_38, %add3A_61 : vector<512x2048xf32>
        %swap3A = arith.constant 0 : index
        %swap3A_63 = arith.constant 0 : index
        %swap3A_64 = vector.load %arg8[%swap3A, %swap3A_63] : memref<512x2048xf32, #tpu.memory_space<vmem>>, vector<512x2048xf32>
        tpu.vector_store %arg8[%swap3A, %swap3A_63], %add3A_62 {strides = array<i32>} : memref<512x2048xf32, #tpu.memory_space<vmem>>, vector<512x2048xf32>,
      } else {
      }
      %gt3A = arith.constant 0 : i32
      %gt3A_44 = arith.cmpi sgt, %arg1, %gt3A : i32
      %lt3A_45 = arith.constant 7 : i32
      %lt3A_46 = arith.cmpi slt, %arg1, %lt3A_45 : i32
      %and3A_47 = arith.andi %gt3A_44, %lt3A_46 : i1
      %convert_element_type3A_48 = arith.extui %and3A_47 : i1 to i32
      %cond3A_49 = arith.constant 0 : i32
      %cond3A_50 = arith.cmpi ne, %convert_element_type3A_48, %cond3A_49 : i32
      scf.if %cond3A_50 {
        %get3A_56 = arith.constant 0 : index
        %get3A_57 = arith.constant 0 : index
        %get3A_58 = vector.load %arg8[%get3A_56, %get3A_57] : memref<512x2048xf32, #tpu.memory_space<vmem>>, vector<512x2048xf32>
        %add3A_59 = arith.addf %get3A_58, %dot_general3A_38 : vector<512x2048xf32>
        %swap3A = arith.constant 0 : index
        %swap3A_60 = arith.constant 0 : index
        %swap3A_61 = vector.load %arg8[%swap3A, %swap3A_60] : memref<512x2048xf32, #tpu.memory_space<vmem>>, vector<512x2048xf32>
        tpu.vector_store %arg8[%swap3A, %swap3A_60], %add3A_59 {strides = array<i32>} : memref<512x2048xf32, #tpu.memory_space<vmem>>, vector<512x2048xf32>,
      } else {
      }
      %eq3A_51 = arith.constant 7 : i32
      %eq3A_52 = arith.cmpi eq, %arg1, %eq3A_51 : i32
      %convert_element_type3A_53 = arith.extui %eq3A_52 : i1 to i32
      %cond3A_54 = arith.constant 0 : i32
      %cond3A_55 = arith.cmpi ne, %convert_element_type3A_53, %cond3A_54 : i32
      scf.if %cond3A_55 {
        %get3A_56 = arith.constant 0 : index
        %get3A_57 = arith.constant 0 : index
        %get3A_58 = vector.load %arg8[%get3A_56, %get3A_57] : memref<512x2048xf32, #tpu.memory_space<vmem>>, vector<512x2048xf32>
        %add3A_59 = arith.addf %get3A_58, %dot_general3A_38 : vector<512x2048xf32>
        %get3A_60 = arith.constant 0 : index
        %get3A_61 = arith.constant 0 : index
        %get3A_62 = vector.load %arg7[%get3A_60, %get3A_61] : memref<512x128xf32, #tpu.memory_space<vmem>>, vector<512x128xf32>
        %slice3A = vector.extract_strided_slice %get3A_62 {offsets = [0, 0], sizes = [512, 1], strides = [1, 1]} : vector<512x128xf32> to vector<512x1xf32>
        %mul3A = vector.broadcast %slice3A : vector<512x1xf32> to vector<512x2048xf32>
        %mul3A_63 = arith.mulf %add3A_59, %mul3A : vector<512x2048xf32>
        %swap3A = arith.constant 0 : index
        %swap3A_64 = arith.constant 0 : index
        %swap3A_65 = vector.load %arg8[%swap3A, %swap3A_64] : memref<512x2048xf32, #tpu.memory_space<vmem>>, vector<512x2048xf32>
        tpu.vector_store %arg8[%swap3A, %swap3A_64], %mul3A_63 {strides = array<i32>} : memref<512x2048xf32, #tpu.memory_space<vmem>>, vector<512x2048xf32>,
      } else {
      }
    } else {
    }
    %eq3A = arith.constant 8 : i32
    %eq3A_2 = arith.cmpi eq, %arg0, %eq3A : i32
    %eq3A_3 = arith.constant 0 : i32
    %eq3A_4 = arith.cmpi eq, %arg1, %eq3A_3 : i32
    %and3A = arith.andi %eq3A_2, %eq3A_4 : i1
    %convert_element_type3A_5 = arith.extui %and3A : i1 to i32
    %cond3A_6 = arith.constant 0 : i32
    %cond3A_7 = arith.cmpi ne, %convert_element_type3A_5, %cond3A_6 : i32
    scf.if %cond3A_7 {
      %broadcast_in_dim3A = arith.constant 0.000000e+00 : f32
      %broadcast_in_dim3A_8 = vector.broadcast %broadcast_in_dim3A : f32 to vector<512x2048xf32>
      %swap3A = arith.constant 0 : index
      %swap3A_9 = arith.constant 0 : index
      %swap3A_10 = vector.load %arg8[%swap3A, %swap3A_9] : memref<512x2048xf32, #tpu.memory_space<vmem>>, vector<512x2048xf32>
      tpu.vector_store %arg8[%swap3A, %swap3A_9], %broadcast_in_dim3A_8 {strides = array<i32>} : memref<512x2048xf32, #tpu.memory_space<vmem>>, vector<512x2048xf32>,
    } else {
    }
    return
  }
  func.func @transform_0(%arg0: i32, %arg1: i32) -> (i32, i32) {
    %min3A = arith.constant 7 : i32
    %min3A_0 = arith.minsi %arg0, %min3A : i32
    %c0_i32 = arith.constant 0 : i32
    %c0_i32_1 = arith.constant 0 : i32
    return %min3A_0, %c0_i32 : i32, i32
  }
  func.func @transform_1(%arg0: i32, %arg1: i32) -> (i32, i32, i32) {
    %min3A = arith.constant 7 : i32
    %min3A_0 = arith.minsi %arg0, %min3A : i32
    %eq3A = arith.constant 8 : i32
    %eq3A_1 = arith.cmpi eq, %arg0, %eq3A : i32
    %jit3A = arith.constant 7 : i32
    %select_n3A = arith.select %eq3A_1, %jit3A, %arg1 : i32
    %c0_i32 = arith.constant 0 : i32
    %c0_i32_2 = arith.constant 0 : i32
    return %min3A_0, %c0_i32, %select_n3A : i32, i32, i32
  }
  func.func @transform_2(%arg0: i32, %arg1: i32) -> (i32, i32, i32) {
    %min3A = arith.constant 7 : i32
    %min3A_0 = arith.minsi %arg0, %min3A : i32
    %eq3A = arith.constant 8 : i32
    %eq3A_1 = arith.cmpi eq, %arg0, %eq3A : i32
    %jit3A = arith.constant 7 : i32
    %select_n3A = arith.select %eq3A_1, %jit3A, %arg1 : i32
    %c0_i32 = arith.constant 0 : i32
    %c0_i32_2 = arith.constant 0 : i32
    return %min3A_0, %c0_i32, %select_n3A : i32, i32, i32
  }
  func.func @transform_3(%arg0: i32, %arg1: i32) -> (i32, i32, i32) {
    %min3A = arith.constant 7 : i32
    %min3A_0 = arith.minsi %arg0, %min3A : i32
    %eq3A = arith.constant 8 : i32
    %eq3A_1 = arith.cmpi eq, %arg0, %eq3A : i32
    %jit3A = arith.constant 7 : i32
    %select_n3A = arith.select %eq3A_1, %jit3A, %arg1 : i32
    %c0_i32 = arith.constant 0 : i32
    %c0_i32_2 = arith.constant 0 : i32
    return %min3A_0, %select_n3A, %c0_i32 : i32, i32, i32
  }
  func.func @transform_4(%arg0: i32, %arg1: i32) -> (i32, i32, i32) {
    %min3A = arith.constant 7 : i32
    %min3A_0 = arith.minsi %arg0, %min3A : i32
    %c0_i32 = arith.constant 0 : i32
    %c0_i32_1 = arith.constant 0 : i32
    %c0_i32_2 = arith.constant 0 : i32
    return %min3A_0, %c0_i32, %c0_i32_1 : i32, i32, i32
  }
  func.func @transform_5(%arg0: i32, %arg1: i32) -> (i32, i32) {
    %c0_i32 = arith.constant 0 : i32
    %c0_i32_0 = arith.constant 0 : i32
    return %arg0, %c0_i32 : i32, i32
  }
  func.func @transform_6(%arg0: i32, %arg1: i32) -> (i32, i32) {
    %c0_i32 = arith.constant 0 : i32
    %c0_i32_0 = arith.constant 0 : i32
    return %arg0, %c0_i32 : i32, i32
  }
}

</mosaic_0001>

<sc_bundles>
// kernel: kernel.6.cloned.1.call-start
scs
__scs_entry_jumppad:
0x0: {  	(pc) =	sbr.rel $0x88, $3  }
0x1: {  	(tag) =	ssettag $0x0;
	lr =	simm.s32 $0x1  }
0x2: {  	[smem:$0x3F9B] =	sst lr;
	_ =	strace $0xD0000000  }
0x3: {  	_ = 	snop  }
0x4: {  	_ = 	snop  }
0x5: {  	_ = 	snop  }
0x6: {  	_ = 	snop  }
0x7: {  	_ = 	snop  }
__scs_overlays_trampoline_lowered:
0x8: {  	[smem:$0x3FAA] =	sst s0  }
0x9: {  	[smem:$0x3FAB] =	sst s1  }
0xa: {  	[smem:$0x3FAC] =	sst s2  }
0xb: {  	[smem:$0x3FAD] =	sst s3  }
0xc: {  	[smem:$0x3FAE] =	sst s4  }
0xd: {  	[smem:$0x3FAF] =	sst s5  }
0xe: {  	[smem:$0x3FB0] =	sst s6  }
0xf: {  	[smem:$0x3FB1] =	sst s7  }
0x10: {  	[smem:$0x3FB2] =	sst s8  }
0x11: {  	[smem:$0x3FB3] =	sst s9;
	s0 =	simm.s32 @!p0 $0x0  }
0x12: {  	s1 =	sld [smem:$0x3F99];
	s0 =	simm.s32 @p0 $0x1  }
0x13: {  	[smem:$0x3FB4] =	sst s0;
	s0 =	simm.s32 @!p1 $0x0  }
0x14: {  	s2 =	sld [smem:$0x3F98];
	s0 =	simm.s32 @p1 $0x1  }
0x15: {  	[smem:$0x3FB5] =	sst s0;
	s0 =	simm.s32 @!p2 $0x0  }
0x16: {  	s3 =	sld [smem:$0x3FDB];
	s0 =	simm.s32 @p2 $0x1  }
0x17: {  	s4 =	simm.s32 $0x1BF5;
	[smem:$0x3FB7] =	sst s0  }
0x18: {  	s0 =	sld [smem:$0x3F9A];
	_ =	swait.ge [sflag:s4], $0x0  }
0x19: {  	s7 =	sld [smem:$0x3F9B]  }
0x1a: {  	s8 =	sadd.s32 $0xFFFFE003, lr  }
0x1b: {  	s9 =	sadd.s32 $0xFFFFFEF7, lr;
	s5 =	simm.s32 $0xFFFFFFFF;
	p2 =	slt.u32 s8, $0xFFFFF086  }
0x1c: {  	p1 =	slt.u32 s9, $0xF7A;
	s5 =	simm.s32 @!p2 $0x0  }
0x1d: {  	s5 =	simm.s32 @p1 $0x1;
	p0 =	seq.s32 s7, s2  }
0x1e: {  	s7 =	smul.u32 @!p0 $0xF7A, s2;
	p2 =	seq.s32 @!p0 s5, $0x0  }
0x1f: {  	s9 =	smul.u32 $0xF7A, s1;
	s8 =	simm.s32 @!p0 $0x1BF5;
	p2 =	por !p2, p0  }
0x20: {  	[sflag:s8] =	ssyncset.s32 @!p0 $0xFFFFF086;
	s6 =	sadd.s32 @!p0 s3, s7;
	s7 =	simm.s32 @!p0 $0x108  }
0x21: {  	s3 =	sadd.s32 s3, s9;
	s6 =	sadd.s32 @!p0 $0x88, s6;
	s7 =	simm.s32 @p2 $0x1082  }
0x22: {  	[simem:s7], [sflag:s8] =	dma.local @!p0 [hbm:s6], $0xF7A  }
0x23: {  	s9 =	sor.u32 $0xD0000000, s2;
	s6 =	simm.s32 $0x108;
	_ =	swait.ge @!p0 [sflag:s8], $0x0  }
0x24: {  	s3 =	sadd.s32 $0x88, s3;
	s6 =	simm.s32 @!p1 $0x1082;
	[sflag:s4] =	ssyncset.s32 $0xFFFFF086  }
0x25: {  	[simem:s6], [sflag:s4] =	dma.local [hbm:s3], $0xF7A  }
0x26: {  	[smem:$0x3F9B] =	sst s1;
	(tag) =	ssettag s2;
	_ =	strace s9  }
0x27: {  	s1 =	sld [smem:$0x3FAB]  }
0x28: {  	s2 =	sld [smem:$0x3FAC]  }
0x29: {  	s4 =	sld [smem:$0x3FAE]  }
0x2a: {  	p0 =	seq.s32 s5, $0x0;
	s5 =	sld [smem:$0x3FAF]  }
0x2b: {  	s6 =	sld [smem:$0x3FB0]  }
0x2c: {  	s7 =	sld [smem:$0x3FB1]  }
0x2d: {  	s3 =	simm.s32 $0x108;
	s8 =	sld [smem:$0x3FB2]  }
0x2e: {  	s3 =	simm.s32 @!p0 $0x1082;
	s9 =	sld [smem:$0x3FB3]  }
0x2f: {  	lr =	sadd.s32 s0, s3;
	s0 =	sld [smem:$0x3FAA]  }
0x30: {  	s3 =	sld [smem:$0x3FAD]  }
0x31: {  	[smem:$0x3FB6] =	sst s10  }
0x32: {  	s10 =	sld [smem:$0x3FB4];
	_ =	sdelay $0x3  }
0x33: {  	p0 =	seq.s32 s10, $0x1;
	s10 =	sld [smem:$0x3FB6];
	_ =	sdelay $0x3  }
0x34: {  	[smem:$0x3FB6] =	sst s10  }
0x35: {  	s10 =	sld [smem:$0x3FB5];
	_ =	sdelay $0x3  }
0x36: {  	p1 =	seq.s32 s10, $0x1;
	s10 =	sld [smem:$0x3FB6];
	_ =	sdelay $0x3  }
0x37: {  	[smem:$0x3FB6] =	sst s10  }
0x38: {  	s10 =	sld [smem:$0x3FB7]  }
0x39: {  	_ = 	snop;
	(pc) =	sbr.ind lr, $3  }
0x3a: {  	_ = 	snop  }
0x3b: {  	_ = 	snop  }
0x3c: {  	p2 =	seq.s32 s10, $0x1;
	s10 =	sld [smem:$0x3FB6]  }
0x3d: {  	_ =	shalt  }
0x3e: {  	_ =	shalt  }
0x3f: {  	_ =	shalt  }
0x40: {  	_ =	shalt  }
0x41: {  	_ =	shalt  }
0x42: {  	_ =	shalt  }
0x43: {  	_ =	shalt  }
0x44: {  	_ =	shalt  }
0x45: {  	_ =	shalt  }
0x46: {  	_ =	shalt  }
0x47: {  	_ =	shalt  }
0x48: {  	_ =	shalt  }
0x49: {  	_ =	shalt  }
0x4a: {  	_ =	shalt  }
0x4b: {  	_ =	shalt  }
0x4c: {  	_ =	shalt  }
0x4d: {  	_ =	shalt  }
0x4e: {  	_ =	shalt  }
0x4f: {  	_ =	shalt  }
0x50: {  	_ =	shalt  }
0x51: {  	_ =	shalt  }
0x52: {  	_ =	shalt  }
0x53: {  	_ =	shalt  }
0x54: {  	_ =	shalt  }
0x55: {  	_ =	shalt  }
0x56: {  	_ =	shalt  }
0x57: {  	_ =	shalt  }
0x58: {  	_ =	shalt  }
0x59: {  	_ =	shalt  }
0x5a: {  	_ =	shalt  }
0x5b: {  	_ =	shalt  }
0x5c: {  	_ =	shalt  }
0x5d: {  	_ =	shalt  }
0x5e: {  	_ =	shalt  }
0x5f: {  	_ =	shalt  }
0x60: {  	_ =	shalt  }
0x61: {  	_ =	shalt  }
0x62: {  	_ =	shalt  }
0x63: {  	_ =	shalt  }
0x64: {  	_ =	shalt  }
0x65: {  	_ =	shalt  }
0x66: {  	_ =	shalt  }
0x67: {  	_ =	shalt  }
0x68: {  	_ =	shalt  }
0x69: {  	_ =	shalt  }
0x6a: {  	_ =	shalt  }
0x6b: {  	_ =	shalt  }
0x6c: {  	_ =	shalt  }
0x6d: {  	_ =	shalt  }
0x6e: {  	_ =	shalt  }
0x6f: {  	_ =	shalt  }
0x70: {  	_ =	shalt  }
0x71: {  	_ =	shalt  }
0x72: {  	_ =	shalt  }
0x73: {  	_ =	shalt  }
0x74: {  	_ =	shalt  }
0x75: {  	_ =	shalt  }
0x76: {  	_ =	shalt  }
0x77: {  	_ =	shalt  }
0x78: {  	_ =	shalt  }
0x79: {  	_ =	shalt  }
0x7a: {  	_ =	shalt  }
0x7b: {  	_ =	shalt  }
0x7c: {  	_ =	shalt  }
0x7d: {  	_ =	shalt  }
0x7e: {  	_ =	shalt  }
0x7f: {  	_ =	shalt  }
0x80: {  	_ =	shalt  }
0x81: {  	_ =	shalt  }
0x82: {  	_ =	shalt  }
0x83: {  	_ =	shalt  }
0x84: {  	_ =	shalt  }
0x85: {  	_ =	shalt  }
0x86: {  	_ =	shalt  }
0x87: {  	_ =	shalt  }
.Lfunc_end0:
.L_simem_size_0:
called_computation_lowered:
.L_overlay_start_0:
0x88: {  	s2 =	sld [smem:$0x3FD9]  }
0x89: {  	s3 =	sld [smem:$0x3FFE];
	_ =	sdelay $0x1  }
0x8a: {  	s1 =	srdreg.scid  }
0x8b: {  	s0 =	sand.u32 $0x1, s1  }
0x8c: {  	s14 =	sshll.u32 s0, $0xA;
	s2 =	sadd.s32 s3, s2  }
0x8d: {  	s2 =	sadd.s32 s2, s14  }
0x8e: {  	[smem:$0x3FC2] =	sst s2  }
0x8f: {  	_ = 	snop  }
0x90: {  	s2 =	sld [smem:$0x3FD0];
	_ =	sdelay $0x2  }
0x91: {  	s4 =	simm.s32 $0xA;
	s5 =	simm.s32 $0x10;
	s15 =	sld [smem:$0x3FC9]  }
0x92: {  	[smem:s5], [sflag:s4] =	dma.local [hbm:s2], $0x1  }
0x93: {  	_ =	swait.eq [sflag:s4], $0x1  }
0x94: {  	[sflag:s4] =	ssyncset.done $0x0  }
0x95: {  	[sflag:s4] =	ssyncadd.s32 $0xFFFFFFFF  }
0x96: {  	s16 =	sld [smem:$0x10];
	(tm) =	ssettm $0x1  }
0x97: {  	s17 =	sld [smem:$0x3FFB];
	_ =	sdelay $0x3  }
0x98: {  	_ =	strace s17  }
0x99: {  	s4 =	sld [smem:$0x3FFC];
	_ =	sdelay $0x3  }
0x9a: {  	_ =	strace s4  }
0x9b: {  	s4 =	sld [smem:$0x3FFD];
	_ =	sdelay $0x3  }
0x9c: {  	_ =	strace s4  }
0x9d: {  	_ =	strace $0x8FFFFFFF  }
0x9e: {  	s18 =	sld [smem:$0x3FDB];
	_ =	sdelay $0x1  }
0x9f: {  	s19 =	simm.s32 $_scs_section_size  }
0xa0: {  	s6 =	simm.s32 $_size__tile_overlayer_lowered;
	s7 =	simm.s32 $_tile_overlayer_lowered  }
0xa1: {  	s22 =	simm.s32 $0x1BFF;
	s21 =	sshll.u32 s7, $0x1;
	s4 =	sadd.s32 s19, s18  }
0xa2: {  	s8 =	simm.s32 $0x0;
	s20 =	sshll.u32 s6, $0x1;
	s6 =	sadd.s32 s21, s4  }
0xa3: {  	[timem:s8], [sflag:s22] =	dma.local [hbm:s6], s20  }
0xa4: {  	_ =	swait.ge [sflag:s22], s20  }
0xa5: {  	s5 =	ssub.s32 $0x0, s20;
	[sflag:s22] =	ssyncset.done $0x0  }
0xa6: {  	[sflag:s22] =	ssyncadd.s32 s5;
	_ =	sdelay $0x1  }
0xa7: {  	s23 =	simm.s32 $0x1B8B  }
0xa8: {  	_ =	swait.ge [sflag:s23], $0x1  }
0xa9: {  	[sflag:s23] =	ssyncset.done $0x0  }
0xaa: {  	s25 =	simm.s32 $0x1B8E;
	s24 =	sld [smem:$0x3FFE];
	[sflag:s23] =	ssyncadd.s32 $0xFFFFFFFF  }
0xab: {  	s26 =	simm.s32 $execute0_lowered;
	[smem:$0x3FD2] =	sst s25  }
0xac: {  	s6 =	sshll.u32 s26, $0x1;
	_ =	strace $0x80000046;
	[dreg:$0x1] =	wrdreg $0xFFFFFFFF  }
0xad: {  	s28 =	simm.s32 $_size_execute0_lowered;
	s4 =	sadd.s32 s4, s6;
	[dreg:$0x0] =	wrdreg $0x0  }
0xae: {  	s6 =	sshll.u32 s28, $0x1;
	[dreg:$0x2] =	wrdreg s4  }
0xaf: {  	[dreg:$0x3] =	wrdreg s6  }
0xb0: {  	[dreg:$0x4] =	wrdreg $0xC0  }
0xb1: {  	_ =	task [dreg:s8], $0x5FFFF  }
0xb2: {  	[dreg:$0x1] =	wrdreg $0xFFFFFFFF  }
0xb3: {  	[dreg:$0x0] =	wrdreg $0x60  }
0xb4: {  	[dreg:$0x2] =	wrdreg s15  }
0xb5: {  	[dreg:$0x3] =	wrdreg s24  }
0xb6: {  	[dreg:$0x4] =	wrdreg s16  }
0xb7: {  	[dreg:$0x5] =	wrdreg $0x9  }
0xb8: {  	_ =	task.clear_ibuf [dreg:s8], $0x6FFFF;
	_ =	strace $0x90000046  }
0xb9: {  	s29 =	simm.s32 $0x9;
	_ =	strace $0x80000048  }
0xba: {  	_ =	swait.ge [sflag:s29], $0x1  }
0xbb: {  	[sflag:s29] =	ssyncadd.s32 $0xFFFFFFFF  }
0xbc: {  	_ =	strace $0x90000048  }
0xbd: {  	_ =	sfence  }
0xbe: {  	s30 =	sld [smem:$0x0];
	_ =	sdelay $0x2  }
0xbf: {  	s31 =	sshll.u32 s1, $0xD;
	s1 =	sshrl.u32 s1, $0x2  }
0xc0: {  	s3 =	sand.u32 $0x4000, s31;
	s1 =	sadd.s32 s1, s30  }
0xc1: {  	s0 =	sor.u32 s3, s0;
	s1 =	sshll.u32 s1, $0x11  }
0xc2: {  	s0 =	sor.u32 s1, s0  }
0xc3: {  	s0 =	sadd.s32 $0x8F2B, s0  }
0xc4: {  	[sflag:s0] =	ssyncadd.remote.s32 $0x1  }
0xc5: {  	_ =	sfence.sel $0xFFFF  }
0xc6: {  	[dreg:$0x0] =	wrdreg $0xFFFFFFFF;
	(pc) =	sbr.abs _section_cstart, $3  }
0xc7: {  	[dreg:$0x1] =	wrdreg $0xFFFFFFFF  }
0xc8: {  	_ =	task.clear_ibuf [dreg:s8], $0x2FFFF;
	_ =	strace $0x9FFFFFFF  }
0xc9: {  	(tm) =	ssettm $0x7FFFFFFF  }
tec
execute0_lowered:
.L_overlay_start_1:
0x0: {  	(tag) =	ssettag $0x1  }
0x1: {  	s0 =	rddreg [dreg:$0x0]  }
0x2: {  	s1 =	rddreg [dreg:$0x1];
	s3 =	simm.s32 $0x0  }
0x3: {  	s17 =	simm.s32 $0x80;
	[smem:$0x7FF] =	sst s3  }
0x4: {  	s18 =	simm.s32 $0x10C00;
	_ =	strace $0x80000047;
	[dreg:$0xd] =	wrdreg s17  }
0x5: {  	s19 =	simm.s32 $0x100;
	[dreg:$0xe] =	wrdreg s18  }
0x6: {  	s20 =	simm.s32 $0x11400;
	[dreg:$0xf] =	wrdreg s19  }
0x7: {  	s21 =	simm.s32 $0x180;
	[dreg:$0x10] =	wrdreg s20  }
0x8: {  	s22 =	simm.s32 $0x11C00;
	[dreg:$0x11] =	wrdreg s21  }
0x9: {  	s23 =	simm.s32 $0x200;
	[dreg:$0x12] =	wrdreg s22  }
0xa: {  	s24 =	simm.s32 $0x12400;
	[dreg:$0x13] =	wrdreg s23  }
0xb: {  	s4 =	srdreg.scid;
	s25 =	simm.s32 $0x280;
	[dreg:$0x14] =	wrdreg s24  }
0xc: {  	s6 =	stileid.u32;
	s26 =	simm.s32 $0x12C00;
	[dreg:$0x15] =	wrdreg s25  }
0xd: {  	s28 =	simm.s32 $0x300;
	s29 =	simm.s32 $0x13400;
	[dreg:$0x16] =	wrdreg s26  }
0xe: {  	s30 =	simm.s32 $0x380;
	s31 =	simm.s32 $0x13C00;
	[dreg:$0x17] =	wrdreg s28  }
0xf: {  	s5 =	sand.u32 $0x1, s4;
	s7 =	sshll.u32 s6, $0x1;
	[dreg:$0x18] =	wrdreg s29  }
0x10: {  	s6 =	sor.u32 s5, s7;
	s5 =	ssub.s32 $0x2, s5;
	[dreg:$0x19] =	wrdreg s30  }
0x11: {  	[dreg:$0x1a] =	wrdreg s31;
	s23 =	simm.s32 $0x4;
	s24 =	simm.s32 $0x5  }
0x12: {  	s19 =	simm.s32 $0x1;
	s17 =	simm.s32 $0x10;
	s20 =	simm.s32 $0x2  }
0x13: {  	s4 =	sshll.u32 s6, $0xB;
	s7 =	sshll.u32 s6, $0x7;
	s6 =	sshll.u32 s6, $0xF  }
0x14: {  	s9 =	sshrl.u32 s5, $0x1;
	s7 =	sadd.s32 s7, s1;
	s11 =	sadd.s32 s0, s6  }
0x15: {  	s8 =	sadd.s32 s4, s1;
	s7 =	sadd.s32 $0x11000, s7;
	[dreg:$0x1b] =	wrdreg s11  }
0x16: {  	s4 =	sadd.s32 $0x12000, s1;
	s8 =	sadd.s32 $0x1000, s8;
	[dreg:$0x4] =	wrdreg s7  }
0x17: {  	s0 =	ssub.s32 s5, s9;
	s6 =	sadd.s32 $0x1000, s11;
	[dreg:$0x5] =	wrdreg s8  }
0x18: {  	s9 =	sadd.s32 $0x12400, s1;
	s10 =	sadd.s32 $0x2000, s11;
	[dreg:$0x6] =	wrdreg s6  }
0x19: {  	s12 =	sadd.s32 $0x3000, s11;
	s13 =	sadd.s32 $0x4000, s11;
	[dreg:$0x7] =	wrdreg s10  }
0x1a: {  	s14 =	sadd.s32 $0x5000, s11;
	s15 =	sadd.s32 $0x6000, s11;
	[dreg:$0x8] =	wrdreg s12  }
0x1b: {  	s16 =	sadd.s32 $0x7000, s11;
	s11 =	sadd.s32 $0x12600, s1;
	[dreg:$0x9] =	wrdreg s13  }
0x1c: {  	v2 =	vlaneseq.u32;
	s6 =	sadd.s32 $0x12100, s1;
	s7 =	sadd.s32 $0x12200, s1;
	[dreg:$0xa] =	wrdreg s14  }
0x1d: {  	vm0 =	vmmov $0xffff;
	v1 =	vshrl.u32 v2, $0x3;
	s8 =	sadd.s32 $0x12300, s1;
	s10 =	sadd.s32 $0x12500, s1;
	[dreg:$0xb] =	wrdreg s15  }
0x1e: {  	v0 =	vand.u32 $0x7, v2;
	v2 =	vor.u32 $0x8, v2;
	v1 =	vmul.u32 $0x8, v1;
	[dreg:$0xc] =	wrdreg s16;
	s12 =	sadd.s32 $0x12700, s1;
	s13 =	smax.u32 s0, $0x1  }
.LBB2_1:
0x1f: {  	s25 =	rddreg [dreg:$0x4];
	s0 =	simm.s32 $0x6  }
0x20: {  	[tilespmem:s3], [sflag:$0x6] =	stream.linear.gather [hbm4b:s25+s3], $0x400, $0x38;
	[tilespmem:$0x14400] =	vst v63  }
0x21: {  	_ =	swait.ge [sflag:s0], $0x400  }
0x22: {  	[sflag:s0] =	ssyncset.done $0x0  }
0x23: {  	s26 =	simm.s32 $0x10400;
	s31 =	rddreg [dreg:$0x5];
	[sflag:s0] =	ssyncadd.s32 $0xFFFFFC00  }
0x24: {  	[tilespmem:s26], [sflag:$0x6] =	stream.linear.gather [hbm4b:s31+s3], $0x4000, $0x38;
	[tilespmem:$0x14400] =	vst v63  }
0x25: {  	_ =	swait.ge [sflag:s0], $0x4000  }
0x26: {  	[sflag:s0] =	ssyncset.done $0x0  }
0x27: {  	s18 =	simm.s32 $0x400;
	[sflag:s0] =	ssyncadd.s32 $0xFFFFC000;
	s0 =	rddreg [dreg:$0x1b]  }
0x28: {  	[tilespmem:s18], [sflag:$0x1] =	stream.linear.gather [hbm4b:s0+s3], $0x8000, $0x38;
	[tilespmem:$0x14400] =	vst v63  }
0x29: {  	_ =	swait.ge [sflag:s19], $0x8000  }
0x2a: {  	[sflag:s19] =	ssyncset.done $0x0  }
0x2b: {  	s2 =	simm.s32 $0x8400;
	s1 =	rddreg [dreg:$0x6];
	[sflag:s19] =	ssyncadd.s32 $0xFFFF8000  }
0x2c: {  	[tilespmem:s2], [sflag:$0x2] =	stream.linear.gather [hbm4b:s1+s3], $0x8000, $0x38;
	[tilespmem:$0x14400] =	vst v63  }
0x2d: {  	v3 =	vld [tilespmem:$0x0];
	_ =	sdelay $0x4  }
0x2e: {  	v4 =	vshll.u32 v3, $0x4  }
0x2f: {  	v3 =	vand.u32 $0x7, v3;
	v4 =	vand.u32 $0xFFFFFF80, v4  }
0x30: {  	v3 =	vor.u32 v3, v4  }
0x31: {  	v4 =	vperm.xlane v3, v0;
	_ =	sdelay $0x1  }
0x32: {  	v4 =	vadd.s32 v1, v4;
	_ =	sdelay $0x4  }
0x33: {  	[hbm4b:s4+s3] =	stream.indirect_vreg.scatter [tilespmem:s18], [sflag:$0x3], $0x80, v4, vm0, $0xb8;
	[tilespmem:$0x14400] =	vst v63  }
0x34: {  	s1 =	simm.s32 $0xC00  }
0x35: {  	[hbm4b:s6+s3] =	stream.indirect_vreg.scatter [tilespmem:s1], [sflag:$0x3], $0x80, v4, vm0, $0xb8;
	[tilespmem:$0x14400] =	vst v63  }
0x36: {  	s5 =	simm.s32 $0x1400  }
0x37: {  	[hbm4b:s7+s3] =	stream.indirect_vreg.scatter [tilespmem:s5], [sflag:$0x3], $0x80, v4, vm0, $0xb8;
	[tilespmem:$0x14400] =	vst v63  }
0x38: {  	s14 =	simm.s32 $0x1C00  }
0x39: {  	[hbm4b:s8+s3] =	stream.indirect_vreg.scatter [tilespmem:s14], [sflag:$0x3], $0x80, v4, vm0, $0xb8;
	[tilespmem:$0x14400] =	vst v63  }
0x3a: {  	s15 =	simm.s32 $0x2400  }
0x3b: {  	[hbm4b:s9+s3] =	stream.indirect_vreg.scatter [tilespmem:s15], [sflag:$0x3], $0x80, v4, vm0, $0xb8;
	[tilespmem:$0x14400] =	vst v63  }
0x3c: {  	s16 =	simm.s32 $0x2C00;
	v3 =	vperm.xlane v3, v2  }
0x3d: {  	[hbm4b:s10+s3] =	stream.indirect_vreg.scatter [tilespmem:s16], [sflag:$0x3], $0x80, v4, vm0, $0xb8;
	[tilespmem:$0x14400] =	vst v63  }
0x3e: {  	s21 =	simm.s32 $0x3400;
	v3 =	vadd.s32 v1, v3  }
0x3f: {  	[hbm4b:s11+s3] =	stream.indirect_vreg.scatter [tilespmem:s21], [sflag:$0x3], $0x80, v4, vm0, $0xb8;
	[tilespmem:$0x14400] =	vst v63  }
0x40: {  	s22 =	simm.s32 $0x3C00  }
0x41: {  	[hbm4b:s12+s3] =	stream.indirect_vreg.scatter [tilespmem:s22], [sflag:$0x3], $0x80, v4, vm0, $0xb8;
	[tilespmem:$0x14400] =	vst v63  }
0x42: {  	s25 =	simm.s32 $0x4400  }
0x43: {  	[hbm4b:s4+s3] =	stream.indirect_vreg.scatter [tilespmem:s25], [sflag:$0x3], $0x80, v3, vm0, $0xb8;
	[tilespmem:$0x14400] =	vst v63  }
0x44: {  	s28 =	simm.s32 $0x4C00  }
0x45: {  	[hbm4b:s6+s3] =	stream.indirect_vreg.scatter [tilespmem:s28], [sflag:$0x3], $0x80, v3, vm0, $0xb8;
	[tilespmem:$0x14400] =	vst v63  }
0x46: {  	s29 =	simm.s32 $0x5400  }
0x47: {  	[hbm4b:s7+s3] =	stream.indirect_vreg.scatter [tilespmem:s29], [sflag:$0x3], $0x80, v3, vm0, $0xb8;
	[tilespmem:$0x14400] =	vst v63  }
0x48: {  	s30 =	simm.s32 $0x5C00  }
0x49: {  	[hbm4b:s8+s3] =	stream.indirect_vreg.scatter [tilespmem:s30], [sflag:$0x3], $0x80, v3, vm0, $0xb8;
	[tilespmem:$0x14400] =	vst v63  }
0x4a: {  	s31 =	simm.s32 $0x6400  }
0x4b: {  	[hbm4b:s9+s3] =	stream.indirect_vreg.scatter [tilespmem:s31], [sflag:$0x3], $0x80, v3, vm0, $0xb8;
	[tilespmem:$0x14400] =	vst v63  }
0x4c: {  	s0 =	simm.s32 $0x6C00  }
0x4d: {  	[hbm4b:s10+s3] =	stream.indirect_vreg.scatter [tilespmem:s0], [sflag:$0x3], $0x80, v3, vm0, $0xb8;
	[tilespmem:$0x14400] =	vst v63  }
0x4e: {  	s5 =	simm.s32 $0x7400  }
0x4f: {  	[hbm4b:s11+s3] =	stream.indirect_vreg.scatter [tilespmem:s5], [sflag:$0x3], $0x80, v3, vm0, $0xb8;
	[tilespmem:$0x14400] =	vst v63  }
0x50: {  	s16 =	simm.s32 $0x7C00  }
0x51: {  	[hbm4b:s12+s3] =	stream.indirect_vreg.scatter [tilespmem:s16], [sflag:$0x3], $0x80, v3, vm0, $0xb8;
	[tilespmem:$0x14400] =	vst v63  }
0x52: {  	s16 =	rddreg [dreg:$0x2]  }
0x53: {  	[hbm4b:s16+s17] =	stream.indirect.scatter [tilespmem:s26], [sflag:$0x5], $0x80, s3, s17, $0xb8;
	[tilespmem:$0x14400] =	vst v63  }
0x54: {  	_ =	swait.ge [sflag:s20], $0x8000  }
0x55: {  	[sflag:s20] =	ssyncset.done $0x0  }
0x56: {  	s0 =	simm.s32 $0x3;
	[sflag:s20] =	ssyncadd.s32 $0xFFFF8000  }
0x57: {  	_ =	swait.ge [sflag:s0], $0x8000  }
0x58: {  	[sflag:s0] =	ssyncset.done $0x0  }
0x59: {  	s21 =	rddreg [dreg:$0x7];
	[sflag:s0] =	ssyncadd.s32 $0xFFFF8000  }
0x5a: {  	[tilespmem:s18], [sflag:$0x1] =	stream.linear.gather [hbm4b:s21+s3], $0x8000, $0x38;
	[tilespmem:$0x14400] =	vst v63  }
0x5b: {  	v3 =	vld [tilespmem:$0x80];
	_ =	sdelay $0x4  }
0x5c: {  	v57 =	vshll.u32 v3, $0x4  }
0x5d: {  	v3 =	vand.u32 $0x7, v3;
	v4 =	vand.u32 $0xFFFFFF80, v57  }
0x5e: {  	v3 =	vor.u32 v3, v4  }
0x5f: {  	v4 =	vperm.xlane v3, v0;
	_ =	sdelay $0x1  }
0x60: {  	v4 =	vadd.s32 v1, v4;
	_ =	sdelay $0x3  }
0x61: {  	s2 =	simm.s32 $0x8400  }
0x62: {  	[hbm4b:s4+s3] =	stream.indirect_vreg.scatter [tilespmem:s2], [sflag:$0x4], $0x80, v4, vm0, $0xb8;
	[tilespmem:$0x14400] =	vst v63  }
0x63: {  	s22 =	simm.s32 $0x8C00  }
0x64: {  	[hbm4b:s6+s3] =	stream.indirect_vreg.scatter [tilespmem:s22], [sflag:$0x4], $0x80, v4, vm0, $0xb8;
	[tilespmem:$0x14400] =	vst v63  }
0x65: {  	s25 =	simm.s32 $0x9400  }
0x66: {  	[hbm4b:s7+s3] =	stream.indirect_vreg.scatter [tilespmem:s25], [sflag:$0x4], $0x80, v4, vm0, $0xb8;
	[tilespmem:$0x14400] =	vst v63  }
0x67: {  	s26 =	simm.s32 $0x9C00  }
0x68: {  	[hbm4b:s8+s3] =	stream.indirect_vreg.scatter [tilespmem:s26], [sflag:$0x4], $0x80, v4, vm0, $0xb8;
	[tilespmem:$0x14400] =	vst v63  }
0x69: {  	s28 =	simm.s32 $0xA400  }
0x6a: {  	[hbm4b:s9+s3] =	stream.indirect_vreg.scatter [tilespmem:s28], [sflag:$0x4], $0x80, v4, vm0, $0xb8;
	[tilespmem:$0x14400] =	vst v63  }
0x6b: {  	s29 =	simm.s32 $0xAC00;
	v3 =	vperm.xlane v3, v2  }
0x6c: {  	[hbm4b:s10+s3] =	stream.indirect_vreg.scatter [tilespmem:s29], [sflag:$0x4], $0x80, v4, vm0, $0xb8;
	[tilespmem:$0x14400] =	vst v63  }
0x6d: {  	s30 =	simm.s32 $0xB400;
	v3 =	vadd.s32 v1, v3  }
0x6e: {  	[hbm4b:s11+s3] =	stream.indirect_vreg.scatter [tilespmem:s30], [sflag:$0x4], $0x80, v4, vm0, $0xb8;
	[tilespmem:$0x14400] =	vst v63  }
0x6f: {  	s31 =	simm.s32 $0xBC00  }
0x70: {  	[hbm4b:s12+s3] =	stream.indirect_vreg.scatter [tilespmem:s31], [sflag:$0x4], $0x80, v4, vm0, $0xb8;
	[tilespmem:$0x14400] =	vst v63  }
0x71: {  	s5 =	simm.s32 $0xC400  }
0x72: {  	[hbm4b:s4+s3] =	stream.indirect_vreg.scatter [tilespmem:s5], [sflag:$0x4], $0x80, v3, vm0, $0xb8;
	[tilespmem:$0x14400] =	vst v63  }
0x73: {  	s21 =	simm.s32 $0xCC00  }
0x74: {  	[hbm4b:s6+s3] =	stream.indirect_vreg.scatter [tilespmem:s21], [sflag:$0x4], $0x80, v3, vm0, $0xb8;
	[tilespmem:$0x14400] =	vst v63  }
0x75: {  	s22 =	simm.s32 $0xD400  }
0x76: {  	[hbm4b:s7+s3] =	stream.indirect_vreg.scatter [tilespmem:s22], [sflag:$0x4], $0x80, v3, vm0, $0xb8;
	[tilespmem:$0x14400] =	vst v63  }
0x77: {  	s25 =	simm.s32 $0xDC00  }
0x78: {  	[hbm4b:s8+s3] =	stream.indirect_vreg.scatter [tilespmem:s25], [sflag:$0x4], $0x80, v3, vm0, $0xb8;
	[tilespmem:$0x14400] =	vst v63  }
0x79: {  	s26 =	simm.s32 $0xE400  }
0x7a: {  	[hbm4b:s9+s3] =	stream.indirect_vreg.scatter [tilespmem:s26], [sflag:$0x4], $0x80, v3, vm0, $0xb8;
	[tilespmem:$0x14400] =	vst v63  }
0x7b: {  	s28 =	simm.s32 $0xEC00  }
0x7c: {  	[hbm4b:s10+s3] =	stream.indirect_vreg.scatter [tilespmem:s28], [sflag:$0x4], $0x80, v3, vm0, $0xb8;
	[tilespmem:$0x14400] =	vst v63  }
0x7d: {  	s29 =	simm.s32 $0xF400  }
0x7e: {  	[hbm4b:s11+s3] =	stream.indirect_vreg.scatter [tilespmem:s29], [sflag:$0x4], $0x80, v3, vm0, $0xb8;
	[tilespmem:$0x14400] =	vst v63  }
0x7f: {  	s30 =	rddreg [dreg:$0xd];
	s5 =	simm.s32 $0xFC00  }
0x80: {  	[hbm4b:s12+s3] =	stream.indirect_vreg.scatter [tilespmem:s5], [sflag:$0x4], $0x80, v3, vm0, $0xb8;
	[tilespmem:$0x14400] =	vst v63  }
0x81: {  	s31 =	rddreg [dreg:$0xe]  }
0x82: {  	[hbm4b:s16+s17] =	stream.indirect.scatter [tilespmem:s31], [sflag:$0x5], $0x80, s30, s17, $0xb8;
	[tilespmem:$0x14400] =	vst v63  }
0x83: {  	_ =	swait.ge [sflag:s19], $0x8000  }
0x84: {  	[sflag:s19] =	ssyncset.done $0x0  }
0x85: {  	[sflag:s19] =	ssyncadd.s32 $0xFFFF8000  }
0x86: {  	_ =	swait.ge [sflag:s23], $0x8000  }
0x87: {  	[sflag:s23] =	ssyncset.done $0x0  }
0x88: {  	s21 =	rddreg [dreg:$0x8];
	[sflag:s23] =	ssyncadd.s32 $0xFFFF8000  }
0x89: {  	[tilespmem:s2], [sflag:$0x2] =	stream.linear.gather [hbm4b:s21+s3], $0x8000, $0x38;
	[tilespmem:$0x14400] =	vst v63  }
0x8a: {  	v3 =	vld [tilespmem:$0x100];
	_ =	sdelay $0x4  }
0x8b: {  	v58 =	vshll.u32 v3, $0x4  }
0x8c: {  	v3 =	vand.u32 $0x7, v3;
	v4 =	vand.u32 $0xFFFFFF80, v58  }
0x8d: {  	v3 =	vor.u32 v3, v4  }
0x8e: {  	v4 =	vperm.xlane v3, v0;
	_ =	sdelay $0x1  }
0x8f: {  	v4 =	vadd.s32 v1, v4;
	_ =	sdelay $0x4  }
0x90: {  	[hbm4b:s4+s3] =	stream.indirect_vreg.scatter [tilespmem:s18], [sflag:$0x3], $0x80, v4, vm0, $0xb8;
	[tilespmem:$0x14400] =	vst v63  }
0x91: {  	s22 =	simm.s32 $0xC00  }
0x92: {  	[hbm4b:s6+s3] =	stream.indirect_vreg.scatter [tilespmem:s22], [sflag:$0x3], $0x80, v4, vm0, $0xb8;
	[tilespmem:$0x14400] =	vst v63  }
0x93: {  	s2 =	simm.s32 $0x1400  }
0x94: {  	[hbm4b:s7+s3] =	stream.indirect_vreg.scatter [tilespmem:s2], [sflag:$0x3], $0x80, v4, vm0, $0xb8;
	[tilespmem:$0x14400] =	vst v63  }
0x95: {  	s5 =	simm.s32 $0x1C00  }
0x96: {  	[hbm4b:s8+s3] =	stream.indirect_vreg.scatter [tilespmem:s5], [sflag:$0x3], $0x80, v4, vm0, $0xb8;
	[tilespmem:$0x14400] =	vst v63  }
0x97: {  	s14 =	simm.s32 $0x2400  }
0x98: {  	[hbm4b:s9+s3] =	stream.indirect_vreg.scatter [tilespmem:s14], [sflag:$0x3], $0x80, v4, vm0, $0xb8;
	[tilespmem:$0x14400] =	vst v63  }
0x99: {  	s15 =	simm.s32 $0x2C00;
	v3 =	vperm.xlane v3, v2  }
0x9a: {  	[hbm4b:s10+s3] =	stream.indirect_vreg.scatter [tilespmem:s15], [sflag:$0x3], $0x80, v4, vm0, $0xb8;
	[tilespmem:$0x14400] =	vst v63  }
0x9b: {  	v3 =	vadd.s32 v1, v3;
	s14 =	simm.s32 $0x3400  }
0x9c: {  	[hbm4b:s11+s3] =	stream.indirect_vreg.scatter [tilespmem:s14], [sflag:$0x3], $0x80, v4, vm0, $0xb8;
	[tilespmem:$0x14400] =	vst v63  }
0x9d: {  	s15 =	simm.s32 $0x3C00  }
0x9e: {  	[hbm4b:s12+s3] =	stream.indirect_vreg.scatter [tilespmem:s15], [sflag:$0x3], $0x80, v4, vm0, $0xb8;
	[tilespmem:$0x14400] =	vst v63  }
0x9f: {  	s21 =	simm.s32 $0x4400  }
0xa0: {  	[hbm4b:s4+s3] =	stream.indirect_vreg.scatter [tilespmem:s21], [sflag:$0x3], $0x80, v3, vm0, $0xb8;
	[tilespmem:$0x14400] =	vst v63  }
0xa1: {  	s22 =	simm.s32 $0x4C00  }
0xa2: {  	[hbm4b:s6+s3] =	stream.indirect_vreg.scatter [tilespmem:s22], [sflag:$0x3], $0x80, v3, vm0, $0xb8;
	[tilespmem:$0x14400] =	vst v63  }
0xa3: {  	s28 =	simm.s32 $0x5400  }
0xa4: {  	[hbm4b:s7+s3] =	stream.indirect_vreg.scatter [tilespmem:s28], [sflag:$0x3], $0x80, v3, vm0, $0xb8;
	[tilespmem:$0x14400] =	vst v63  }
0xa5: {  	s29 =	simm.s32 $0x5C00  }
0xa6: {  	[hbm4b:s8+s3] =	stream.indirect_vreg.scatter [tilespmem:s29], [sflag:$0x3], $0x80, v3, vm0, $0xb8;
	[tilespmem:$0x14400] =	vst v63  }
0xa7: {  	s30 =	simm.s32 $0x6400  }
0xa8: {  	[hbm4b:s9+s3] =	stream.indirect_vreg.scatter [tilespmem:s30], [sflag:$0x3], $0x80, v3, vm0, $0xb8;
	[tilespmem:$0x14400] =	vst v63  }
0xa9: {  	s25 =	simm.s32 $0x6C00  }
0xaa: {  	[hbm4b:s10+s3] =	stream.indirect_vreg.scatter [tilespmem:s25], [sflag:$0x3], $0x80, v3, vm0, $0xb8;
	[tilespmem:$0x14400] =	vst v63  }
0xab: {  	s26 =	simm.s32 $0x7400  }
0xac: {  	[hbm4b:s11+s3] =	stream.indirect_vreg.scatter [tilespmem:s26], [sflag:$0x3], $0x80, v3, vm0, $0xb8;
	[tilespmem:$0x14400] =	vst v63  }
0xad: {  	s31 =	simm.s32 $0x7C00;
	s25 =	rddreg [dreg:$0xf]  }
0xae: {  	[hbm4b:s12+s3] =	stream.indirect_vreg.scatter [tilespmem:s31], [sflag:$0x3], $0x80, v3, vm0, $0xb8;
	[tilespmem:$0x14400] =	vst v63  }
0xaf: {  	s26 =	rddreg [dreg:$0x10]  }
0xb0: {  	[hbm4b:s16+s17] =	stream.indirect.scatter [tilespmem:s26], [sflag:$0x5], $0x80, s25, s17, $0xb8;
	[tilespmem:$0x14400] =	vst v63  }
0xb1: {  	_ =	swait.ge [sflag:s20], $0x8000  }
0xb2: {  	[sflag:s20] =	ssyncset.done $0x0  }
0xb3: {  	[sflag:s20] =	ssyncadd.s32 $0xFFFF8000  }
0xb4: {  	_ =	swait.ge [sflag:s0], $0x8000  }
0xb5: {  	[sflag:s0] =	ssyncset.done $0x0  }
0xb6: {  	s31 =	rddreg [dreg:$0x9];
	[sflag:s0] =	ssyncadd.s32 $0xFFFF8000  }
0xb7: {  	[tilespmem:s18], [sflag:$0x1] =	stream.linear.gather [hbm4b:s31+s3], $0x8000, $0x38;
	[tilespmem:$0x14400] =	vst v63  }
0xb8: {  	v3 =	vld [tilespmem:$0x180];
	_ =	sdelay $0x4  }
0xb9: {  	v59 =	vshll.u32 v3, $0x4  }
0xba: {  	v3 =	vand.u32 $0x7, v3;
	v4 =	vand.u32 $0xFFFFFF80, v59  }
0xbb: {  	v3 =	vor.u32 v3, v4  }
0xbc: {  	v4 =	vperm.xlane v3, v0;
	_ =	sdelay $0x1  }
0xbd: {  	v4 =	vadd.s32 v1, v4;
	_ =	sdelay $0x3  }
0xbe: {  	s31 =	simm.s32 $0x8400  }
0xbf: {  	[hbm4b:s4+s3] =	stream.indirect_vreg.scatter [tilespmem:s31], [sflag:$0x4], $0x80, v4, vm0, $0xb8;
	[tilespmem:$0x14400] =	vst v63  }
0xc0: {  	s1 =	simm.s32 $0x8C00  }
0xc1: {  	[hbm4b:s6+s3] =	stream.indirect_vreg.scatter [tilespmem:s1], [sflag:$0x4], $0x80, v4, vm0, $0xb8;
	[tilespmem:$0x14400] =	vst v63  }
0xc2: {  	s26 =	simm.s32 $0x9400  }
0xc3: {  	[hbm4b:s7+s3] =	stream.indirect_vreg.scatter [tilespmem:s26], [sflag:$0x4], $0x80, v4, vm0, $0xb8;
	[tilespmem:$0x14400] =	vst v63  }
0xc4: {  	s25 =	simm.s32 $0x9C00  }
0xc5: {  	[hbm4b:s8+s3] =	stream.indirect_vreg.scatter [tilespmem:s25], [sflag:$0x4], $0x80, v4, vm0, $0xb8;
	[tilespmem:$0x14400] =	vst v63  }
0xc6: {  	s26 =	simm.s32 $0xA400  }
0xc7: {  	[hbm4b:s9+s3] =	stream.indirect_vreg.scatter [tilespmem:s26], [sflag:$0x4], $0x80, v4, vm0, $0xb8;
	[tilespmem:$0x14400] =	vst v63  }
0xc8: {  	v3 =	vperm.xlane v3, v2;
	s1 =	simm.s32 $0xAC00  }
0xc9: {  	[hbm4b:s10+s3] =	stream.indirect_vreg.scatter [tilespmem:s1], [sflag:$0x4], $0x80, v4, vm0, $0xb8;
	[tilespmem:$0x14400] =	vst v63  }
0xca: {  	v3 =	vadd.s32 v1, v3;
	s25 =	simm.s32 $0xB400  }
0xcb: {  	[hbm4b:s11+s3] =	stream.indirect_vreg.scatter [tilespmem:s25], [sflag:$0x4], $0x80, v4, vm0, $0xb8;
	[tilespmem:$0x14400] =	vst v63  }
0xcc: {  	s26 =	simm.s32 $0xBC00  }
0xcd: {  	[hbm4b:s12+s3] =	stream.indirect_vreg.scatter [tilespmem:s26], [sflag:$0x4], $0x80, v4, vm0, $0xb8;
	[tilespmem:$0x14400] =	vst v63  }
0xce: {  	s25 =	simm.s32 $0xC400  }
0xcf: {  	[hbm4b:s4+s3] =	stream.indirect_vreg.scatter [tilespmem:s25], [sflag:$0x4], $0x80, v3, vm0, $0xb8;
	[tilespmem:$0x14400] =	vst v63  }
0xd0: {  	s26 =	simm.s32 $0xCC00  }
0xd1: {  	[hbm4b:s6+s3] =	stream.indirect_vreg.scatter [tilespmem:s26], [sflag:$0x4], $0x80, v3, vm0, $0xb8;
	[tilespmem:$0x14400] =	vst v63  }
0xd2: {  	s25 =	simm.s32 $0xD400  }
0xd3: {  	[hbm4b:s7+s3] =	stream.indirect_vreg.scatter [tilespmem:s25], [sflag:$0x4], $0x80, v3, vm0, $0xb8;
	[tilespmem:$0x14400] =	vst v63  }
0xd4: {  	s26 =	simm.s32 $0xDC00  }
0xd5: {  	[hbm4b:s8+s3] =	stream.indirect_vreg.scatter [tilespmem:s26], [sflag:$0x4], $0x80, v3, vm0, $0xb8;
	[tilespmem:$0x14400] =	vst v63  }
0xd6: {  	s25 =	simm.s32 $0xE400  }
0xd7: {  	[hbm4b:s9+s3] =	stream.indirect_vreg.scatter [tilespmem:s25], [sflag:$0x4], $0x80, v3, vm0, $0xb8;
	[tilespmem:$0x14400] =	vst v63  }
0xd8: {  	s26 =	simm.s32 $0xEC00  }
0xd9: {  	[hbm4b:s10+s3] =	stream.indirect_vreg.scatter [tilespmem:s26], [sflag:$0x4], $0x80, v3, vm0, $0xb8;
	[tilespmem:$0x14400] =	vst v63  }
0xda: {  	s1 =	simm.s32 $0xF400  }
0xdb: {  	[hbm4b:s11+s3] =	stream.indirect_vreg.scatter [tilespmem:s1], [sflag:$0x4], $0x80, v3, vm0, $0xb8;
	[tilespmem:$0x14400] =	vst v63  }
0xdc: {  	s25 =	rddreg [dreg:$0x11];
	s1 =	simm.s32 $0xFC00  }
0xdd: {  	[hbm4b:s12+s3] =	stream.indirect_vreg.scatter [tilespmem:s1], [sflag:$0x4], $0x80, v3, vm0, $0xb8;
	[tilespmem:$0x14400] =	vst v63  }
0xde: {  	s26 =	rddreg [dreg:$0x12]  }
0xdf: {  	[hbm4b:s16+s17] =	stream.indirect.scatter [tilespmem:s26], [sflag:$0x5], $0x80, s25, s17, $0xb8;
	[tilespmem:$0x14400] =	vst v63  }
0xe0: {  	_ =	swait.ge [sflag:s19], $0x8000  }
0xe1: {  	[sflag:s19] =	ssyncset.done $0x0  }
0xe2: {  	[sflag:s19] =	ssyncadd.s32 $0xFFFF8000  }
0xe3: {  	_ =	swait.ge [sflag:s23], $0x8000  }
0xe4: {  	[sflag:s23] =	ssyncset.done $0x0  }
0xe5: {  	s26 =	rddreg [dreg:$0xa];
	[sflag:s23] =	ssyncadd.s32 $0xFFFF8000  }
0xe6: {  	[tilespmem:s31], [sflag:$0x2] =	stream.linear.gather [hbm4b:s26+s3], $0x8000, $0x38;
	[tilespmem:$0x14400] =	vst v63  }
0xe7: {  	v3 =	vld [tilespmem:$0x200];
	_ =	sdelay $0x4  }
0xe8: {  	v60 =	vshll.u32 v3, $0x4  }
0xe9: {  	v3 =	vand.u32 $0x7, v3;
	v4 =	vand.u32 $0xFFFFFF80, v60  }
0xea: {  	v3 =	vor.u32 v3, v4  }
0xeb: {  	v4 =	vperm.xlane v3, v0;
	_ =	sdelay $0x1  }
0xec: {  	v4 =	vadd.s32 v1, v4;
	_ =	sdelay $0x4  }
0xed: {  	[hbm4b:s4+s3] =	stream.indirect_vreg.scatter [tilespmem:s18], [sflag:$0x3], $0x80, v4, vm0, $0xb8;
	[tilespmem:$0x14400] =	vst v63  }
0xee: {  	s1 =	simm.s32 $0xC00  }
0xef: {  	[hbm4b:s6+s3] =	stream.indirect_vreg.scatter [tilespmem:s1], [sflag:$0x3], $0x80, v4, vm0, $0xb8;
	[tilespmem:$0x14400] =	vst v63  }
0xf0: {  	_ = 	snop  }
0xf1: {  	[hbm4b:s7+s3] =	stream.indirect_vreg.scatter [tilespmem:s2], [sflag:$0x3], $0x80, v4, vm0, $0xb8;
	[tilespmem:$0x14400] =	vst v63  }
0xf2: {  	_ = 	snop  }
0xf3: {  	[hbm4b:s8+s3] =	stream.indirect_vreg.scatter [tilespmem:s5], [sflag:$0x3], $0x80, v4, vm0, $0xb8;
	[tilespmem:$0x14400] =	vst v63  }
0xf4: {  	s26 =	simm.s32 $0x2400  }
0xf5: {  	[hbm4b:s9+s3] =	stream.indirect_vreg.scatter [tilespmem:s26], [sflag:$0x3], $0x80, v4, vm0, $0xb8;
	[tilespmem:$0x14400] =	vst v63  }
0xf6: {  	v3 =	vperm.xlane v3, v2;
	s2 =	simm.s32 $0x2C00  }
0xf7: {  	[hbm4b:s10+s3] =	stream.indirect_vreg.scatter [tilespmem:s2], [sflag:$0x3], $0x80, v4, vm0, $0xb8;
	[tilespmem:$0x14400] =	vst v63  }
0xf8: {  	v3 =	vadd.s32 v1, v3  }
0xf9: {  	[hbm4b:s11+s3] =	stream.indirect_vreg.scatter [tilespmem:s14], [sflag:$0x3], $0x80, v4, vm0, $0xb8;
	[tilespmem:$0x14400] =	vst v63  }
0xfa: {  	_ = 	snop  }
0xfb: {  	[hbm4b:s12+s3] =	stream.indirect_vreg.scatter [tilespmem:s15], [sflag:$0x3], $0x80, v4, vm0, $0xb8;
	[tilespmem:$0x14400] =	vst v63  }
0xfc: {  	_ = 	snop  }
0xfd: {  	[hbm4b:s4+s3] =	stream.indirect_vreg.scatter [tilespmem:s21], [sflag:$0x3], $0x80, v3, vm0, $0xb8;
	[tilespmem:$0x14400] =	vst v63  }
0xfe: {  	_ = 	snop  }
0xff: {  	[hbm4b:s6+s3] =	stream.indirect_vreg.scatter [tilespmem:s22], [sflag:$0x3], $0x80, v3, vm0, $0xb8;
	[tilespmem:$0x14400] =	vst v63  }
0x100: {  	_ = 	snop  }
0x101: {  	[hbm4b:s7+s3] =	stream.indirect_vreg.scatter [tilespmem:s28], [sflag:$0x3], $0x80, v3, vm0, $0xb8;
	[tilespmem:$0x14400] =	vst v63  }
0x102: {  	_ = 	snop  }
0x103: {  	[hbm4b:s8+s3] =	stream.indirect_vreg.scatter [tilespmem:s29], [sflag:$0x3], $0x80, v3, vm0, $0xb8;
	[tilespmem:$0x14400] =	vst v63  }
0x104: {  	_ = 	snop  }
0x105: {  	[hbm4b:s9+s3] =	stream.indirect_vreg.scatter [tilespmem:s30], [sflag:$0x3], $0x80, v3, vm0, $0xb8;
	[tilespmem:$0x14400] =	vst v63  }
0x106: {  	s5 =	simm.s32 $0x6C00  }
0x107: {  	[hbm4b:s10+s3] =	stream.indirect_vreg.scatter [tilespmem:s5], [sflag:$0x3], $0x80, v3, vm0, $0xb8;
	[tilespmem:$0x14400] =	vst v63  }
0x108: {  	s14 =	simm.s32 $0x7400  }
0x109: {  	[hbm4b:s11+s3] =	stream.indirect_vreg.scatter [tilespmem:s14], [sflag:$0x3], $0x80, v3, vm0, $0xb8;
	[tilespmem:$0x14400] =	vst v63  }
0x10a: {  	s15 =	rddreg [dreg:$0x13];
	s22 =	simm.s32 $0x7C00  }
0x10b: {  	[hbm4b:s12+s3] =	stream.indirect_vreg.scatter [tilespmem:s22], [sflag:$0x3], $0x80, v3, vm0, $0xb8;
	[tilespmem:$0x14400] =	vst v63  }
0x10c: {  	s21 =	rddreg [dreg:$0x14]  }
0x10d: {  	[hbm4b:s16+s17] =	stream.indirect.scatter [tilespmem:s21], [sflag:$0x5], $0x80, s15, s17, $0xb8;
	[tilespmem:$0x14400] =	vst v63  }
0x10e: {  	_ =	swait.ge [sflag:s20], $0x8000  }
0x10f: {  	[sflag:s20] =	ssyncset.done $0x0  }
0x110: {  	[sflag:s20] =	ssyncadd.s32 $0xFFFF8000  }
0x111: {  	_ =	swait.ge [sflag:s0], $0x8000  }
0x112: {  	[sflag:s0] =	ssyncset.done $0x0  }
0x113: {  	s28 =	rddreg [dreg:$0xb];
	[sflag:s0] =	ssyncadd.s32 $0xFFFF8000  }
0x114: {  	[tilespmem:s18], [sflag:$0x1] =	stream.linear.gather [hbm4b:s28+s3], $0x8000, $0x38;
	[tilespmem:$0x14400] =	vst v63  }
0x115: {  	v3 =	vld [tilespmem:$0x280];
	_ =	sdelay $0x4  }
0x116: {  	v61 =	vshll.u32 v3, $0x4  }
0x117: {  	v3 =	vand.u32 $0x7, v3;
	v4 =	vand.u32 $0xFFFFFF80, v61  }
0x118: {  	v3 =	vor.u32 v3, v4  }
0x119: {  	v4 =	vperm.xlane v3, v0;
	_ =	sdelay $0x1  }
0x11a: {  	v4 =	vadd.s32 v1, v4;
	_ =	sdelay $0x3  }
0x11b: {  	s31 =	simm.s32 $0x8400  }
0x11c: {  	[hbm4b:s4+s3] =	stream.indirect_vreg.scatter [tilespmem:s31], [sflag:$0x4], $0x80, v4, vm0, $0xb8;
	[tilespmem:$0x14400] =	vst v63  }
0x11d: {  	s29 =	simm.s32 $0x8C00  }
0x11e: {  	[hbm4b:s6+s3] =	stream.indirect_vreg.scatter [tilespmem:s29], [sflag:$0x4], $0x80, v4, vm0, $0xb8;
	[tilespmem:$0x14400] =	vst v63  }
0x11f: {  	s2 =	simm.s32 $0x9400  }
0x120: {  	[hbm4b:s7+s3] =	stream.indirect_vreg.scatter [tilespmem:s2], [sflag:$0x4], $0x80, v4, vm0, $0xb8;
	[tilespmem:$0x14400] =	vst v63  }
0x121: {  	s5 =	simm.s32 $0x9C00  }
0x122: {  	[hbm4b:s8+s3] =	stream.indirect_vreg.scatter [tilespmem:s5], [sflag:$0x4], $0x80, v4, vm0, $0xb8;
	[tilespmem:$0x14400] =	vst v63  }
0x123: {  	s30 =	simm.s32 $0xA400  }
0x124: {  	[hbm4b:s9+s3] =	stream.indirect_vreg.scatter [tilespmem:s30], [sflag:$0x4], $0x80, v4, vm0, $0xb8;
	[tilespmem:$0x14400] =	vst v63  }
0x125: {  	v3 =	vperm.xlane v3, v2;
	s31 =	simm.s32 $0xAC00  }
0x126: {  	[hbm4b:s10+s3] =	stream.indirect_vreg.scatter [tilespmem:s31], [sflag:$0x4], $0x80, v4, vm0, $0xb8;
	[tilespmem:$0x14400] =	vst v63  }
0x127: {  	s14 =	simm.s32 $0xB400;
	v3 =	vadd.s32 v1, v3  }
0x128: {  	[hbm4b:s11+s3] =	stream.indirect_vreg.scatter [tilespmem:s14], [sflag:$0x4], $0x80, v4, vm0, $0xb8;
	[tilespmem:$0x14400] =	vst v63  }
0x129: {  	s15 =	simm.s32 $0xBC00  }
0x12a: {  	[hbm4b:s12+s3] =	stream.indirect_vreg.scatter [tilespmem:s15], [sflag:$0x4], $0x80, v4, vm0, $0xb8;
	[tilespmem:$0x14400] =	vst v63  }
0x12b: {  	s21 =	simm.s32 $0xC400  }
0x12c: {  	[hbm4b:s4+s3] =	stream.indirect_vreg.scatter [tilespmem:s21], [sflag:$0x4], $0x80, v3, vm0, $0xb8;
	[tilespmem:$0x14400] =	vst v63  }
0x12d: {  	s22 =	simm.s32 $0xCC00  }
0x12e: {  	[hbm4b:s6+s3] =	stream.indirect_vreg.scatter [tilespmem:s22], [sflag:$0x4], $0x80, v3, vm0, $0xb8;
	[tilespmem:$0x14400] =	vst v63  }
0x12f: {  	s28 =	simm.s32 $0xD400  }
0x130: {  	[hbm4b:s7+s3] =	stream.indirect_vreg.scatter [tilespmem:s28], [sflag:$0x4], $0x80, v3, vm0, $0xb8;
	[tilespmem:$0x14400] =	vst v63  }
0x131: {  	s29 =	simm.s32 $0xDC00  }
0x132: {  	[hbm4b:s8+s3] =	stream.indirect_vreg.scatter [tilespmem:s29], [sflag:$0x4], $0x80, v3, vm0, $0xb8;
	[tilespmem:$0x14400] =	vst v63  }
0x133: {  	s30 =	simm.s32 $0xE400  }
0x134: {  	[hbm4b:s9+s3] =	stream.indirect_vreg.scatter [tilespmem:s30], [sflag:$0x4], $0x80, v3, vm0, $0xb8;
	[tilespmem:$0x14400] =	vst v63  }
0x135: {  	s31 =	simm.s32 $0xEC00  }
0x136: {  	[hbm4b:s10+s3] =	stream.indirect_vreg.scatter [tilespmem:s31], [sflag:$0x4], $0x80, v3, vm0, $0xb8;
	[tilespmem:$0x14400] =	vst v63  }
0x137: {  	s1 =	simm.s32 $0xF400  }
0x138: {  	[hbm4b:s11+s3] =	stream.indirect_vreg.scatter [tilespmem:s1], [sflag:$0x4], $0x80, v3, vm0, $0xb8;
	[tilespmem:$0x14400] =	vst v63  }
0x139: {  	s25 =	rddreg [dreg:$0x15];
	s1 =	simm.s32 $0xFC00  }
0x13a: {  	[hbm4b:s12+s3] =	stream.indirect_vreg.scatter [tilespmem:s1], [sflag:$0x4], $0x80, v3, vm0, $0xb8;
	[tilespmem:$0x14400] =	vst v63  }
0x13b: {  	s26 =	rddreg [dreg:$0x16]  }
0x13c: {  	[hbm4b:s16+s17] =	stream.indirect.scatter [tilespmem:s26], [sflag:$0x5], $0x80, s25, s17, $0xb8;
	[tilespmem:$0x14400] =	vst v63  }
0x13d: {  	_ =	swait.ge [sflag:s19], $0x8000  }
0x13e: {  	[sflag:s19] =	ssyncset.done $0x0  }
0x13f: {  	[sflag:s19] =	ssyncadd.s32 $0xFFFF8000  }
0x140: {  	_ =	swait.ge [sflag:s23], $0x8000  }
0x141: {  	[sflag:s23] =	ssyncset.done $0x0  }
0x142: {  	s1 =	simm.s32 $0x8400;
	s26 =	rddreg [dreg:$0xc];
	[sflag:s23] =	ssyncadd.s32 $0xFFFF8000  }
0x143: {  	[tilespmem:s1], [sflag:$0x2] =	stream.linear.gather [hbm4b:s26+s3], $0x8000, $0x38;
	[tilespmem:$0x14400] =	vst v63  }
0x144: {  	v3 =	vld [tilespmem:$0x300];
	_ =	sdelay $0x4  }
0x145: {  	v62 =	vshll.u32 v3, $0x4  }
0x146: {  	v3 =	vand.u32 $0x7, v3;
	v4 =	vand.u32 $0xFFFFFF80, v62  }
0x147: {  	v3 =	vor.u32 v3, v4  }
0x148: {  	v4 =	vperm.xlane v3, v0;
	_ =	sdelay $0x1  }
0x149: {  	v4 =	vadd.s32 v1, v4;
	_ =	sdelay $0x4  }
0x14a: {  	[hbm4b:s4+s3] =	stream.indirect_vreg.scatter [tilespmem:s18], [sflag:$0x3], $0x80, v4, vm0, $0xb8;
	[tilespmem:$0x14400] =	vst v63  }
0x14b: {  	s25 =	simm.s32 $0xC00  }
0x14c: {  	[hbm4b:s6+s3] =	stream.indirect_vreg.scatter [tilespmem:s25], [sflag:$0x3], $0x80, v4, vm0, $0xb8;
	[tilespmem:$0x14400] =	vst v63  }
0x14d: {  	s26 =	simm.s32 $0x1400  }
0x14e: {  	[hbm4b:s7+s3] =	stream.indirect_vreg.scatter [tilespmem:s26], [sflag:$0x3], $0x80, v4, vm0, $0xb8;
	[tilespmem:$0x14400] =	vst v63  }
0x14f: {  	s25 =	simm.s32 $0x1C00  }
0x150: {  	[hbm4b:s8+s3] =	stream.indirect_vreg.scatter [tilespmem:s25], [sflag:$0x3], $0x80, v4, vm0, $0xb8;
	[tilespmem:$0x14400] =	vst v63  }
0x151: {  	s26 =	simm.s32 $0x2400  }
0x152: {  	[hbm4b:s9+s3] =	stream.indirect_vreg.scatter [tilespmem:s26], [sflag:$0x3], $0x80, v4, vm0, $0xb8;
	[tilespmem:$0x14400] =	vst v63  }
0x153: {  	v3 =	vperm.xlane v3, v2;
	s25 =	simm.s32 $0x2C00  }
0x154: {  	[hbm4b:s10+s3] =	stream.indirect_vreg.scatter [tilespmem:s25], [sflag:$0x3], $0x80, v4, vm0, $0xb8;
	[tilespmem:$0x14400] =	vst v63  }
0x155: {  	v3 =	vadd.s32 v1, v3;
	s26 =	simm.s32 $0x3400  }
0x156: {  	[hbm4b:s11+s3] =	stream.indirect_vreg.scatter [tilespmem:s26], [sflag:$0x3], $0x80, v4, vm0, $0xb8;
	[tilespmem:$0x14400] =	vst v63  }
0x157: {  	s25 =	simm.s32 $0x3C00  }
0x158: {  	[hbm4b:s12+s3] =	stream.indirect_vreg.scatter [tilespmem:s25], [sflag:$0x3], $0x80, v4, vm0, $0xb8;
	[tilespmem:$0x14400] =	vst v63  }
0x159: {  	s26 =	simm.s32 $0x4400  }
0x15a: {  	[hbm4b:s4+s3] =	stream.indirect_vreg.scatter [tilespmem:s26], [sflag:$0x3], $0x80, v3, vm0, $0xb8;
	[tilespmem:$0x14400] =	vst v63  }
0x15b: {  	s25 =	simm.s32 $0x4C00  }
0x15c: {  	[hbm4b:s6+s3] =	stream.indirect_vreg.scatter [tilespmem:s25], [sflag:$0x3], $0x80, v3, vm0, $0xb8;
	[tilespmem:$0x14400] =	vst v63  }
0x15d: {  	s26 =	simm.s32 $0x5400  }
0x15e: {  	[hbm4b:s7+s3] =	stream.indirect_vreg.scatter [tilespmem:s26], [sflag:$0x3], $0x80, v3, vm0, $0xb8;
	[tilespmem:$0x14400] =	vst v63  }
0x15f: {  	s25 =	simm.s32 $0x5C00  }
0x160: {  	[hbm4b:s8+s3] =	stream.indirect_vreg.scatter [tilespmem:s25], [sflag:$0x3], $0x80, v3, vm0, $0xb8;
	[tilespmem:$0x14400] =	vst v63  }
0x161: {  	s26 =	simm.s32 $0x6400  }
0x162: {  	[hbm4b:s9+s3] =	stream.indirect_vreg.scatter [tilespmem:s26], [sflag:$0x3], $0x80, v3, vm0, $0xb8;
	[tilespmem:$0x14400] =	vst v63  }
0x163: {  	s25 =	simm.s32 $0x6C00  }
0x164: {  	[hbm4b:s10+s3] =	stream.indirect_vreg.scatter [tilespmem:s25], [sflag:$0x3], $0x80, v3, vm0, $0xb8;
	[tilespmem:$0x14400] =	vst v63  }
0x165: {  	s26 =	simm.s32 $0x7400  }
0x166: {  	[hbm4b:s11+s3] =	stream.indirect_vreg.scatter [tilespmem:s26], [sflag:$0x3], $0x80, v3, vm0, $0xb8;
	[tilespmem:$0x14400] =	vst v63  }
0x167: {  	s18 =	simm.s32 $0x7C00;
	s25 =	rddreg [dreg:$0x17]  }
0x168: {  	[hbm4b:s12+s3] =	stream.indirect_vreg.scatter [tilespmem:s18], [sflag:$0x3], $0x80, v3, vm0, $0xb8;
	[tilespmem:$0x14400] =	vst v63  }
0x169: {  	s26 =	rddreg [dreg:$0x18]  }
0x16a: {  	[hbm4b:s16+s17] =	stream.indirect.scatter [tilespmem:s26], [sflag:$0x5], $0x80, s25, s17, $0xb8;
	[tilespmem:$0x14400] =	vst v63  }
0x16b: {  	_ =	swait.ge [sflag:s20], $0x8000  }
0x16c: {  	[sflag:s20] =	ssyncset.done $0x0  }
0x16d: {  	[sflag:s20] =	ssyncadd.s32 $0xFFFF8000  }
0x16e: {  	v3 =	vld [tilespmem:$0x380];
	_ =	sdelay $0x4  }
0x16f: {  	v63 =	vshll.u32 v3, $0x4  }
0x170: {  	v3 =	vand.u32 $0x7, v3;
	v4 =	vand.u32 $0xFFFFFF80, v63  }
0x171: {  	v3 =	vor.u32 v3, v4  }
0x172: {  	v4 =	vperm.xlane v3, v0;
	_ =	sdelay $0x1  }
0x173: {  	v4 =	vadd.s32 v1, v4;
	_ =	sdelay $0x4  }
0x174: {  	[hbm4b:s4+s3] =	stream.indirect_vreg.scatter [tilespmem:s1], [sflag:$0x4], $0x80, v4, vm0, $0xb8;
	[tilespmem:$0x14400] =	vst v63  }
0x175: {  	s18 =	simm.s32 $0x8C00  }
0x176: {  	[hbm4b:s6+s3] =	stream.indirect_vreg.scatter [tilespmem:s18], [sflag:$0x4], $0x80, v4, vm0, $0xb8;
	[tilespmem:$0x14400] =	vst v63  }
0x177: {  	_ = 	snop  }
0x178: {  	[hbm4b:s7+s3] =	stream.indirect_vreg.scatter [tilespmem:s2], [sflag:$0x4], $0x80, v4, vm0, $0xb8;
	[tilespmem:$0x14400] =	vst v63  }
0x179: {  	_ = 	snop  }
0x17a: {  	[hbm4b:s8+s3] =	stream.indirect_vreg.scatter [tilespmem:s5], [sflag:$0x4], $0x80, v4, vm0, $0xb8;
	[tilespmem:$0x14400] =	vst v63  }
0x17b: {  	s25 =	simm.s32 $0xA400  }
0x17c: {  	[hbm4b:s9+s3] =	stream.indirect_vreg.scatter [tilespmem:s25], [sflag:$0x4], $0x80, v4, vm0, $0xb8;
	[tilespmem:$0x14400] =	vst v63  }
0x17d: {  	s26 =	simm.s32 $0xAC00;
	v3 =	vperm.xlane v3, v2  }
0x17e: {  	[hbm4b:s10+s3] =	stream.indirect_vreg.scatter [tilespmem:s26], [sflag:$0x4], $0x80, v4, vm0, $0xb8;
	[tilespmem:$0x14400] =	vst v63  }
0x17f: {  	v3 =	vadd.s32 v1, v3  }
0x180: {  	[hbm4b:s11+s3] =	stream.indirect_vreg.scatter [tilespmem:s14], [sflag:$0x4], $0x80, v4, vm0, $0xb8;
	[tilespmem:$0x14400] =	vst v63  }
0x181: {  	_ = 	snop  }
0x182: {  	[hbm4b:s12+s3] =	stream.indirect_vreg.scatter [tilespmem:s15], [sflag:$0x4], $0x80, v4, vm0, $0xb8;
	[tilespmem:$0x14400] =	vst v63  }
0x183: {  	_ = 	snop  }
0x184: {  	[hbm4b:s4+s3] =	stream.indirect_vreg.scatter [tilespmem:s21], [sflag:$0x4], $0x80, v3, vm0, $0xb8;
	[tilespmem:$0x14400] =	vst v63  }
0x185: {  	_ = 	snop  }
0x186: {  	[hbm4b:s6+s3] =	stream.indirect_vreg.scatter [tilespmem:s22], [sflag:$0x4], $0x80, v3, vm0, $0xb8;
	[tilespmem:$0x14400] =	vst v63  }
0x187: {  	_ = 	snop  }
0x188: {  	[hbm4b:s7+s3] =	stream.indirect_vreg.scatter [tilespmem:s28], [sflag:$0x4], $0x80, v3, vm0, $0xb8;
	[tilespmem:$0x14400] =	vst v63  }
0x189: {  	_ = 	snop  }
0x18a: {  	[hbm4b:s8+s3] =	stream.indirect_vreg.scatter [tilespmem:s29], [sflag:$0x4], $0x80, v3, vm0, $0xb8;
	[tilespmem:$0x14400] =	vst v63  }
0x18b: {  	_ = 	snop  }
0x18c: {  	[hbm4b:s9+s3] =	stream.indirect_vreg.scatter [tilespmem:s30], [sflag:$0x4], $0x80, v3, vm0, $0xb8;
	[tilespmem:$0x14400] =	vst v63  }
0x18d: {  	_ = 	snop  }
0x18e: {  	[hbm4b:s10+s3] =	stream.indirect_vreg.scatter [tilespmem:s31], [sflag:$0x4], $0x80, v3, vm0, $0xb8;
	[tilespmem:$0x14400] =	vst v63  }
0x18f: {  	s28 =	simm.s32 $0xF400  }
0x190: {  	[hbm4b:s11+s3] =	stream.indirect_vreg.scatter [tilespmem:s28], [sflag:$0x4], $0x80, v3, vm0, $0xb8;
	[tilespmem:$0x14400] =	vst v63  }
0x191: {  	s29 =	rddreg [dreg:$0x19];
	s31 =	simm.s32 $0xFC00  }
0x192: {  	[hbm4b:s12+s3] =	stream.indirect_vreg.scatter [tilespmem:s31], [sflag:$0x4], $0x80, v3, vm0, $0xb8;
	[tilespmem:$0x14400] =	vst v63  }
0x193: {  	s30 =	rddreg [dreg:$0x1a]  }
0x194: {  	[hbm4b:s16+s17] =	stream.indirect.scatter [tilespmem:s30], [sflag:$0x5], $0x80, s29, s17, $0xb8;
	[tilespmem:$0x14400] =	vst v63  }
0x195: {  	_ =	swait.ge [sflag:s0], $0x8000  }
0x196: {  	[sflag:s0] =	ssyncset.done $0x0  }
0x197: {  	[sflag:s0] =	ssyncadd.s32 $0xFFFF8000  }
0x198: {  	_ =	swait.ge [sflag:s23], $0x8000  }
0x199: {  	[sflag:s23] =	ssyncset.done $0x0  }
0x19a: {  	[sflag:s23] =	ssyncadd.s32 $0xFFFF8000  }
0x19b: {  	_ =	swait.ge [sflag:s24], $0x800  }
0x19c: {  	[sflag:s24] =	ssyncset.done $0x0  }
0x19d: {  	[sflag:s24] =	ssyncadd.s32 $0xFFFFF800  }
0x19e: {  	_ =	swait.ge [sflag:s24], $0x800  }
0x19f: {  	[sflag:s24] =	ssyncset.done $0x0  }
0x1a0: {  	[sflag:s24] =	ssyncadd.s32 $0xFFFFF800  }
0x1a1: {  	_ =	swait.ge [sflag:s24], $0x800  }
0x1a2: {  	[sflag:s24] =	ssyncset.done $0x0  }
0x1a3: {  	[sflag:s24] =	ssyncadd.s32 $0xFFFFF800  }
0x1a4: {  	_ =	swait.ge [sflag:s24], $0x800  }
0x1a5: {  	[sflag:s24] =	ssyncset.done $0x0  }
0x1a6: {  	[sflag:s24] =	ssyncadd.s32 $0xFFFFF800  }
0x1a7: {  	_ =	swait.ge [sflag:s24], $0x800  }
0x1a8: {  	[sflag:s24] =	ssyncset.done $0x0  }
0x1a9: {  	[sflag:s24] =	ssyncadd.s32 $0xFFFFF800  }
0x1aa: {  	_ =	swait.ge [sflag:s24], $0x800  }
0x1ab: {  	[sflag:s24] =	ssyncset.done $0x0  }
0x1ac: {  	[sflag:s24] =	ssyncadd.s32 $0xFFFFF800  }
0x1ad: {  	p0 =	sne.s32 s13, $0x1;
	_ =	swait.ge [sflag:s24], $0x800  }
.Ltmp0:
0x1ae: {  	[sflag:s24] =	ssyncset.done $0x0;
	(pc) =	sbr.rel @p0 .LBB2_1-.Ltmp0, $4  }
0x1af: {  	[sflag:s24] =	ssyncadd.s32 $0xFFFFF800  }
0x1b0: {  	_ =	swait.ge [sflag:s24], $0x800  }
0x1b1: {  	[sflag:s24] =	ssyncset.done $0x0  }
0x1b2: {  	s13 =	sadd.s32 $0xFFFFFFFF, s13;
	[sflag:s24] =	ssyncadd.s32 $0xFFFFF800  }
0x1b3: {  	_ =	sfence.sel $0x180000  }
0x1b4: {  	[bflag:$0x0] =	sbarrier.arrive $0xFFFF  }
0x1b5: {  	_ =	strace $0x90000047  }
0x1b6: {  	s0 =	stileid.u32;
	[bflag:$0x2] =	sbarrier.arrive $0xFFFF  }
0x1b7: {  	p0 =	sne.s32 s0, $0x0;
	s0 =	rddreg [dreg:$0x3]  }
0x1b8: {  	s0 =	sadd.s32 @!p0 $0x100000, s0  }
0x1b9: {  	[sflag:s0] =	ssyncadd.tile.s32 @!p0 $0x1;
	_ =	shalt  }
.Lfunc_end2:
_tile_overlayer_lowered:
.L_overlay_start_2:
0x1ba: {  	(tag) =	ssettag $0x2  }
0x1bb: {  	s0 =	rddreg [dreg:$0x0];
	s2 =	stileid.u32  }
0x1bc: {  	s1 =	rddreg [dreg:$0x1];
	p0 =	sne.s32 s2, $0x0  }
0x1bd: {  	s3 =	rddreg [dreg:$0x2];
	[bflag:$0x3] =	sbarrier.arrive $0xFFFF;
	s2 =	simm.s32 @!p0 $0x1C06  }
0x1be: {  	[timem:s3], [sflag:s2] =	dma.local @!p0 [hbm:s0], s1  }
0x1bf: {  	s0 =	simm.s32 @!p0 $0x6  }
0x1c0: {  	_ =	swait.ge @!p0 [sflag:s0], s1  }
0x1c1: {  	s1 =	ssub.s32 @!p0 $0x0, s1;
	[sflag:s0] =	ssyncset.done @!p0 $0x0  }
0x1c2: {  	[sflag:s0] =	ssyncadd.s32 @!p0 s1  }
0x1c3: {  	[bflag:$0x3] =	sbarrier.arrive $0xFFFF  }
0x1c4: {  	_ =	shalt  }

// kernel: kernel.9.cloned.1.call-start
scs
__scs_entry_jumppad:
0x0: {  	(pc) =	sbr.rel $0x88, $3  }
0x1: {  	(tag) =	ssettag $0x0;
	lr =	simm.s32 $0x1  }
0x2: {  	[smem:$0x3F9B] =	sst lr;
	_ =	strace $0xD0000000  }
0x3: {  	_ = 	snop  }
0x4: {  	_ = 	snop  }
0x5: {  	_ = 	snop  }
0x6: {  	_ = 	snop  }
0x7: {  	_ = 	snop  }
__scs_overlays_trampoline_lowered:
0x8: {  	[smem:$0x3FAA] =	sst s0  }
0x9: {  	[smem:$0x3FAB] =	sst s1  }
0xa: {  	[smem:$0x3FAC] =	sst s2  }
0xb: {  	[smem:$0x3FAD] =	sst s3  }
0xc: {  	[smem:$0x3FAE] =	sst s4  }
0xd: {  	[smem:$0x3FAF] =	sst s5  }
0xe: {  	[smem:$0x3FB0] =	sst s6  }
0xf: {  	[smem:$0x3FB1] =	sst s7  }
0x10: {  	[smem:$0x3FB2] =	sst s8  }
0x11: {  	[smem:$0x3FB3] =	sst s9;
	s0 =	simm.s32 @!p0 $0x0  }
0x12: {  	s1 =	sld [smem:$0x3F99];
	s0 =	simm.s32 @p0 $0x1  }
0x13: {  	[smem:$0x3FB4] =	sst s0;
	s0 =	simm.s32 @!p1 $0x0  }
0x14: {  	s2 =	sld [smem:$0x3F98];
	s0 =	simm.s32 @p1 $0x1  }
0x15: {  	[smem:$0x3FB5] =	sst s0;
	s0 =	simm.s32 @!p2 $0x0  }
0x16: {  	s3 =	sld [smem:$0x3FDB];
	s0 =	simm.s32 @p2 $0x1  }
0x17: {  	s4 =	simm.s32 $0x1BF5;
	[smem:$0x3FB7] =	sst s0  }
0x18: {  	s0 =	sld [smem:$0x3F9A];
	_ =	swait.ge [sflag:s4], $0x0  }
0x19: {  	s7 =	sld [smem:$0x3F9B]  }
0x1a: {  	s8 =	sadd.s32 $0xFFFFE003, lr  }
0x1b: {  	s9 =	sadd.s32 $0xFFFFFEF7, lr;
	s5 =	simm.s32 $0xFFFFFFFF;
	p2 =	slt.u32 s8, $0xFFFFF086  }
0x1c: {  	p1 =	slt.u32 s9, $0xF7A;
	s5 =	simm.s32 @!p2 $0x0  }
0x1d: {  	s5 =	simm.s32 @p1 $0x1;
	p0 =	seq.s32 s7, s2  }
0x1e: {  	s7 =	smul.u32 @!p0 $0xF7A, s2;
	p2 =	seq.s32 @!p0 s5, $0x0  }
0x1f: {  	s9 =	smul.u32 $0xF7A, s1;
	s8 =	simm.s32 @!p0 $0x1BF5;
	p2 =	por !p2, p0  }
0x20: {  	[sflag:s8] =	ssyncset.s32 @!p0 $0xFFFFF086;
	s6 =	sadd.s32 @!p0 s3, s7;
	s7 =	simm.s32 @!p0 $0x108  }
0x21: {  	s3 =	sadd.s32 s3, s9;
	s6 =	sadd.s32 @!p0 $0x88, s6;
	s7 =	simm.s32 @p2 $0x1082  }
0x22: {  	[simem:s7], [sflag:s8] =	dma.local @!p0 [hbm:s6], $0xF7A  }
0x23: {  	s9 =	sor.u32 $0xD0000000, s2;
	s6 =	simm.s32 $0x108;
	_ =	swait.ge @!p0 [sflag:s8], $0x0  }
0x24: {  	s3 =	sadd.s32 $0x88, s3;
	s6 =	simm.s32 @!p1 $0x1082;
	[sflag:s4] =	ssyncset.s32 $0xFFFFF086  }
0x25: {  	[simem:s6], [sflag:s4] =	dma.local [hbm:s3], $0xF7A  }
0x26: {  	[smem:$0x3F9B] =	sst s1;
	(tag) =	ssettag s2;
	_ =	strace s9  }
0x27: {  	s1 =	sld [smem:$0x3FAB]  }
0x28: {  	s2 =	sld [smem:$0x3FAC]  }
0x29: {  	s4 =	sld [smem:$0x3FAE]  }
0x2a: {  	p0 =	seq.s32 s5, $0x0;
	s5 =	sld [smem:$0x3FAF]  }
0x2b: {  	s6 =	sld [smem:$0x3FB0]  }
0x2c: {  	s7 =	sld [smem:$0x3FB1]  }
0x2d: {  	s3 =	simm.s32 $0x108;
	s8 =	sld [smem:$0x3FB2]  }
0x2e: {  	s3 =	simm.s32 @!p0 $0x1082;
	s9 =	sld [smem:$0x3FB3]  }
0x2f: {  	lr =	sadd.s32 s0, s3;
	s0 =	sld [smem:$0x3FAA]  }
0x30: {  	s3 =	sld [smem:$0x3FAD]  }
0x31: {  	[smem:$0x3FB6] =	sst s10  }
0x32: {  	s10 =	sld [smem:$0x3FB4];
	_ =	sdelay $0x3  }
0x33: {  	p0 =	seq.s32 s10, $0x1;
	s10 =	sld [smem:$0x3FB6];
	_ =	sdelay $0x3  }
0x34: {  	[smem:$0x3FB6] =	sst s10  }
0x35: {  	s10 =	sld [smem:$0x3FB5];
	_ =	sdelay $0x3  }
0x36: {  	p1 =	seq.s32 s10, $0x1;
	s10 =	sld [smem:$0x3FB6];
	_ =	sdelay $0x3  }
0x37: {  	[smem:$0x3FB6] =	sst s10  }
0x38: {  	s10 =	sld [smem:$0x3FB7]  }
0x39: {  	_ = 	snop;
	(pc) =	sbr.ind lr, $3  }
0x3a: {  	_ = 	snop  }
0x3b: {  	_ = 	snop  }
0x3c: {  	p2 =	seq.s32 s10, $0x1;
	s10 =	sld [smem:$0x3FB6]  }
0x3d: {  	_ =	shalt  }
0x3e: {  	_ =	shalt  }
0x3f: {  	_ =	shalt  }
0x40: {  	_ =	shalt  }
0x41: {  	_ =	shalt  }
0x42: {  	_ =	shalt  }
0x43: {  	_ =	shalt  }
0x44: {  	_ =	shalt  }
0x45: {  	_ =	shalt  }
0x46: {  	_ =	shalt  }
0x47: {  	_ =	shalt  }
0x48: {  	_ =	shalt  }
0x49: {  	_ =	shalt  }
0x4a: {  	_ =	shalt  }
0x4b: {  	_ =	shalt  }
0x4c: {  	_ =	shalt  }
0x4d: {  	_ =	shalt  }
0x4e: {  	_ =	shalt  }
0x4f: {  	_ =	shalt  }
0x50: {  	_ =	shalt  }
0x51: {  	_ =	shalt  }
0x52: {  	_ =	shalt  }
0x53: {  	_ =	shalt  }
0x54: {  	_ =	shalt  }
0x55: {  	_ =	shalt  }
0x56: {  	_ =	shalt  }
0x57: {  	_ =	shalt  }
0x58: {  	_ =	shalt  }
0x59: {  	_ =	shalt  }
0x5a: {  	_ =	shalt  }
0x5b: {  	_ =	shalt  }
0x5c: {  	_ =	shalt  }
0x5d: {  	_ =	shalt  }
0x5e: {  	_ =	shalt  }
0x5f: {  	_ =	shalt  }
0x60: {  	_ =	shalt  }
0x61: {  	_ =	shalt  }
0x62: {  	_ =	shalt  }
0x63: {  	_ =	shalt  }
0x64: {  	_ =	shalt  }
0x65: {  	_ =	shalt  }
0x66: {  	_ =	shalt  }
0x67: {  	_ =	shalt  }
0x68: {  	_ =	shalt  }
0x69: {  	_ =	shalt  }
0x6a: {  	_ =	shalt  }
0x6b: {  	_ =	shalt  }
0x6c: {  	_ =	shalt  }
0x6d: {  	_ =	shalt  }
0x6e: {  	_ =	shalt  }
0x6f: {  	_ =	shalt  }
0x70: {  	_ =	shalt  }
0x71: {  	_ =	shalt  }
0x72: {  	_ =	shalt  }
0x73: {  	_ =	shalt  }
0x74: {  	_ =	shalt  }
0x75: {  	_ =	shalt  }
0x76: {  	_ =	shalt  }
0x77: {  	_ =	shalt  }
0x78: {  	_ =	shalt  }
0x79: {  	_ =	shalt  }
0x7a: {  	_ =	shalt  }
0x7b: {  	_ =	shalt  }
0x7c: {  	_ =	shalt  }
0x7d: {  	_ =	shalt  }
0x7e: {  	_ =	shalt  }
0x7f: {  	_ =	shalt  }
0x80: {  	_ =	shalt  }
0x81: {  	_ =	shalt  }
0x82: {  	_ =	shalt  }
0x83: {  	_ =	shalt  }
0x84: {  	_ =	shalt  }
0x85: {  	_ =	shalt  }
0x86: {  	_ =	shalt  }
0x87: {  	_ =	shalt  }
.Lfunc_end0:
.L_simem_size_0:
called_computation.1_lowered:
.L_overlay_start_0:
0x88: {  	s2 =	sld [smem:$0x3FD9]  }
0x89: {  	s3 =	sld [smem:$0x3FFE];
	_ =	sdelay $0x1  }
0x8a: {  	s1 =	srdreg.scid  }
0x8b: {  	s0 =	sand.u32 $0x1, s1  }
0x8c: {  	s14 =	sshll.u32 s0, $0xA;
	s2 =	sadd.s32 s3, s2  }
0x8d: {  	s2 =	sadd.s32 s2, s14  }
0x8e: {  	[smem:$0x3FC2] =	sst s2  }
0x8f: {  	_ = 	snop  }
0x90: {  	s2 =	sld [smem:$0x3FD0];
	_ =	sdelay $0x2  }
0x91: {  	s15 =	simm.s32 $0xA;
	s4 =	simm.s32 $0x10  }
0x92: {  	[smem:s4], [sflag:s15] =	dma.local [hbm:s2], $0x1  }
0x93: {  	_ =	swait.eq [sflag:s15], $0x1  }
0x94: {  	[sflag:s15] =	ssyncset.done $0x0  }
0x95: {  	[sflag:s15] =	ssyncadd.s32 $0xFFFFFFFF  }
0x96: {  	s16 =	sld [smem:$0x10];
	(tm) =	ssettm $0x1  }
0x97: {  	s17 =	sld [smem:$0x3FFB];
	_ =	sdelay $0x3  }
0x98: {  	_ =	strace s17  }
0x99: {  	s3 =	sld [smem:$0x3FFC];
	_ =	sdelay $0x3  }
0x9a: {  	_ =	strace s3  }
0x9b: {  	s3 =	sld [smem:$0x3FFD];
	_ =	sdelay $0x3  }
0x9c: {  	_ =	strace s3  }
0x9d: {  	_ =	strace $0x8FFFFFFF  }
0x9e: {  	s18 =	sld [smem:$0x3FDB];
	_ =	sdelay $0x1  }
0x9f: {  	s19 =	simm.s32 $_scs_section_size  }
0xa0: {  	s5 =	simm.s32 $_size__tile_overlayer_lowered;
	s6 =	simm.s32 $_tile_overlayer_lowered  }
0xa1: {  	s22 =	simm.s32 $0x1BFF;
	s21 =	sshll.u32 s6, $0x1;
	s3 =	sadd.s32 s19, s18  }
0xa2: {  	s7 =	simm.s32 $0x0;
	s20 =	sshll.u32 s5, $0x1;
	s5 =	sadd.s32 s21, s3  }
0xa3: {  	[timem:s7], [sflag:s22] =	dma.local [hbm:s5], s20  }
0xa4: {  	_ =	swait.ge [sflag:s22], s20  }
0xa5: {  	s4 =	ssub.s32 $0x0, s20;
	[sflag:s22] =	ssyncset.done $0x0  }
0xa6: {  	[sflag:s22] =	ssyncadd.s32 s4;
	_ =	sdelay $0x1  }
0xa7: {  	s23 =	simm.s32 $0x1B8B  }
0xa8: {  	_ =	swait.ge [sflag:s23], $0x1  }
0xa9: {  	[sflag:s23] =	ssyncset.done $0x0  }
0xaa: {  	s25 =	simm.s32 $0x1B8E;
	s24 =	sld [smem:$0x3FFE];
	[sflag:s23] =	ssyncadd.s32 $0xFFFFFFFF  }
0xab: {  	s26 =	simm.s32 $execute0_lowered;
	[smem:$0x3FD2] =	sst s25  }
0xac: {  	s5 =	sshll.u32 s26, $0x1;
	_ =	strace $0x80000049;
	[dreg:$0x1] =	wrdreg $0xFFFFFFFF  }
0xad: {  	s28 =	simm.s32 $_size_execute0_lowered;
	s3 =	sadd.s32 s3, s5;
	[dreg:$0x0] =	wrdreg $0x0  }
0xae: {  	s5 =	sshll.u32 s28, $0x1;
	[dreg:$0x2] =	wrdreg s3  }
0xaf: {  	[dreg:$0x3] =	wrdreg s5  }
0xb0: {  	[dreg:$0x4] =	wrdreg $0xC0  }
0xb1: {  	_ =	task [dreg:s7], $0x5FFFF  }
0xb2: {  	[dreg:$0x1] =	wrdreg $0xFFFFFFFF  }
0xb3: {  	[dreg:$0x0] =	wrdreg $0x60  }
0xb4: {  	[dreg:$0x2] =	wrdreg s24  }
0xb5: {  	[dreg:$0x3] =	wrdreg s16  }
0xb6: {  	[dreg:$0x4] =	wrdreg $0x9  }
0xb7: {  	_ =	task.clear_ibuf [dreg:s7], $0x5FFFF;
	_ =	strace $0x90000049  }
0xb8: {  	s29 =	simm.s32 $0x9;
	_ =	strace $0x8000004B  }
0xb9: {  	_ =	swait.ge [sflag:s29], $0x1  }
0xba: {  	[sflag:s29] =	ssyncadd.s32 $0xFFFFFFFF  }
0xbb: {  	_ =	strace $0x9000004B  }
0xbc: {  	_ =	sfence  }
0xbd: {  	s30 =	sld [smem:$0x0];
	_ =	sdelay $0x2  }
0xbe: {  	s31 =	sshll.u32 s1, $0xD;
	s1 =	sshrl.u32 s1, $0x2  }
0xbf: {  	s3 =	sand.u32 $0x4000, s31;
	s1 =	sadd.s32 s1, s30  }
0xc0: {  	s0 =	sor.u32 s3, s0;
	s1 =	sshll.u32 s1, $0x11  }
0xc1: {  	s0 =	sor.u32 s1, s0  }
0xc2: {  	s0 =	sadd.s32 $0x8F2B, s0  }
0xc3: {  	[sflag:s0] =	ssyncadd.remote.s32 $0x1  }
0xc4: {  	_ =	sfence.sel $0xFFFF  }
0xc5: {  	[dreg:$0x0] =	wrdreg $0xFFFFFFFF;
	(pc) =	sbr.abs _section_cstart, $3  }
0xc6: {  	[dreg:$0x1] =	wrdreg $0xFFFFFFFF  }
0xc7: {  	_ =	task.clear_ibuf [dreg:s7], $0x2FFFF;
	_ =	strace $0x9FFFFFFF  }
0xc8: {  	(tm) =	ssettm $0x7FFFFFFF  }
0xc9: {  	_ =	shalt  }
tec
execute0_lowered:
.L_overlay_start_1:
0x0: {  	(tag) =	ssettag $0x1  }
0x1: {  	s0 =	rddreg [dreg:$0x0]  }
0x2: {  	s1 =	rddreg [dreg:$0x1];
	s2 =	simm.s32 $0x0;
	s3 =	srdreg.scid  }
0x3: {  	s5 =	stileid.u32;
	s14 =	simm.s32 $0x400;
	s31 =	simm.s32 $0x1  }
0x4: {  	s28 =	simm.s32 $0x2;
	s29 =	simm.s32 $0x3;
	s30 =	simm.s32 $0x4  }
0x5: {  	[smem:$0x7FF] =	sst s2;
	s4 =	sand.u32 $0x1, s3;
	s20 =	sshll.u32 s5, $0x1  }
0x6: {  	s3 =	sadd.s32 $0x134800, s0;
	s8 =	sadd.s32 $0x134C00, s0;
	s5 =	sor.u32 s4, s20  }
0x7: {  	s9 =	sadd.s32 $0x134D00, s0;
	s6 =	sshll.u32 s5, $0x7;
	s5 =	sshll.u32 s5, $0xF  }
0x8: {  	s10 =	sadd.s32 $0x134E00, s0;
	s6 =	sadd.s32 s6, s0;
	s12 =	sadd.s32 s1, s5  }
0x9: {  	_ =	strace $0x8000004A;
	s6 =	sadd.s32 $0x11000, s6;
	[dreg:$0xb] =	wrdreg s12  }
0xa: {  	s11 =	sadd.s32 $0x134F00, s0;
	s1 =	sadd.s32 $0x1000, s12;
	[dreg:$0x3] =	wrdreg s6  }
0xb: {  	s4 =	ssub.s32 $0x2, s4;
	s21 =	sadd.s32 $0x2000, s12;
	[dreg:$0x4] =	wrdreg s1  }
0xc: {  	s7 =	sshrl.u32 s4, $0x1;
	s22 =	sadd.s32 $0x3000, s12;
	[dreg:$0x5] =	wrdreg s21  }
0xd: {  	s4 =	ssub.s32 s4, s7;
	s23 =	sadd.s32 $0x4000, s12;
	[dreg:$0x6] =	wrdreg s22  }
0xe: {  	s5 =	sadd.s32 $0x134900, s0;
	s24 =	sadd.s32 $0x5000, s12;
	[dreg:$0x7] =	wrdreg s23  }
0xf: {  	v2 =	vlaneseq.u32;
	s7 =	sadd.s32 $0x134B00, s0;
	s25 =	sadd.s32 $0x6000, s12;
	[dreg:$0x8] =	wrdreg s24  }
0x10: {  	vm0 =	vmmov $0xffff;
	v1 =	vshrl.u32 v2, $0x3;
	s26 =	sadd.s32 $0x7000, s12;
	s12 =	smax.u32 s4, $0x1;
	[dreg:$0x9] =	wrdreg s25  }
0x11: {  	v0 =	vand.u32 $0x7, v2;
	v2 =	vor.u32 $0x8, v2;
	v1 =	vmul.u32 $0x8, v1;
	s6 =	sadd.s32 $0x134A00, s0;
	[dreg:$0xa] =	wrdreg s26;
	s0 =	simm.s32 $0x8400  }
.LBB2_1:
0x12: {  	s1 =	rddreg [dreg:$0x3];
	s23 =	simm.s32 $0x5  }
0x13: {  	[tilespmem:s2], [sflag:$0x5] =	stream.linear.gather [hbm4b:s1+s2], $0x400, $0x38;
	[tilespmem:$0x10400] =	vst v63  }
0x14: {  	_ =	swait.ge [sflag:s23], $0x400  }
0x15: {  	[sflag:s23] =	ssyncset.done $0x0  }
0x16: {  	[sflag:s23] =	ssyncadd.s32 $0xFFFFFC00  }
0x17: {  	v3 =	vld [tilespmem:$0x0];
	_ =	sdelay $0x4  }
0x18: {  	v4 =	vshll.u32 v3, $0x4  }
0x19: {  	v3 =	vand.u32 $0x7, v3;
	v4 =	vand.u32 $0xFFFFFF80, v4  }
0x1a: {  	v3 =	vor.u32 v3, v4  }
0x1b: {  	v4 =	vperm.xlane v3, v0;
	_ =	sdelay $0x1  }
0x1c: {  	v4 =	vadd.s32 v1, v4;
	_ =	sdelay $0x4  }
0x1d: {  	[tilespmem:s14], [sflag:$0x1] =	stream.indirect_vreg.gather [hbm4b:s3+s2], $0x80, v4, vm0, $0xb8;
	[tilespmem:$0x10400] =	vst v63  }
0x1e: {  	s24 =	simm.s32 $0xC00  }
0x1f: {  	[tilespmem:s24], [sflag:$0x1] =	stream.indirect_vreg.gather [hbm4b:s5+s2], $0x80, v4, vm0, $0xb8;
	[tilespmem:$0x10400] =	vst v63  }
0x20: {  	s25 =	simm.s32 $0x1400  }
0x21: {  	[tilespmem:s25], [sflag:$0x1] =	stream.indirect_vreg.gather [hbm4b:s6+s2], $0x80, v4, vm0, $0xb8;
	[tilespmem:$0x10400] =	vst v63  }
0x22: {  	s26 =	simm.s32 $0x1C00  }
0x23: {  	[tilespmem:s26], [sflag:$0x1] =	stream.indirect_vreg.gather [hbm4b:s7+s2], $0x80, v4, vm0, $0xb8;
	[tilespmem:$0x10400] =	vst v63  }
0x24: {  	s4 =	simm.s32 $0x2400  }
0x25: {  	[tilespmem:s4], [sflag:$0x1] =	stream.indirect_vreg.gather [hbm4b:s8+s2], $0x80, v4, vm0, $0xb8;
	[tilespmem:$0x10400] =	vst v63  }
0x26: {  	s13 =	simm.s32 $0x2C00;
	v3 =	vperm.xlane v3, v2  }
0x27: {  	[tilespmem:s13], [sflag:$0x1] =	stream.indirect_vreg.gather [hbm4b:s9+s2], $0x80, v4, vm0, $0xb8;
	[tilespmem:$0x10400] =	vst v63  }
0x28: {  	s18 =	simm.s32 $0x3400;
	v3 =	vadd.s32 v1, v3  }
0x29: {  	[tilespmem:s18], [sflag:$0x1] =	stream.indirect_vreg.gather [hbm4b:s10+s2], $0x80, v4, vm0, $0xb8;
	[tilespmem:$0x10400] =	vst v63  }
0x2a: {  	s19 =	simm.s32 $0x3C00  }
0x2b: {  	[tilespmem:s19], [sflag:$0x1] =	stream.indirect_vreg.gather [hbm4b:s11+s2], $0x80, v4, vm0, $0xb8;
	[tilespmem:$0x10400] =	vst v63  }
0x2c: {  	s20 =	simm.s32 $0x4400  }
0x2d: {  	[tilespmem:s20], [sflag:$0x1] =	stream.indirect_vreg.gather [hbm4b:s3+s2], $0x80, v3, vm0, $0xb8;
	[tilespmem:$0x10400] =	vst v63  }
0x2e: {  	s21 =	simm.s32 $0x4C00  }
0x2f: {  	[tilespmem:s21], [sflag:$0x1] =	stream.indirect_vreg.gather [hbm4b:s5+s2], $0x80, v3, vm0, $0xb8;
	[tilespmem:$0x10400] =	vst v63  }
0x30: {  	s22 =	simm.s32 $0x5400  }
0x31: {  	[tilespmem:s22], [sflag:$0x1] =	stream.indirect_vreg.gather [hbm4b:s6+s2], $0x80, v3, vm0, $0xb8;
	[tilespmem:$0x10400] =	vst v63  }
0x32: {  	s23 =	simm.s32 $0x5C00  }
0x33: {  	[tilespmem:s23], [sflag:$0x1] =	stream.indirect_vreg.gather [hbm4b:s7+s2], $0x80, v3, vm0, $0xb8;
	[tilespmem:$0x10400] =	vst v63  }
0x34: {  	s24 =	simm.s32 $0x6400  }
0x35: {  	[tilespmem:s24], [sflag:$0x1] =	stream.indirect_vreg.gather [hbm4b:s8+s2], $0x80, v3, vm0, $0xb8;
	[tilespmem:$0x10400] =	vst v63  }
0x36: {  	s25 =	simm.s32 $0x6C00  }
0x37: {  	[tilespmem:s25], [sflag:$0x1] =	stream.indirect_vreg.gather [hbm4b:s9+s2], $0x80, v3, vm0, $0xb8;
	[tilespmem:$0x10400] =	vst v63  }
0x38: {  	s26 =	simm.s32 $0x7400  }
0x39: {  	[tilespmem:s26], [sflag:$0x1] =	stream.indirect_vreg.gather [hbm4b:s10+s2], $0x80, v3, vm0, $0xb8;
	[tilespmem:$0x10400] =	vst v63  }
0x3a: {  	s1 =	simm.s32 $0x7C00  }
0x3b: {  	[tilespmem:s1], [sflag:$0x1] =	stream.indirect_vreg.gather [hbm4b:s11+s2], $0x80, v3, vm0, $0xb8;
	[tilespmem:$0x10400] =	vst v63  }
0x3c: {  	_ =	swait.ge [sflag:s31], $0x8000  }
0x3d: {  	[sflag:s31] =	ssyncset.done $0x0  }
0x3e: {  	[sflag:s31] =	ssyncadd.s32 $0xFFFF8000  }
0x3f: {  	v3 =	vld [tilespmem:$0x80];
	_ =	sdelay $0x4  }
0x40: {  	v57 =	vshll.u32 v3, $0x4  }
0x41: {  	v3 =	vand.u32 $0x7, v3;
	v4 =	vand.u32 $0xFFFFFF80, v57  }
0x42: {  	v3 =	vor.u32 v3, v4  }
0x43: {  	v4 =	vperm.xlane v3, v0;
	_ =	sdelay $0x1  }
0x44: {  	v4 =	vadd.s32 v1, v4;
	_ =	sdelay $0x4  }
0x45: {  	[tilespmem:s0], [sflag:$0x2] =	stream.indirect_vreg.gather [hbm4b:s3+s2], $0x80, v4, vm0, $0xb8;
	[tilespmem:$0x10400] =	vst v63  }
0x46: {  	s1 =	simm.s32 $0x8C00  }
0x47: {  	[tilespmem:s1], [sflag:$0x2] =	stream.indirect_vreg.gather [hbm4b:s5+s2], $0x80, v4, vm0, $0xb8;
	[tilespmem:$0x10400] =	vst v63  }
0x48: {  	s1 =	simm.s32 $0x9400  }
0x49: {  	[tilespmem:s1], [sflag:$0x2] =	stream.indirect_vreg.gather [hbm4b:s6+s2], $0x80, v4, vm0, $0xb8;
	[tilespmem:$0x10400] =	vst v63  }
0x4a: {  	s1 =	simm.s32 $0x9C00  }
0x4b: {  	[tilespmem:s1], [sflag:$0x2] =	stream.indirect_vreg.gather [hbm4b:s7+s2], $0x80, v4, vm0, $0xb8;
	[tilespmem:$0x10400] =	vst v63  }
0x4c: {  	s1 =	simm.s32 $0xA400  }
0x4d: {  	[tilespmem:s1], [sflag:$0x2] =	stream.indirect_vreg.gather [hbm4b:s8+s2], $0x80, v4, vm0, $0xb8;
	[tilespmem:$0x10400] =	vst v63  }
0x4e: {  	v3 =	vperm.xlane v3, v2;
	s1 =	simm.s32 $0xAC00  }
0x4f: {  	[tilespmem:s1], [sflag:$0x2] =	stream.indirect_vreg.gather [hbm4b:s9+s2], $0x80, v4, vm0, $0xb8;
	[tilespmem:$0x10400] =	vst v63  }
0x50: {  	v3 =	vadd.s32 v1, v3;
	s1 =	simm.s32 $0xB400  }
0x51: {  	[tilespmem:s1], [sflag:$0x2] =	stream.indirect_vreg.gather [hbm4b:s10+s2], $0x80, v4, vm0, $0xb8;
	[tilespmem:$0x10400] =	vst v63  }
0x52: {  	s1 =	simm.s32 $0xBC00  }
0x53: {  	[tilespmem:s1], [sflag:$0x2] =	stream.indirect_vreg.gather [hbm4b:s11+s2], $0x80, v4, vm0, $0xb8;
	[tilespmem:$0x10400] =	vst v63  }
0x54: {  	s1 =	simm.s32 $0xC400  }
0x55: {  	[tilespmem:s1], [sflag:$0x2] =	stream.indirect_vreg.gather [hbm4b:s3+s2], $0x80, v3, vm0, $0xb8;
	[tilespmem:$0x10400] =	vst v63  }
0x56: {  	s1 =	simm.s32 $0xCC00  }
0x57: {  	[tilespmem:s1], [sflag:$0x2] =	stream.indirect_vreg.gather [hbm4b:s5+s2], $0x80, v3, vm0, $0xb8;
	[tilespmem:$0x10400] =	vst v63  }
0x58: {  	s1 =	simm.s32 $0xD400  }
0x59: {  	[tilespmem:s1], [sflag:$0x2] =	stream.indirect_vreg.gather [hbm4b:s6+s2], $0x80, v3, vm0, $0xb8;
	[tilespmem:$0x10400] =	vst v63  }
0x5a: {  	s1 =	simm.s32 $0xDC00  }
0x5b: {  	[tilespmem:s1], [sflag:$0x2] =	stream.indirect_vreg.gather [hbm4b:s7+s2], $0x80, v3, vm0, $0xb8;
	[tilespmem:$0x10400] =	vst v63  }
0x5c: {  	s1 =	simm.s32 $0xE400  }
0x5d: {  	[tilespmem:s1], [sflag:$0x2] =	stream.indirect_vreg.gather [hbm4b:s8+s2], $0x80, v3, vm0, $0xb8;
	[tilespmem:$0x10400] =	vst v63  }
0x5e: {  	s1 =	simm.s32 $0xEC00  }
0x5f: {  	[tilespmem:s1], [sflag:$0x2] =	stream.indirect_vreg.gather [hbm4b:s9+s2], $0x80, v3, vm0, $0xb8;
	[tilespmem:$0x10400] =	vst v63  }
0x60: {  	s1 =	simm.s32 $0xF400  }
0x61: {  	[tilespmem:s1], [sflag:$0x2] =	stream.indirect_vreg.gather [hbm4b:s10+s2], $0x80, v3, vm0, $0xb8;
	[tilespmem:$0x10400] =	vst v63  }
0x62: {  	s1 =	simm.s32 $0xFC00  }
0x63: {  	[tilespmem:s1], [sflag:$0x2] =	stream.indirect_vreg.gather [hbm4b:s11+s2], $0x80, v3, vm0, $0xb8;
	[tilespmem:$0x10400] =	vst v63  }
0x64: {  	s1 =	rddreg [dreg:$0xb]  }
0x65: {  	[hbm4b:s1+s2] =	stream.linear.scatter [tilespmem:s14], [sflag:$0x3], $0x8000, $0x38;
	[tilespmem:$0x10400] =	vst v63  }
0x66: {  	_ =	swait.ge [sflag:s28], $0x8000  }
0x67: {  	[sflag:s28] =	ssyncset.done $0x0  }
0x68: {  	[sflag:s28] =	ssyncadd.s32 $0xFFFF8000  }
0x69: {  	_ =	swait.ge [sflag:s29], $0x8000  }
0x6a: {  	[sflag:s29] =	ssyncset.done $0x0  }
0x6b: {  	[sflag:s29] =	ssyncadd.s32 $0xFFFF8000  }
0x6c: {  	v3 =	vld [tilespmem:$0x100];
	_ =	sdelay $0x4  }
0x6d: {  	v58 =	vshll.u32 v3, $0x4  }
0x6e: {  	v3 =	vand.u32 $0x7, v3;
	v4 =	vand.u32 $0xFFFFFF80, v58  }
0x6f: {  	v3 =	vor.u32 v3, v4  }
0x70: {  	v4 =	vperm.xlane v3, v0;
	_ =	sdelay $0x1  }
0x71: {  	v4 =	vadd.s32 v1, v4;
	_ =	sdelay $0x4  }
0x72: {  	[tilespmem:s14], [sflag:$0x1] =	stream.indirect_vreg.gather [hbm4b:s3+s2], $0x80, v4, vm0, $0xb8;
	[tilespmem:$0x10400] =	vst v63  }
0x73: {  	s16 =	simm.s32 $0xC00  }
0x74: {  	[tilespmem:s16], [sflag:$0x1] =	stream.indirect_vreg.gather [hbm4b:s5+s2], $0x80, v4, vm0, $0xb8;
	[tilespmem:$0x10400] =	vst v63  }
0x75: {  	s17 =	simm.s32 $0x1400  }
0x76: {  	[tilespmem:s17], [sflag:$0x1] =	stream.indirect_vreg.gather [hbm4b:s6+s2], $0x80, v4, vm0, $0xb8;
	[tilespmem:$0x10400] =	vst v63  }
0x77: {  	s15 =	simm.s32 $0x1C00  }
0x78: {  	[tilespmem:s15], [sflag:$0x1] =	stream.indirect_vreg.gather [hbm4b:s7+s2], $0x80, v4, vm0, $0xb8;
	[tilespmem:$0x10400] =	vst v63  }
0x79: {  	s4 =	simm.s32 $0x2400  }
0x7a: {  	[tilespmem:s4], [sflag:$0x1] =	stream.indirect_vreg.gather [hbm4b:s8+s2], $0x80, v4, vm0, $0xb8;
	[tilespmem:$0x10400] =	vst v63  }
0x7b: {  	s13 =	simm.s32 $0x2C00;
	v3 =	vperm.xlane v3, v2  }
0x7c: {  	[tilespmem:s13], [sflag:$0x1] =	stream.indirect_vreg.gather [hbm4b:s9+s2], $0x80, v4, vm0, $0xb8;
	[tilespmem:$0x10400] =	vst v63  }
0x7d: {  	s18 =	simm.s32 $0x3400;
	v3 =	vadd.s32 v1, v3  }
0x7e: {  	[tilespmem:s18], [sflag:$0x1] =	stream.indirect_vreg.gather [hbm4b:s10+s2], $0x80, v4, vm0, $0xb8;
	[tilespmem:$0x10400] =	vst v63  }
0x7f: {  	s19 =	simm.s32 $0x3C00  }
0x80: {  	[tilespmem:s19], [sflag:$0x1] =	stream.indirect_vreg.gather [hbm4b:s11+s2], $0x80, v4, vm0, $0xb8;
	[tilespmem:$0x10400] =	vst v63  }
0x81: {  	s20 =	simm.s32 $0x4400  }
0x82: {  	[tilespmem:s20], [sflag:$0x1] =	stream.indirect_vreg.gather [hbm4b:s3+s2], $0x80, v3, vm0, $0xb8;
	[tilespmem:$0x10400] =	vst v63  }
0x83: {  	s21 =	simm.s32 $0x4C00  }
0x84: {  	[tilespmem:s21], [sflag:$0x1] =	stream.indirect_vreg.gather [hbm4b:s5+s2], $0x80, v3, vm0, $0xb8;
	[tilespmem:$0x10400] =	vst v63  }
0x85: {  	s22 =	simm.s32 $0x5400  }
0x86: {  	[tilespmem:s22], [sflag:$0x1] =	stream.indirect_vreg.gather [hbm4b:s6+s2], $0x80, v3, vm0, $0xb8;
	[tilespmem:$0x10400] =	vst v63  }
0x87: {  	s23 =	simm.s32 $0x5C00  }
0x88: {  	[tilespmem:s23], [sflag:$0x1] =	stream.indirect_vreg.gather [hbm4b:s7+s2], $0x80, v3, vm0, $0xb8;
	[tilespmem:$0x10400] =	vst v63  }
0x89: {  	s24 =	simm.s32 $0x6400  }
0x8a: {  	[tilespmem:s24], [sflag:$0x1] =	stream.indirect_vreg.gather [hbm4b:s8+s2], $0x80, v3, vm0, $0xb8;
	[tilespmem:$0x10400] =	vst v63  }
0x8b: {  	s25 =	simm.s32 $0x6C00  }
0x8c: {  	[tilespmem:s25], [sflag:$0x1] =	stream.indirect_vreg.gather [hbm4b:s9+s2], $0x80, v3, vm0, $0xb8;
	[tilespmem:$0x10400] =	vst v63  }
0x8d: {  	s26 =	simm.s32 $0x7400  }
0x8e: {  	[tilespmem:s26], [sflag:$0x1] =	stream.indirect_vreg.gather [hbm4b:s10+s2], $0x80, v3, vm0, $0xb8;
	[tilespmem:$0x10400] =	vst v63  }
0x8f: {  	s22 =	simm.s32 $0x7C00  }
0x90: {  	[tilespmem:s22], [sflag:$0x1] =	stream.indirect_vreg.gather [hbm4b:s11+s2], $0x80, v3, vm0, $0xb8;
	[tilespmem:$0x10400] =	vst v63  }
0x91: {  	s21 =	rddreg [dreg:$0x4]  }
0x92: {  	[hbm4b:s21+s2] =	stream.linear.scatter [tilespmem:s0], [sflag:$0x4], $0x8000, $0x38;
	[tilespmem:$0x10400] =	vst v63  }
0x93: {  	_ =	swait.ge [sflag:s31], $0x8000  }
0x94: {  	[sflag:s31] =	ssyncset.done $0x0  }
0x95: {  	[sflag:s31] =	ssyncadd.s32 $0xFFFF8000  }
0x96: {  	_ =	swait.ge [sflag:s30], $0x8000  }
0x97: {  	[sflag:s30] =	ssyncset.done $0x0  }
0x98: {  	[sflag:s30] =	ssyncadd.s32 $0xFFFF8000  }
0x99: {  	v3 =	vld [tilespmem:$0x180];
	_ =	sdelay $0x4  }
0x9a: {  	v59 =	vshll.u32 v3, $0x4  }
0x9b: {  	v3 =	vand.u32 $0x7, v3;
	v4 =	vand.u32 $0xFFFFFF80, v59  }
0x9c: {  	v3 =	vor.u32 v3, v4  }
0x9d: {  	v4 =	vperm.xlane v3, v0;
	_ =	sdelay $0x1  }
0x9e: {  	v4 =	vadd.s32 v1, v4;
	_ =	sdelay $0x4  }
0x9f: {  	[tilespmem:s0], [sflag:$0x2] =	stream.indirect_vreg.gather [hbm4b:s3+s2], $0x80, v4, vm0, $0xb8;
	[tilespmem:$0x10400] =	vst v63  }
0xa0: {  	s23 =	simm.s32 $0x8C00  }
0xa1: {  	[tilespmem:s23], [sflag:$0x2] =	stream.indirect_vreg.gather [hbm4b:s5+s2], $0x80, v4, vm0, $0xb8;
	[tilespmem:$0x10400] =	vst v63  }
0xa2: {  	s24 =	simm.s32 $0x9400  }
0xa3: {  	[tilespmem:s24], [sflag:$0x2] =	stream.indirect_vreg.gather [hbm4b:s6+s2], $0x80, v4, vm0, $0xb8;
	[tilespmem:$0x10400] =	vst v63  }
0xa4: {  	s25 =	simm.s32 $0x9C00  }
0xa5: {  	[tilespmem:s25], [sflag:$0x2] =	stream.indirect_vreg.gather [hbm4b:s7+s2], $0x80, v4, vm0, $0xb8;
	[tilespmem:$0x10400] =	vst v63  }
0xa6: {  	s26 =	simm.s32 $0xA400  }
0xa7: {  	[tilespmem:s26], [sflag:$0x2] =	stream.indirect_vreg.gather [hbm4b:s8+s2], $0x80, v4, vm0, $0xb8;
	[tilespmem:$0x10400] =	vst v63  }
0xa8: {  	s15 =	simm.s32 $0xAC00;
	v3 =	vperm.xlane v3, v2  }
0xa9: {  	[tilespmem:s15], [sflag:$0x2] =	stream.indirect_vreg.gather [hbm4b:s9+s2], $0x80, v4, vm0, $0xb8;
	[tilespmem:$0x10400] =	vst v63  }
0xaa: {  	s16 =	simm.s32 $0xB400;
	v3 =	vadd.s32 v1, v3  }
0xab: {  	[tilespmem:s16], [sflag:$0x2] =	stream.indirect_vreg.gather [hbm4b:s10+s2], $0x80, v4, vm0, $0xb8;
	[tilespmem:$0x10400] =	vst v63  }
0xac: {  	s17 =	simm.s32 $0xBC00  }
0xad: {  	[tilespmem:s17], [sflag:$0x2] =	stream.indirect_vreg.gather [hbm4b:s11+s2], $0x80, v4, vm0, $0xb8;
	[tilespmem:$0x10400] =	vst v63  }
0xae: {  	s18 =	simm.s32 $0xC400  }
0xaf: {  	[tilespmem:s18], [sflag:$0x2] =	stream.indirect_vreg.gather [hbm4b:s3+s2], $0x80, v3, vm0, $0xb8;
	[tilespmem:$0x10400] =	vst v63  }
0xb0: {  	s19 =	simm.s32 $0xCC00  }
0xb1: {  	[tilespmem:s19], [sflag:$0x2] =	stream.indirect_vreg.gather [hbm4b:s5+s2], $0x80, v3, vm0, $0xb8;
	[tilespmem:$0x10400] =	vst v63  }
0xb2: {  	s20 =	simm.s32 $0xD400  }
0xb3: {  	[tilespmem:s20], [sflag:$0x2] =	stream.indirect_vreg.gather [hbm4b:s6+s2], $0x80, v3, vm0, $0xb8;
	[tilespmem:$0x10400] =	vst v63  }
0xb4: {  	s21 =	simm.s32 $0xDC00  }
0xb5: {  	[tilespmem:s21], [sflag:$0x2] =	stream.indirect_vreg.gather [hbm4b:s7+s2], $0x80, v3, vm0, $0xb8;
	[tilespmem:$0x10400] =	vst v63  }
0xb6: {  	s22 =	simm.s32 $0xE400  }
0xb7: {  	[tilespmem:s22], [sflag:$0x2] =	stream.indirect_vreg.gather [hbm4b:s8+s2], $0x80, v3, vm0, $0xb8;
	[tilespmem:$0x10400] =	vst v63  }
0xb8: {  	s23 =	simm.s32 $0xEC00  }
0xb9: {  	[tilespmem:s23], [sflag:$0x2] =	stream.indirect_vreg.gather [hbm4b:s9+s2], $0x80, v3, vm0, $0xb8;
	[tilespmem:$0x10400] =	vst v63  }
0xba: {  	s26 =	simm.s32 $0xF400  }
0xbb: {  	[tilespmem:s26], [sflag:$0x2] =	stream.indirect_vreg.gather [hbm4b:s10+s2], $0x80, v3, vm0, $0xb8;
	[tilespmem:$0x10400] =	vst v63  }
0xbc: {  	s26 =	simm.s32 $0xFC00  }
0xbd: {  	[tilespmem:s26], [sflag:$0x2] =	stream.indirect_vreg.gather [hbm4b:s11+s2], $0x80, v3, vm0, $0xb8;
	[tilespmem:$0x10400] =	vst v63  }
0xbe: {  	s1 =	rddreg [dreg:$0x5]  }
0xbf: {  	[hbm4b:s1+s2] =	stream.linear.scatter [tilespmem:s14], [sflag:$0x3], $0x8000, $0x38;
	[tilespmem:$0x10400] =	vst v63  }
0xc0: {  	_ =	swait.ge [sflag:s28], $0x8000  }
0xc1: {  	[sflag:s28] =	ssyncset.done $0x0  }
0xc2: {  	[sflag:s28] =	ssyncadd.s32 $0xFFFF8000  }
0xc3: {  	_ =	swait.ge [sflag:s29], $0x8000  }
0xc4: {  	[sflag:s29] =	ssyncset.done $0x0  }
0xc5: {  	[sflag:s29] =	ssyncadd.s32 $0xFFFF8000  }
0xc6: {  	v3 =	vld [tilespmem:$0x200];
	_ =	sdelay $0x4  }
0xc7: {  	v60 =	vshll.u32 v3, $0x4  }
0xc8: {  	v3 =	vand.u32 $0x7, v3;
	v4 =	vand.u32 $0xFFFFFF80, v60  }
0xc9: {  	v3 =	vor.u32 v3, v4  }
0xca: {  	v4 =	vperm.xlane v3, v0;
	_ =	sdelay $0x1  }
0xcb: {  	v4 =	vadd.s32 v1, v4;
	_ =	sdelay $0x4  }
0xcc: {  	[tilespmem:s14], [sflag:$0x1] =	stream.indirect_vreg.gather [hbm4b:s3+s2], $0x80, v4, vm0, $0xb8;
	[tilespmem:$0x10400] =	vst v63  }
0xcd: {  	s1 =	simm.s32 $0xC00  }
0xce: {  	[tilespmem:s1], [sflag:$0x1] =	stream.indirect_vreg.gather [hbm4b:s5+s2], $0x80, v4, vm0, $0xb8;
	[tilespmem:$0x10400] =	vst v63  }
0xcf: {  	s1 =	simm.s32 $0x1400  }
0xd0: {  	[tilespmem:s1], [sflag:$0x1] =	stream.indirect_vreg.gather [hbm4b:s6+s2], $0x80, v4, vm0, $0xb8;
	[tilespmem:$0x10400] =	vst v63  }
0xd1: {  	s1 =	simm.s32 $0x1C00  }
0xd2: {  	[tilespmem:s1], [sflag:$0x1] =	stream.indirect_vreg.gather [hbm4b:s7+s2], $0x80, v4, vm0, $0xb8;
	[tilespmem:$0x10400] =	vst v63  }
0xd3: {  	s4 =	simm.s32 $0x2400  }
0xd4: {  	[tilespmem:s4], [sflag:$0x1] =	stream.indirect_vreg.gather [hbm4b:s8+s2], $0x80, v4, vm0, $0xb8;
	[tilespmem:$0x10400] =	vst v63  }
0xd5: {  	v3 =	vperm.xlane v3, v2;
	s4 =	simm.s32 $0x2C00  }
0xd6: {  	[tilespmem:s4], [sflag:$0x1] =	stream.indirect_vreg.gather [hbm4b:s9+s2], $0x80, v4, vm0, $0xb8;
	[tilespmem:$0x10400] =	vst v63  }
0xd7: {  	v3 =	vadd.s32 v1, v3;
	s4 =	simm.s32 $0x3400  }
0xd8: {  	[tilespmem:s4], [sflag:$0x1] =	stream.indirect_vreg.gather [hbm4b:s10+s2], $0x80, v4, vm0, $0xb8;
	[tilespmem:$0x10400] =	vst v63  }
0xd9: {  	s4 =	simm.s32 $0x3C00  }
0xda: {  	[tilespmem:s4], [sflag:$0x1] =	stream.indirect_vreg.gather [hbm4b:s11+s2], $0x80, v4, vm0, $0xb8;
	[tilespmem:$0x10400] =	vst v63  }
0xdb: {  	s4 =	simm.s32 $0x4400  }
0xdc: {  	[tilespmem:s4], [sflag:$0x1] =	stream.indirect_vreg.gather [hbm4b:s3+s2], $0x80, v3, vm0, $0xb8;
	[tilespmem:$0x10400] =	vst v63  }
0xdd: {  	s4 =	simm.s32 $0x4C00  }
0xde: {  	[tilespmem:s4], [sflag:$0x1] =	stream.indirect_vreg.gather [hbm4b:s5+s2], $0x80, v3, vm0, $0xb8;
	[tilespmem:$0x10400] =	vst v63  }
0xdf: {  	s4 =	simm.s32 $0x5400  }
0xe0: {  	[tilespmem:s4], [sflag:$0x1] =	stream.indirect_vreg.gather [hbm4b:s6+s2], $0x80, v3, vm0, $0xb8;
	[tilespmem:$0x10400] =	vst v63  }
0xe1: {  	s4 =	simm.s32 $0x5C00  }
0xe2: {  	[tilespmem:s4], [sflag:$0x1] =	stream.indirect_vreg.gather [hbm4b:s7+s2], $0x80, v3, vm0, $0xb8;
	[tilespmem:$0x10400] =	vst v63  }
0xe3: {  	s4 =	simm.s32 $0x6400  }
0xe4: {  	[tilespmem:s4], [sflag:$0x1] =	stream.indirect_vreg.gather [hbm4b:s8+s2], $0x80, v3, vm0, $0xb8;
	[tilespmem:$0x10400] =	vst v63  }
0xe5: {  	s4 =	simm.s32 $0x6C00  }
0xe6: {  	[tilespmem:s4], [sflag:$0x1] =	stream.indirect_vreg.gather [hbm4b:s9+s2], $0x80, v3, vm0, $0xb8;
	[tilespmem:$0x10400] =	vst v63  }
0xe7: {  	s4 =	simm.s32 $0x7400  }
0xe8: {  	[tilespmem:s4], [sflag:$0x1] =	stream.indirect_vreg.gather [hbm4b:s10+s2], $0x80, v3, vm0, $0xb8;
	[tilespmem:$0x10400] =	vst v63  }
0xe9: {  	s4 =	simm.s32 $0x7C00  }
0xea: {  	[tilespmem:s4], [sflag:$0x1] =	stream.indirect_vreg.gather [hbm4b:s11+s2], $0x80, v3, vm0, $0xb8;
	[tilespmem:$0x10400] =	vst v63  }
0xeb: {  	s1 =	rddreg [dreg:$0x6]  }
0xec: {  	[hbm4b:s1+s2] =	stream.linear.scatter [tilespmem:s0], [sflag:$0x4], $0x8000, $0x38;
	[tilespmem:$0x10400] =	vst v63  }
0xed: {  	_ =	swait.ge [sflag:s31], $0x8000  }
0xee: {  	[sflag:s31] =	ssyncset.done $0x0  }
0xef: {  	[sflag:s31] =	ssyncadd.s32 $0xFFFF8000  }
0xf0: {  	_ =	swait.ge [sflag:s30], $0x8000  }
0xf1: {  	[sflag:s30] =	ssyncset.done $0x0  }
0xf2: {  	[sflag:s30] =	ssyncadd.s32 $0xFFFF8000  }
0xf3: {  	v3 =	vld [tilespmem:$0x280];
	_ =	sdelay $0x4  }
0xf4: {  	v61 =	vshll.u32 v3, $0x4  }
0xf5: {  	v3 =	vand.u32 $0x7, v3;
	v4 =	vand.u32 $0xFFFFFF80, v61  }
0xf6: {  	v3 =	vor.u32 v3, v4  }
0xf7: {  	v4 =	vperm.xlane v3, v0;
	_ =	sdelay $0x1  }
0xf8: {  	v4 =	vadd.s32 v1, v4;
	_ =	sdelay $0x4  }
0xf9: {  	[tilespmem:s0], [sflag:$0x2] =	stream.indirect_vreg.gather [hbm4b:s3+s2], $0x80, v4, vm0, $0xb8;
	[tilespmem:$0x10400] =	vst v63  }
0xfa: {  	s4 =	simm.s32 $0x8C00  }
0xfb: {  	[tilespmem:s4], [sflag:$0x2] =	stream.indirect_vreg.gather [hbm4b:s5+s2], $0x80, v4, vm0, $0xb8;
	[tilespmem:$0x10400] =	vst v63  }
0xfc: {  	s4 =	simm.s32 $0x9400  }
0xfd: {  	[tilespmem:s4], [sflag:$0x2] =	stream.indirect_vreg.gather [hbm4b:s6+s2], $0x80, v4, vm0, $0xb8;
	[tilespmem:$0x10400] =	vst v63  }
0xfe: {  	s13 =	simm.s32 $0x9C00  }
0xff: {  	[tilespmem:s13], [sflag:$0x2] =	stream.indirect_vreg.gather [hbm4b:s7+s2], $0x80, v4, vm0, $0xb8;
	[tilespmem:$0x10400] =	vst v63  }
0x100: {  	s24 =	simm.s32 $0xA400  }
0x101: {  	[tilespmem:s24], [sflag:$0x2] =	stream.indirect_vreg.gather [hbm4b:s8+s2], $0x80, v4, vm0, $0xb8;
	[tilespmem:$0x10400] =	vst v63  }
0x102: {  	s25 =	simm.s32 $0xAC00;
	v3 =	vperm.xlane v3, v2  }
0x103: {  	[tilespmem:s25], [sflag:$0x2] =	stream.indirect_vreg.gather [hbm4b:s9+s2], $0x80, v4, vm0, $0xb8;
	[tilespmem:$0x10400] =	vst v63  }
0x104: {  	s15 =	simm.s32 $0xB400;
	v3 =	vadd.s32 v1, v3  }
0x105: {  	[tilespmem:s15], [sflag:$0x2] =	stream.indirect_vreg.gather [hbm4b:s10+s2], $0x80, v4, vm0, $0xb8;
	[tilespmem:$0x10400] =	vst v63  }
0x106: {  	s16 =	simm.s32 $0xBC00  }
0x107: {  	[tilespmem:s16], [sflag:$0x2] =	stream.indirect_vreg.gather [hbm4b:s11+s2], $0x80, v4, vm0, $0xb8;
	[tilespmem:$0x10400] =	vst v63  }
0x108: {  	s17 =	simm.s32 $0xC400  }
0x109: {  	[tilespmem:s17], [sflag:$0x2] =	stream.indirect_vreg.gather [hbm4b:s3+s2], $0x80, v3, vm0, $0xb8;
	[tilespmem:$0x10400] =	vst v63  }
0x10a: {  	s18 =	simm.s32 $0xCC00  }
0x10b: {  	[tilespmem:s18], [sflag:$0x2] =	stream.indirect_vreg.gather [hbm4b:s5+s2], $0x80, v3, vm0, $0xb8;
	[tilespmem:$0x10400] =	vst v63  }
0x10c: {  	s19 =	simm.s32 $0xD400  }
0x10d: {  	[tilespmem:s19], [sflag:$0x2] =	stream.indirect_vreg.gather [hbm4b:s6+s2], $0x80, v3, vm0, $0xb8;
	[tilespmem:$0x10400] =	vst v63  }
0x10e: {  	s20 =	simm.s32 $0xDC00  }
0x10f: {  	[tilespmem:s20], [sflag:$0x2] =	stream.indirect_vreg.gather [hbm4b:s7+s2], $0x80, v3, vm0, $0xb8;
	[tilespmem:$0x10400] =	vst v63  }
0x110: {  	s21 =	simm.s32 $0xE400  }
0x111: {  	[tilespmem:s21], [sflag:$0x2] =	stream.indirect_vreg.gather [hbm4b:s8+s2], $0x80, v3, vm0, $0xb8;
	[tilespmem:$0x10400] =	vst v63  }
0x112: {  	s22 =	simm.s32 $0xEC00  }
0x113: {  	[tilespmem:s22], [sflag:$0x2] =	stream.indirect_vreg.gather [hbm4b:s9+s2], $0x80, v3, vm0, $0xb8;
	[tilespmem:$0x10400] =	vst v63  }
0x114: {  	s23 =	simm.s32 $0xF400  }
0x115: {  	[tilespmem:s23], [sflag:$0x2] =	stream.indirect_vreg.gather [hbm4b:s10+s2], $0x80, v3, vm0, $0xb8;
	[tilespmem:$0x10400] =	vst v63  }
0x116: {  	s26 =	simm.s32 $0xFC00  }
0x117: {  	[tilespmem:s26], [sflag:$0x2] =	stream.indirect_vreg.gather [hbm4b:s11+s2], $0x80, v3, vm0, $0xb8;
	[tilespmem:$0x10400] =	vst v63  }
0x118: {  	s4 =	rddreg [dreg:$0x7]  }
0x119: {  	[hbm4b:s4+s2] =	stream.linear.scatter [tilespmem:s14], [sflag:$0x3], $0x8000, $0x38;
	[tilespmem:$0x10400] =	vst v63  }
0x11a: {  	_ =	swait.ge [sflag:s28], $0x8000  }
0x11b: {  	[sflag:s28] =	ssyncset.done $0x0  }
0x11c: {  	[sflag:s28] =	ssyncadd.s32 $0xFFFF8000  }
0x11d: {  	_ =	swait.ge [sflag:s29], $0x8000  }
0x11e: {  	[sflag:s29] =	ssyncset.done $0x0  }
0x11f: {  	[sflag:s29] =	ssyncadd.s32 $0xFFFF8000  }
0x120: {  	v3 =	vld [tilespmem:$0x300];
	_ =	sdelay $0x4  }
0x121: {  	v62 =	vshll.u32 v3, $0x4  }
0x122: {  	v3 =	vand.u32 $0x7, v3;
	v4 =	vand.u32 $0xFFFFFF80, v62  }
0x123: {  	v3 =	vor.u32 v3, v4  }
0x124: {  	v4 =	vperm.xlane v3, v0;
	_ =	sdelay $0x1  }
0x125: {  	v4 =	vadd.s32 v1, v4;
	_ =	sdelay $0x4  }
0x126: {  	[tilespmem:s14], [sflag:$0x1] =	stream.indirect_vreg.gather [hbm4b:s3+s2], $0x80, v4, vm0, $0xb8;
	[tilespmem:$0x10400] =	vst v63  }
0x127: {  	s4 =	simm.s32 $0xC00  }
0x128: {  	[tilespmem:s4], [sflag:$0x1] =	stream.indirect_vreg.gather [hbm4b:s5+s2], $0x80, v4, vm0, $0xb8;
	[tilespmem:$0x10400] =	vst v63  }
0x129: {  	s4 =	simm.s32 $0x1400  }
0x12a: {  	[tilespmem:s4], [sflag:$0x1] =	stream.indirect_vreg.gather [hbm4b:s6+s2], $0x80, v4, vm0, $0xb8;
	[tilespmem:$0x10400] =	vst v63  }
0x12b: {  	s4 =	simm.s32 $0x1C00  }
0x12c: {  	[tilespmem:s4], [sflag:$0x1] =	stream.indirect_vreg.gather [hbm4b:s7+s2], $0x80, v4, vm0, $0xb8;
	[tilespmem:$0x10400] =	vst v63  }
0x12d: {  	s4 =	simm.s32 $0x2400  }
0x12e: {  	[tilespmem:s4], [sflag:$0x1] =	stream.indirect_vreg.gather [hbm4b:s8+s2], $0x80, v4, vm0, $0xb8;
	[tilespmem:$0x10400] =	vst v63  }
0x12f: {  	v3 =	vperm.xlane v3, v2;
	s4 =	simm.s32 $0x2C00  }
0x130: {  	[tilespmem:s4], [sflag:$0x1] =	stream.indirect_vreg.gather [hbm4b:s9+s2], $0x80, v4, vm0, $0xb8;
	[tilespmem:$0x10400] =	vst v63  }
0x131: {  	v3 =	vadd.s32 v1, v3;
	s4 =	simm.s32 $0x3400  }
0x132: {  	[tilespmem:s4], [sflag:$0x1] =	stream.indirect_vreg.gather [hbm4b:s10+s2], $0x80, v4, vm0, $0xb8;
	[tilespmem:$0x10400] =	vst v63  }
0x133: {  	s4 =	simm.s32 $0x3C00  }
0x134: {  	[tilespmem:s4], [sflag:$0x1] =	stream.indirect_vreg.gather [hbm4b:s11+s2], $0x80, v4, vm0, $0xb8;
	[tilespmem:$0x10400] =	vst v63  }
0x135: {  	s4 =	simm.s32 $0x4400  }
0x136: {  	[tilespmem:s4], [sflag:$0x1] =	stream.indirect_vreg.gather [hbm4b:s3+s2], $0x80, v3, vm0, $0xb8;
	[tilespmem:$0x10400] =	vst v63  }
0x137: {  	s4 =	simm.s32 $0x4C00  }
0x138: {  	[tilespmem:s4], [sflag:$0x1] =	stream.indirect_vreg.gather [hbm4b:s5+s2], $0x80, v3, vm0, $0xb8;
	[tilespmem:$0x10400] =	vst v63  }
0x139: {  	s4 =	simm.s32 $0x5400  }
0x13a: {  	[tilespmem:s4], [sflag:$0x1] =	stream.indirect_vreg.gather [hbm4b:s6+s2], $0x80, v3, vm0, $0xb8;
	[tilespmem:$0x10400] =	vst v63  }
0x13b: {  	s4 =	simm.s32 $0x5C00  }
0x13c: {  	[tilespmem:s4], [sflag:$0x1] =	stream.indirect_vreg.gather [hbm4b:s7+s2], $0x80, v3, vm0, $0xb8;
	[tilespmem:$0x10400] =	vst v63  }
0x13d: {  	s4 =	simm.s32 $0x6400  }
0x13e: {  	[tilespmem:s4], [sflag:$0x1] =	stream.indirect_vreg.gather [hbm4b:s8+s2], $0x80, v3, vm0, $0xb8;
	[tilespmem:$0x10400] =	vst v63  }
0x13f: {  	s4 =	simm.s32 $0x6C00  }
0x140: {  	[tilespmem:s4], [sflag:$0x1] =	stream.indirect_vreg.gather [hbm4b:s9+s2], $0x80, v3, vm0, $0xb8;
	[tilespmem:$0x10400] =	vst v63  }
0x141: {  	s4 =	simm.s32 $0x7400  }
0x142: {  	[tilespmem:s4], [sflag:$0x1] =	stream.indirect_vreg.gather [hbm4b:s10+s2], $0x80, v3, vm0, $0xb8;
	[tilespmem:$0x10400] =	vst v63  }
0x143: {  	s4 =	simm.s32 $0x7C00  }
0x144: {  	[tilespmem:s4], [sflag:$0x1] =	stream.indirect_vreg.gather [hbm4b:s11+s2], $0x80, v3, vm0, $0xb8;
	[tilespmem:$0x10400] =	vst v63  }
0x145: {  	s1 =	rddreg [dreg:$0x8]  }
0x146: {  	[hbm4b:s1+s2] =	stream.linear.scatter [tilespmem:s0], [sflag:$0x4], $0x8000, $0x38;
	[tilespmem:$0x10400] =	vst v63  }
0x147: {  	_ =	swait.ge [sflag:s31], $0x8000  }
0x148: {  	[sflag:s31] =	ssyncset.done $0x0  }
0x149: {  	[sflag:s31] =	ssyncadd.s32 $0xFFFF8000  }
0x14a: {  	_ =	swait.ge [sflag:s30], $0x8000  }
0x14b: {  	[sflag:s30] =	ssyncset.done $0x0  }
0x14c: {  	[sflag:s30] =	ssyncadd.s32 $0xFFFF8000  }
0x14d: {  	v3 =	vld [tilespmem:$0x380];
	_ =	sdelay $0x4  }
0x14e: {  	v63 =	vshll.u32 v3, $0x4  }
0x14f: {  	v3 =	vand.u32 $0x7, v3;
	v4 =	vand.u32 $0xFFFFFF80, v63  }
0x150: {  	v3 =	vor.u32 v3, v4  }
0x151: {  	v4 =	vperm.xlane v3, v0;
	_ =	sdelay $0x1  }
0x152: {  	v4 =	vadd.s32 v1, v4;
	_ =	sdelay $0x4  }
0x153: {  	[tilespmem:s0], [sflag:$0x2] =	stream.indirect_vreg.gather [hbm4b:s3+s2], $0x80, v4, vm0, $0xb8;
	[tilespmem:$0x10400] =	vst v63  }
0x154: {  	s4 =	simm.s32 $0x8C00  }
0x155: {  	[tilespmem:s4], [sflag:$0x2] =	stream.indirect_vreg.gather [hbm4b:s5+s2], $0x80, v4, vm0, $0xb8;
	[tilespmem:$0x10400] =	vst v63  }
0x156: {  	s4 =	simm.s32 $0x9400  }
0x157: {  	[tilespmem:s4], [sflag:$0x2] =	stream.indirect_vreg.gather [hbm4b:s6+s2], $0x80, v4, vm0, $0xb8;
	[tilespmem:$0x10400] =	vst v63  }
0x158: {  	s13 =	simm.s32 $0x9C00  }
0x159: {  	[tilespmem:s13], [sflag:$0x2] =	stream.indirect_vreg.gather [hbm4b:s7+s2], $0x80, v4, vm0, $0xb8;
	[tilespmem:$0x10400] =	vst v63  }
0x15a: {  	s24 =	simm.s32 $0xA400  }
0x15b: {  	[tilespmem:s24], [sflag:$0x2] =	stream.indirect_vreg.gather [hbm4b:s8+s2], $0x80, v4, vm0, $0xb8;
	[tilespmem:$0x10400] =	vst v63  }
0x15c: {  	s25 =	simm.s32 $0xAC00;
	v3 =	vperm.xlane v3, v2  }
0x15d: {  	[tilespmem:s25], [sflag:$0x2] =	stream.indirect_vreg.gather [hbm4b:s9+s2], $0x80, v4, vm0, $0xb8;
	[tilespmem:$0x10400] =	vst v63  }
0x15e: {  	s15 =	simm.s32 $0xB400;
	v3 =	vadd.s32 v1, v3  }
0x15f: {  	[tilespmem:s15], [sflag:$0x2] =	stream.indirect_vreg.gather [hbm4b:s10+s2], $0x80, v4, vm0, $0xb8;
	[tilespmem:$0x10400] =	vst v63  }
0x160: {  	s16 =	simm.s32 $0xBC00  }
0x161: {  	[tilespmem:s16], [sflag:$0x2] =	stream.indirect_vreg.gather [hbm4b:s11+s2], $0x80, v4, vm0, $0xb8;
	[tilespmem:$0x10400] =	vst v63  }
0x162: {  	s17 =	simm.s32 $0xC400  }
0x163: {  	[tilespmem:s17], [sflag:$0x2] =	stream.indirect_vreg.gather [hbm4b:s3+s2], $0x80, v3, vm0, $0xb8;
	[tilespmem:$0x10400] =	vst v63  }
0x164: {  	s18 =	simm.s32 $0xCC00  }
0x165: {  	[tilespmem:s18], [sflag:$0x2] =	stream.indirect_vreg.gather [hbm4b:s5+s2], $0x80, v3, vm0, $0xb8;
	[tilespmem:$0x10400] =	vst v63  }
0x166: {  	s19 =	simm.s32 $0xD400  }
0x167: {  	[tilespmem:s19], [sflag:$0x2] =	stream.indirect_vreg.gather [hbm4b:s6+s2], $0x80, v3, vm0, $0xb8;
	[tilespmem:$0x10400] =	vst v63  }
0x168: {  	s20 =	simm.s32 $0xDC00  }
0x169: {  	[tilespmem:s20], [sflag:$0x2] =	stream.indirect_vreg.gather [hbm4b:s7+s2], $0x80, v3, vm0, $0xb8;
	[tilespmem:$0x10400] =	vst v63  }
0x16a: {  	s21 =	simm.s32 $0xE400  }
0x16b: {  	[tilespmem:s21], [sflag:$0x2] =	stream.indirect_vreg.gather [hbm4b:s8+s2], $0x80, v3, vm0, $0xb8;
	[tilespmem:$0x10400] =	vst v63  }
0x16c: {  	s22 =	simm.s32 $0xEC00  }
0x16d: {  	[tilespmem:s22], [sflag:$0x2] =	stream.indirect_vreg.gather [hbm4b:s9+s2], $0x80, v3, vm0, $0xb8;
	[tilespmem:$0x10400] =	vst v63  }
0x16e: {  	s23 =	simm.s32 $0xF400  }
0x16f: {  	[tilespmem:s23], [sflag:$0x2] =	stream.indirect_vreg.gather [hbm4b:s10+s2], $0x80, v3, vm0, $0xb8;
	[tilespmem:$0x10400] =	vst v63  }
0x170: {  	s26 =	simm.s32 $0xFC00  }
0x171: {  	[tilespmem:s26], [sflag:$0x2] =	stream.indirect_vreg.gather [hbm4b:s11+s2], $0x80, v3, vm0, $0xb8;
	[tilespmem:$0x10400] =	vst v63  }
0x172: {  	s25 =	rddreg [dreg:$0x9]  }
0x173: {  	[hbm4b:s25+s2] =	stream.linear.scatter [tilespmem:s14], [sflag:$0x3], $0x8000, $0x38;
	[tilespmem:$0x10400] =	vst v63  }
0x174: {  	_ =	swait.ge [sflag:s28], $0x8000  }
0x175: {  	[sflag:s28] =	ssyncset.done $0x0  }
0x176: {  	s26 =	rddreg [dreg:$0xa];
	[sflag:s28] =	ssyncadd.s32 $0xFFFF8000  }
0x177: {  	[hbm4b:s26+s2] =	stream.linear.scatter [tilespmem:s0], [sflag:$0x4], $0x8000, $0x38;
	[tilespmem:$0x10400] =	vst v63  }
0x178: {  	p0 =	sne.s32 s12, $0x1;
	_ =	swait.ge [sflag:s29], $0x8000  }
.Ltmp0:
0x179: {  	[sflag:s29] =	ssyncset.done $0x0;
	(pc) =	sbr.rel @p0 .LBB2_1-.Ltmp0, $4  }
0x17a: {  	[sflag:s29] =	ssyncadd.s32 $0xFFFF8000  }
0x17b: {  	_ =	swait.ge [sflag:s30], $0x8000  }
0x17c: {  	[sflag:s30] =	ssyncset.done $0x0  }
0x17d: {  	s12 =	sadd.s32 $0xFFFFFFFF, s12;
	[sflag:s30] =	ssyncadd.s32 $0xFFFF8000  }
0x17e: {  	_ =	sfence.sel $0x180000  }
0x17f: {  	[bflag:$0x0] =	sbarrier.arrive $0xFFFF  }
0x180: {  	_ =	strace $0x9000004A  }
0x181: {  	s0 =	stileid.u32;
	[bflag:$0x2] =	sbarrier.arrive $0xFFFF  }
0x182: {  	p0 =	sne.s32 s0, $0x0;
	s0 =	rddreg [dreg:$0x2]  }
0x183: {  	s0 =	sadd.s32 @!p0 $0x100000, s0  }
0x184: {  	[sflag:s0] =	ssyncadd.tile.s32 @!p0 $0x1;
	_ =	shalt  }
.Lfunc_end2:
_tile_overlayer_lowered:
.L_overlay_start_2:
0x185: {  	(tag) =	ssettag $0x2  }
0x186: {  	s0 =	rddreg [dreg:$0x0];
	s2 =	stileid.u32  }
0x187: {  	s1 =	rddreg [dreg:$0x1];
	p0 =	sne.s32 s2, $0x0  }
0x188: {  	s3 =	rddreg [dreg:$0x2];
	[bflag:$0x3] =	sbarrier.arrive $0xFFFF;
	s2 =	simm.s32 @!p0 $0x1C05  }
0x189: {  	[timem:s3], [sflag:s2] =	dma.local @!p0 [hbm:s0], s1  }
0x18a: {  	s0 =	simm.s32 @!p0 $0x5  }
0x18b: {  	_ =	swait.ge @!p0 [sflag:s0], s1  }
0x18c: {  	s1 =	ssub.s32 @!p0 $0x0, s1;
	[sflag:s0] =	ssyncset.done @!p0 $0x0  }
0x18d: {  	[sflag:s0] =	ssyncadd.s32 @!p0 s1  }
0x18e: {  	[bflag:$0x3] =	sbarrier.arrive $0xFFFF  }
0x18f: {  	_ =	shalt  }

</sc_bundles>
